<compile_context>
chip_gen: v7x
topology: tpu7x:2x2x1
jax: 0.10.2.dev20260603
libtpu: 0.0.44.dev20260713+nightly
codegen_flags: <defaults>
</compile_context>

<pallas_src>
import jax
import jax.numpy as jnp
from jax import lax
from jax.experimental import pallas as pl
from jax.experimental.pallas import tpu as pltpu
from jax.experimental.pallas import tpu_sc as plsc

B = 16384
F = 16
NC = 2
NS = 16
L = 16
NW = NC * NS
BPW = B // NW
NWAVE = BPW // L
NB = 1000064


def _fm_body(user_hbm, item_hbm, uembT_hbm, iembT_hbm, biasT_hbm, w0_hbm,
             out_hbm,
             idx_u, idx_i, ublk, iblk, bvals_u, bvals_i, w0_v, out_v,
             sp_bias, sem, sem_b):
    wid = lax.axis_index("s") * NC + lax.axis_index("c")
    base = wid * BPW
    sid = lax.axis_index("s")

    pltpu.sync_copy(user_hbm.at[pl.ds(base, BPW)], idx_u)
    pltpu.sync_copy(item_hbm.at[pl.ds(base, BPW)], idx_i)
    pltpu.sync_copy(w0_hbm, w0_v)

    @pl.when(sid == 0)
    def _():
        pltpu.sync_copy(biasT_hbm.at[0, pl.ds(0, NB)], sp_bias)
    plsc.subcore_barrier()

    bias_copies = []
    for j in range(BPW // 128):
        sl = pl.ds(j * 128, 128)
        bias_copies.append(pltpu.async_copy(sp_bias.at[idx_u.at[sl]], bvals_u.at[sl], sem_b))
        bias_copies.append(pltpu.async_copy(sp_bias.at[idx_i.at[sl]], bvals_i.at[sl], sem_b))
    for c in bias_copies:
        c.wait()

    w0vec = w0_v[...]
    mask127 = jnp.full((L,), 127, jnp.int32)

    def wave(w, carry):
        uvec = idx_u[pl.ds(w * L, L)]
        ivec = idx_i[pl.ds(w * L, L)]
        copies = []
        for j in range(L):
            ru = uvec[j]
            ri = ivec[j]
            rbu = pl.multiple_of(
                lax.shift_left(lax.shift_right_logical(ru, 7), 7), 128)
            rbi = pl.multiple_of(
                lax.shift_left(lax.shift_right_logical(ri, 7), 7), 128)
            copies.append(pltpu.async_copy(
                uembT_hbm.at[:, pl.ds(rbu, 128)], ublk.at[j], sem))
            copies.append(pltpu.async_copy(
                iembT_hbm.at[:, pl.ds(rbi, 128)], iblk.at[j], sem))
        for c in copies:
            c.wait()

        lanes_u = uvec & mask127
        lanes_i = ivec & mask127
        el = lax.iota(jnp.int32, L)
        acc = jnp.zeros((L,), jnp.float32)
        for f in range(F):
            fv = jnp.full((L,), f, jnp.int32)
            acc = acc + (plsc.load_gather(ublk, [el, fv, lanes_u])
                         * plsc.load_gather(iblk, [el, fv, lanes_i]))
        grow = w * L + el
        bu = plsc.load_gather(bvals_u, [grow])
        bi = plsc.load_gather(bvals_i, [grow])
        x = w0vec + bu + bi + acc
        out_v[pl.ds(w * L, L)] = 1.0 / (1.0 + jnp.exp(-x))
        return carry

    lax.fori_loop(0, NWAVE, wave, 0)
    pltpu.sync_copy(out_v, out_hbm.at[pl.ds(base, BPW)])


@jax.jit
def kernel(user, item, user_emb, item_emb, bias_table, w0):
    user1d = user.astype(jnp.int32)
    item1d = item.astype(jnp.int32)
    uembT = user_emb.T
    iembT = item_emb.T
    biasT = bias_table.T
    w0v = jnp.broadcast_to(w0.astype(jnp.float32), (L,))

    fn = pl.kernel(
        _fm_body,
        out_type=jax.ShapeDtypeStruct((B,), jnp.float32),
        mesh=plsc.VectorSubcoreMesh(
            core_axis_name="c", subcore_axis_name="s",
            num_cores=NC, num_subcores=NS),
        scratch_types=[
            pltpu.VMEM((BPW,), jnp.int32),
            pltpu.VMEM((BPW,), jnp.int32),
            pltpu.VMEM((L, F, 128), jnp.float32),
            pltpu.VMEM((L, F, 128), jnp.float32),
            pltpu.VMEM((BPW,), jnp.float32),
            pltpu.VMEM((BPW,), jnp.float32),
            pltpu.VMEM((L,), jnp.float32),
            pltpu.VMEM((BPW,), jnp.float32),
            pltpu.VMEM_SHARED((NB,), jnp.float32),
            pltpu.SemaphoreType.DMA,
            pltpu.SemaphoreType.DMA,
        ],
        compiler_params=pltpu.CompilerParams(needs_layout_passes=False),
    )
    return fn(user1d, item1d, uembT, iembT, biasT, w0v)

# --- scband reference (transcript-rebuilt; emitter-appended) ---
"""Pipeline reference for scband-fm-19207093748239 (READ-ONLY COPY).

The authoritative reference and input builder live on the scoring server;
editing this copy changes nothing except your own understanding.
"""

import jax, jax.numpy as jnp
import numpy as np

B = 16384
N_USERS = 1000000
N_ITEMS = 1000000
N_METADATA = 1000
N_FACTORS = 16
N_INPUT = N_USERS + N_ITEMS + N_METADATA  # use_metadata=False path adds n_metadata to n_input


def setup_inputs(seed: int = 0) -> dict:
    key = jax.random.key(seed)
    k1, k2, k3, k4, k5 = jax.random.split(key, 5)
    user = jax.random.randint(k1, (B,), 0, N_USERS)
    item = jax.random.randint(k2, (B,), 0, N_ITEMS)
    # ScaledEmbedding-style init: normal scaled by 1/n_factors
    user_emb = jax.random.normal(k3, (N_USERS, N_FACTORS), dtype=jnp.float32) / N_FACTORS
    item_emb = jax.random.normal(k4, (N_ITEMS, N_FACTORS), dtype=jnp.float32) / N_FACTORS
    bias_table = jax.random.normal(k5, (N_INPUT, 1), dtype=jnp.float32) * 0.01
    w0 = jnp.zeros((1,), dtype=jnp.float32)
    return {"user": user, "item": item, "user_emb": user_emb, "item_emb": item_emb, "bias_table": bias_table, "w0": w0}


def reference(user, item, user_emb, item_emb, bias_table, w0):
    n_factors = user_emb.shape[1]
    # gather embeddings (SparseCore-mappable)
    ue = jnp.take(user_emb, user, axis=0).reshape(user.shape[0], 1, n_factors)
    ie = jnp.take(item_emb, item, axis=0).reshape(item.shape[0], 1, n_factors)
    embedding = jnp.concatenate([ue, ie], axis=1)  # (B, 2, F)
    power_of_sum = jnp.sum(embedding, axis=1) ** 2  # (B, F)
    sum_of_power = jnp.sum(embedding ** 2, axis=1)  # (B, F)
    pairwise = jnp.sum(power_of_sum - sum_of_power, axis=1) * 0.5  # (B,)
    # faithful to original: both user and item index the SAME shared bias table
    bias_u = jnp.take(bias_table, user, axis=0)  # (B, 1)
    bias_i = jnp.take(bias_table, item, axis=0)  # (B, 1)
    bias = jnp.sum(bias_u + bias_i, axis=1)  # (B,)
    net = jax.nn.sigmoid(w0 + bias + pairwise)  # (B,) via broadcast of w0 (1,)
    return net

if __name__ == "__main__":
    import jax
    _d = setup_inputs()
    print(jax.jit(kernel)(*tuple(_d.values())))

</pallas_src>

<mosaic_0001>
#map = affine_map<(d0, d1) -> (0)>
#map1 = affine_map<(d0, d1) -> (0, 0)>
module attributes {stable_mosaic.version = 14 : i64} {
  func.func @_fm_body(%arg0: i32, %arg1: i32, %arg2: memref<16384xi32, #tpu.memory_space<hbm>>, %arg3: memref<16384xi32, #tpu.memory_space<hbm>>, %arg4: memref<16x1000000xf32, #tpu.memory_space<hbm>>, %arg5: memref<16x1000000xf32, #tpu.memory_space<hbm>>, %arg6: memref<1x2001000xf32, #tpu.memory_space<hbm>>, %arg7: memref<16xf32, #tpu.memory_space<hbm>>, %arg8: memref<16384xf32, #tpu.memory_space<hbm>>, %arg9: memref<512xi32, #tpu.memory_space<vmem>>, %arg10: memref<512xi32, #tpu.memory_space<vmem>>, %arg11: memref<16x16x128xf32, #tpu.memory_space<vmem>>, %arg12: memref<16x16x128xf32, #tpu.memory_space<vmem>>, %arg13: memref<512xf32, #tpu.memory_space<vmem>>, %arg14: memref<512xf32, #tpu.memory_space<vmem>>, %arg15: memref<16xf32, #tpu.memory_space<vmem>>, %arg16: memref<512xf32, #tpu.memory_space<vmem>>, %arg17: memref<1000064xf32, #tpu.memory_space<vmem_shared>>, %arg18: memref<!tpu.dma_semaphore, #tpu.memory_space<semaphore_mem>>, %arg19: memref<!tpu.dma_semaphore, #tpu.memory_space<semaphore_mem>>) attributes {dimension_semantics = [#tpu.dimension_semantics<core_parallel>, #tpu.dimension_semantics<subcore_parallel>], iteration_bounds = array<i64: 2, 16>, scalar_prefetch = 0 : i64, scratch_operands = 11 : i64, tpu.core_type = #tpu.core_type<sc_vector_subcore>, window_params = [{transform_indices = #map}, {transform_indices = #map}, {transform_indices = #map1}, {transform_indices = #map1}, {transform_indices = #map1}, {transform_indices = #map}, {transform_indices = #map}]} {
    %mul3A = arith.constant 2 : i32
    %mul3A_0 = arith.muli %arg1, %mul3A : i32
    %add3A = arith.addi %mul3A_0, %arg0 : i32
    %mul3A_1 = arith.constant 512 : i32
    %mul3A_2 = arith.muli %add3A, %mul3A_1 : i32
    "tpu.region"() ({
      %run_scoped3A = tpu.sem_alloc : memref<!tpu.dma_semaphore, #tpu.memory_space<semaphore_mem>>
      %dma_start3A_106 = tpu.memref_slice %arg2[%mul3A_2] : memref<16384xi32, #tpu.memory_space<hbm>> -> memref<512xi32, #tpu.memory_space<hbm>>
      %dma_start3A_107 = tpu.memref_slice %arg2[%mul3A_2] : memref<16384xi32, #tpu.memory_space<hbm>> -> memref<512xi32, #tpu.memory_space<hbm>>
      tpu.enqueue_dma source(%dma_start3A_107 : memref<512xi32, #tpu.memory_space<hbm>>) target(%arg9 : memref<512xi32, #tpu.memory_space<vmem>>) target_semaphore(%run_scoped3A : memref<!tpu.dma_semaphore, #tpu.memory_space<semaphore_mem>>)
      %dma_wait3A_108 = tpu.memref_slice %arg2[%mul3A_2] : memref<16384xi32, #tpu.memory_space<hbm>> -> memref<512xi32, #tpu.memory_space<hbm>>
      %dma_wait3A_109 = tpu.memref_slice %arg2[%mul3A_2] : memref<16384xi32, #tpu.memory_space<hbm>> -> memref<512xi32, #tpu.memory_space<hbm>>
      tpu.wait_dma2 semaphore(%run_scoped3A : memref<!tpu.dma_semaphore, #tpu.memory_space<semaphore_mem>>) src(%dma_wait3A_109 : memref<512xi32, #tpu.memory_space<hbm>>) dst(%arg9 : memref<512xi32, #tpu.memory_space<vmem>>)
      tpu.yield
    }) : () -> ()
    "tpu.region"() ({
      %run_scoped3A = tpu.sem_alloc : memref<!tpu.dma_semaphore, #tpu.memory_space<semaphore_mem>>
      %dma_start3A_106 = tpu.memref_slice %arg3[%mul3A_2] : memref<16384xi32, #tpu.memory_space<hbm>> -> memref<512xi32, #tpu.memory_space<hbm>>
      %dma_start3A_107 = tpu.memref_slice %arg3[%mul3A_2] : memref<16384xi32, #tpu.memory_space<hbm>> -> memref<512xi32, #tpu.memory_space<hbm>>
      tpu.enqueue_dma source(%dma_start3A_107 : memref<512xi32, #tpu.memory_space<hbm>>) target(%arg10 : memref<512xi32, #tpu.memory_space<vmem>>) target_semaphore(%run_scoped3A : memref<!tpu.dma_semaphore, #tpu.memory_space<semaphore_mem>>)
      %dma_wait3A_108 = tpu.memref_slice %arg3[%mul3A_2] : memref<16384xi32, #tpu.memory_space<hbm>> -> memref<512xi32, #tpu.memory_space<hbm>>
      %dma_wait3A_109 = tpu.memref_slice %arg3[%mul3A_2] : memref<16384xi32, #tpu.memory_space<hbm>> -> memref<512xi32, #tpu.memory_space<hbm>>
      tpu.wait_dma2 semaphore(%run_scoped3A : memref<!tpu.dma_semaphore, #tpu.memory_space<semaphore_mem>>) src(%dma_wait3A_109 : memref<512xi32, #tpu.memory_space<hbm>>) dst(%arg10 : memref<512xi32, #tpu.memory_space<vmem>>)
      tpu.yield
    }) : () -> ()
    "tpu.region"() ({
      %run_scoped3A = tpu.sem_alloc : memref<!tpu.dma_semaphore, #tpu.memory_space<semaphore_mem>>
      tpu.enqueue_dma source(%arg7 : memref<16xf32, #tpu.memory_space<hbm>>) target(%arg15 : memref<16xf32, #tpu.memory_space<vmem>>) target_semaphore(%run_scoped3A : memref<!tpu.dma_semaphore, #tpu.memory_space<semaphore_mem>>)
      tpu.wait_dma2 semaphore(%run_scoped3A : memref<!tpu.dma_semaphore, #tpu.memory_space<semaphore_mem>>) src(%arg7 : memref<16xf32, #tpu.memory_space<hbm>>) dst(%arg15 : memref<16xf32, #tpu.memory_space<vmem>>)
      tpu.yield
    }) : () -> ()
    %eq3A = arith.constant 0 : i32
    %eq3A_3 = arith.cmpi eq, %arg1, %eq3A : i32
    %convert_element_type3A = arith.extui %eq3A_3 : i1 to i32
    %cond3A = arith.constant 0 : i32
    %cond3A_4 = arith.cmpi ne, %convert_element_type3A, %cond3A : i32
    scf.if %cond3A_4 {
      %run_scoped3A = arith.constant 0 : i32
      "tpu.region"() ({
        %run_scoped3A_106 = tpu.sem_alloc : memref<!tpu.dma_semaphore, #tpu.memory_space<semaphore_mem>>
        %dma_start3A_107 = arith.constant 0 : i32
        %dma_start3A_108 = tpu.memref_slice %arg6[%run_scoped3A, %dma_start3A_107] : memref<1x2001000xf32, #tpu.memory_space<hbm>> -> memref<1x1000064xf32, #tpu.memory_space<hbm>>
        %dma_start3A_109 = tpu.memref_squeeze %dma_start3A_108 : memref<1x1000064xf32, #tpu.memory_space<hbm>> -> memref<1000064xf32, #tpu.memory_space<hbm>>
        tpu.enqueue_dma source(%dma_start3A_109 : memref<1000064xf32, #tpu.memory_space<hbm>>) target(%arg17 : memref<1000064xf32, #tpu.memory_space<vmem_shared>>) target_semaphore(%run_scoped3A_106 : memref<!tpu.dma_semaphore, #tpu.memory_space<semaphore_mem>>)
        %dma_wait3A_110 = arith.constant 0 : i32
        %dma_wait3A_111 = tpu.memref_slice %arg6[%run_scoped3A, %dma_wait3A_110] : memref<1x2001000xf32, #tpu.memory_space<hbm>> -> memref<1x1000064xf32, #tpu.memory_space<hbm>>
        %dma_wait3A_112 = tpu.memref_squeeze %dma_wait3A_111 : memref<1x1000064xf32, #tpu.memory_space<hbm>> -> memref<1000064xf32, #tpu.memory_space<hbm>>
        tpu.wait_dma2 semaphore(%run_scoped3A_106 : memref<!tpu.dma_semaphore, #tpu.memory_space<semaphore_mem>>) src(%dma_wait3A_112 : memref<1000064xf32, #tpu.memory_space<hbm>>) dst(%arg17 : memref<1000064xf32, #tpu.memory_space<vmem_shared>>)
        tpu.yield
      }) : () -> ()
    } else {
    }
    %barrier3A = arith.constant 0 : index
    tpu.barrier barrier_id(%barrier3A)
    %dma_start3A = arith.constant 0 : i32
    %dma_start3A_5 = tpu.memref_slice %arg13[%dma_start3A] : memref<512xf32, #tpu.memory_space<vmem>> -> memref<128xf32, #tpu.memory_space<vmem>>
    %dma_start3A_6 = arith.constant 0 : i32
    %dma_start3A_7 = tpu.memref_slice %arg9[%dma_start3A_6] : memref<512xi32, #tpu.memory_space<vmem>> -> memref<128xi32, #tpu.memory_space<vmem>>
    %dma_start3A_8 = arith.constant 0 : i32
    %dma_start3A_9 = tpu.memref_slice %arg17[%dma_start3A_8] : memref<1000064xf32, #tpu.memory_space<vmem_shared>> -> memref<1000064xf32, #tpu.memory_space<vmem_shared>>
    tpu.enqueue_indirect_dma source(%dma_start3A_9 : memref<1000064xf32, #tpu.memory_space<vmem_shared>>) target(%dma_start3A_5 : memref<128xf32, #tpu.memory_space<vmem>>) offsets(%dma_start3A_7 : memref<128xi32, #tpu.memory_space<vmem>>) semaphore(%arg19 : memref<!tpu.dma_semaphore, #tpu.memory_space<semaphore_mem>>)
    %dma_start3A_10 = arith.constant 0 : i32
    %dma_start3A_11 = tpu.memref_slice %arg14[%dma_start3A_10] : memref<512xf32, #tpu.memory_space<vmem>> -> memref<128xf32, #tpu.memory_space<vmem>>
    %dma_start3A_12 = arith.constant 0 : i32
    %dma_start3A_13 = tpu.memref_slice %arg10[%dma_start3A_12] : memref<512xi32, #tpu.memory_space<vmem>> -> memref<128xi32, #tpu.memory_space<vmem>>
    %dma_start3A_14 = arith.constant 0 : i32
    %dma_start3A_15 = tpu.memref_slice %arg17[%dma_start3A_14] : memref<1000064xf32, #tpu.memory_space<vmem_shared>> -> memref<1000064xf32, #tpu.memory_space<vmem_shared>>
    tpu.enqueue_indirect_dma source(%dma_start3A_15 : memref<1000064xf32, #tpu.memory_space<vmem_shared>>) target(%dma_start3A_11 : memref<128xf32, #tpu.memory_space<vmem>>) offsets(%dma_start3A_13 : memref<128xi32, #tpu.memory_space<vmem>>) semaphore(%arg19 : memref<!tpu.dma_semaphore, #tpu.memory_space<semaphore_mem>>)
    %dma_start3A_16 = arith.constant 128 : i32
    %dma_start3A_17 = tpu.memref_slice %arg13[%dma_start3A_16] : memref<512xf32, #tpu.memory_space<vmem>> -> memref<128xf32, #tpu.memory_space<vmem>>
    %dma_start3A_18 = arith.constant 128 : i32
    %dma_start3A_19 = tpu.memref_slice %arg9[%dma_start3A_18] : memref<512xi32, #tpu.memory_space<vmem>> -> memref<128xi32, #tpu.memory_space<vmem>>
    %dma_start3A_20 = arith.constant 0 : i32
    %dma_start3A_21 = tpu.memref_slice %arg17[%dma_start3A_20] : memref<1000064xf32, #tpu.memory_space<vmem_shared>> -> memref<1000064xf32, #tpu.memory_space<vmem_shared>>
    tpu.enqueue_indirect_dma source(%dma_start3A_21 : memref<1000064xf32, #tpu.memory_space<vmem_shared>>) target(%dma_start3A_17 : memref<128xf32, #tpu.memory_space<vmem>>) offsets(%dma_start3A_19 : memref<128xi32, #tpu.memory_space<vmem>>) semaphore(%arg19 : memref<!tpu.dma_semaphore, #tpu.memory_space<semaphore_mem>>)
    %dma_start3A_22 = arith.constant 128 : i32
    %dma_start3A_23 = tpu.memref_slice %arg14[%dma_start3A_22] : memref<512xf32, #tpu.memory_space<vmem>> -> memref<128xf32, #tpu.memory_space<vmem>>
    %dma_start3A_24 = arith.constant 128 : i32
    %dma_start3A_25 = tpu.memref_slice %arg10[%dma_start3A_24] : memref<512xi32, #tpu.memory_space<vmem>> -> memref<128xi32, #tpu.memory_space<vmem>>
    %dma_start3A_26 = arith.constant 0 : i32
    %dma_start3A_27 = tpu.memref_slice %arg17[%dma_start3A_26] : memref<1000064xf32, #tpu.memory_space<vmem_shared>> -> memref<1000064xf32, #tpu.memory_space<vmem_shared>>
    tpu.enqueue_indirect_dma source(%dma_start3A_27 : memref<1000064xf32, #tpu.memory_space<vmem_shared>>) target(%dma_start3A_23 : memref<128xf32, #tpu.memory_space<vmem>>) offsets(%dma_start3A_25 : memref<128xi32, #tpu.memory_space<vmem>>) semaphore(%arg19 : memref<!tpu.dma_semaphore, #tpu.memory_space<semaphore_mem>>)
    %dma_start3A_28 = arith.constant 256 : i32
    %dma_start3A_29 = tpu.memref_slice %arg13[%dma_start3A_28] : memref<512xf32, #tpu.memory_space<vmem>> -> memref<128xf32, #tpu.memory_space<vmem>>
    %dma_start3A_30 = arith.constant 256 : i32
    %dma_start3A_31 = tpu.memref_slice %arg9[%dma_start3A_30] : memref<512xi32, #tpu.memory_space<vmem>> -> memref<128xi32, #tpu.memory_space<vmem>>
    %dma_start3A_32 = arith.constant 0 : i32
    %dma_start3A_33 = tpu.memref_slice %arg17[%dma_start3A_32] : memref<1000064xf32, #tpu.memory_space<vmem_shared>> -> memref<1000064xf32, #tpu.memory_space<vmem_shared>>
    tpu.enqueue_indirect_dma source(%dma_start3A_33 : memref<1000064xf32, #tpu.memory_space<vmem_shared>>) target(%dma_start3A_29 : memref<128xf32, #tpu.memory_space<vmem>>) offsets(%dma_start3A_31 : memref<128xi32, #tpu.memory_space<vmem>>) semaphore(%arg19 : memref<!tpu.dma_semaphore, #tpu.memory_space<semaphore_mem>>)
    %dma_start3A_34 = arith.constant 256 : i32
    %dma_start3A_35 = tpu.memref_slice %arg14[%dma_start3A_34] : memref<512xf32, #tpu.memory_space<vmem>> -> memref<128xf32, #tpu.memory_space<vmem>>
    %dma_start3A_36 = arith.constant 256 : i32
    %dma_start3A_37 = tpu.memref_slice %arg10[%dma_start3A_36] : memref<512xi32, #tpu.memory_space<vmem>> -> memref<128xi32, #tpu.memory_space<vmem>>
    %dma_start3A_38 = arith.constant 0 : i32
    %dma_start3A_39 = tpu.memref_slice %arg17[%dma_start3A_38] : memref<1000064xf32, #tpu.memory_space<vmem_shared>> -> memref<1000064xf32, #tpu.memory_space<vmem_shared>>
    tpu.enqueue_indirect_dma source(%dma_start3A_39 : memref<1000064xf32, #tpu.memory_space<vmem_shared>>) target(%dma_start3A_35 : memref<128xf32, #tpu.memory_space<vmem>>) offsets(%dma_start3A_37 : memref<128xi32, #tpu.memory_space<vmem>>) semaphore(%arg19 : memref<!tpu.dma_semaphore, #tpu.memory_space<semaphore_mem>>)
    %dma_start3A_40 = arith.constant 384 : i32
    %dma_start3A_41 = tpu.memref_slice %arg13[%dma_start3A_40] : memref<512xf32, #tpu.memory_space<vmem>> -> memref<128xf32, #tpu.memory_space<vmem>>
    %dma_start3A_42 = arith.constant 384 : i32
    %dma_start3A_43 = tpu.memref_slice %arg9[%dma_start3A_42] : memref<512xi32, #tpu.memory_space<vmem>> -> memref<128xi32, #tpu.memory_space<vmem>>
    %dma_start3A_44 = arith.constant 0 : i32
    %dma_start3A_45 = tpu.memref_slice %arg17[%dma_start3A_44] : memref<1000064xf32, #tpu.memory_space<vmem_shared>> -> memref<1000064xf32, #tpu.memory_space<vmem_shared>>
    tpu.enqueue_indirect_dma source(%dma_start3A_45 : memref<1000064xf32, #tpu.memory_space<vmem_shared>>) target(%dma_start3A_41 : memref<128xf32, #tpu.memory_space<vmem>>) offsets(%dma_start3A_43 : memref<128xi32, #tpu.memory_space<vmem>>) semaphore(%arg19 : memref<!tpu.dma_semaphore, #tpu.memory_space<semaphore_mem>>)
    %dma_start3A_46 = arith.constant 384 : i32
    %dma_start3A_47 = tpu.memref_slice %arg14[%dma_start3A_46] : memref<512xf32, #tpu.memory_space<vmem>> -> memref<128xf32, #tpu.memory_space<vmem>>
    %dma_start3A_48 = arith.constant 384 : i32
    %dma_start3A_49 = tpu.memref_slice %arg10[%dma_start3A_48] : memref<512xi32, #tpu.memory_space<vmem>> -> memref<128xi32, #tpu.memory_space<vmem>>
    %dma_start3A_50 = arith.constant 0 : i32
    %dma_start3A_51 = tpu.memref_slice %arg17[%dma_start3A_50] : memref<1000064xf32, #tpu.memory_space<vmem_shared>> -> memref<1000064xf32, #tpu.memory_space<vmem_shared>>
    tpu.enqueue_indirect_dma source(%dma_start3A_51 : memref<1000064xf32, #tpu.memory_space<vmem_shared>>) target(%dma_start3A_47 : memref<128xf32, #tpu.memory_space<vmem>>) offsets(%dma_start3A_49 : memref<128xi32, #tpu.memory_space<vmem>>) semaphore(%arg19 : memref<!tpu.dma_semaphore, #tpu.memory_space<semaphore_mem>>)
    %dma_wait3A = arith.constant 0 : i32
    %dma_wait3A_52 = tpu.memref_slice %arg13[%dma_wait3A] : memref<512xf32, #tpu.memory_space<vmem>> -> memref<128xf32, #tpu.memory_space<vmem>>
    %dma_wait3A_53 = arith.constant 0 : i32
    %dma_wait3A_54 = tpu.memref_slice %arg9[%dma_wait3A_53] : memref<512xi32, #tpu.memory_space<vmem>> -> memref<128xi32, #tpu.memory_space<vmem>>
    %dma_wait3A_55 = arith.constant 0 : i32
    %dma_wait3A_56 = tpu.memref_slice %arg17[%dma_wait3A_55] : memref<1000064xf32, #tpu.memory_space<vmem_shared>> -> memref<1000064xf32, #tpu.memory_space<vmem_shared>>
    tpu.wait_indirect_dma semaphore(%arg19 : memref<!tpu.dma_semaphore, #tpu.memory_space<semaphore_mem>>) src(%dma_wait3A_56 : memref<1000064xf32, #tpu.memory_space<vmem_shared>>) dst(%dma_wait3A_52 : memref<128xf32, #tpu.memory_space<vmem>>)
    %dma_wait3A_57 = arith.constant 0 : i32
    %dma_wait3A_58 = tpu.memref_slice %arg14[%dma_wait3A_57] : memref<512xf32, #tpu.memory_space<vmem>> -> memref<128xf32, #tpu.memory_space<vmem>>
    %dma_wait3A_59 = arith.constant 0 : i32
    %dma_wait3A_60 = tpu.memref_slice %arg10[%dma_wait3A_59] : memref<512xi32, #tpu.memory_space<vmem>> -> memref<128xi32, #tpu.memory_space<vmem>>
    %dma_wait3A_61 = arith.constant 0 : i32
    %dma_wait3A_62 = tpu.memref_slice %arg17[%dma_wait3A_61] : memref<1000064xf32, #tpu.memory_space<vmem_shared>> -> memref<1000064xf32, #tpu.memory_space<vmem_shared>>
    tpu.wait_indirect_dma semaphore(%arg19 : memref<!tpu.dma_semaphore, #tpu.memory_space<semaphore_mem>>) src(%dma_wait3A_62 : memref<1000064xf32, #tpu.memory_space<vmem_shared>>) dst(%dma_wait3A_58 : memref<128xf32, #tpu.memory_space<vmem>>)
    %dma_wait3A_63 = arith.constant 128 : i32
    %dma_wait3A_64 = tpu.memref_slice %arg13[%dma_wait3A_63] : memref<512xf32, #tpu.memory_space<vmem>> -> memref<128xf32, #tpu.memory_space<vmem>>
    %dma_wait3A_65 = arith.constant 128 : i32
    %dma_wait3A_66 = tpu.memref_slice %arg9[%dma_wait3A_65] : memref<512xi32, #tpu.memory_space<vmem>> -> memref<128xi32, #tpu.memory_space<vmem>>
    %dma_wait3A_67 = arith.constant 0 : i32
    %dma_wait3A_68 = tpu.memref_slice %arg17[%dma_wait3A_67] : memref<1000064xf32, #tpu.memory_space<vmem_shared>> -> memref<1000064xf32, #tpu.memory_space<vmem_shared>>
    tpu.wait_indirect_dma semaphore(%arg19 : memref<!tpu.dma_semaphore, #tpu.memory_space<semaphore_mem>>) src(%dma_wait3A_68 : memref<1000064xf32, #tpu.memory_space<vmem_shared>>) dst(%dma_wait3A_64 : memref<128xf32, #tpu.memory_space<vmem>>)
    %dma_wait3A_69 = arith.constant 128 : i32
    %dma_wait3A_70 = tpu.memref_slice %arg14[%dma_wait3A_69] : memref<512xf32, #tpu.memory_space<vmem>> -> memref<128xf32, #tpu.memory_space<vmem>>
    %dma_wait3A_71 = arith.constant 128 : i32
    %dma_wait3A_72 = tpu.memref_slice %arg10[%dma_wait3A_71] : memref<512xi32, #tpu.memory_space<vmem>> -> memref<128xi32, #tpu.memory_space<vmem>>
    %dma_wait3A_73 = arith.constant 0 : i32
    %dma_wait3A_74 = tpu.memref_slice %arg17[%dma_wait3A_73] : memref<1000064xf32, #tpu.memory_space<vmem_shared>> -> memref<1000064xf32, #tpu.memory_space<vmem_shared>>
    tpu.wait_indirect_dma semaphore(%arg19 : memref<!tpu.dma_semaphore, #tpu.memory_space<semaphore_mem>>) src(%dma_wait3A_74 : memref<1000064xf32, #tpu.memory_space<vmem_shared>>) dst(%dma_wait3A_70 : memref<128xf32, #tpu.memory_space<vmem>>)
    %dma_wait3A_75 = arith.constant 256 : i32
    %dma_wait3A_76 = tpu.memref_slice %arg13[%dma_wait3A_75] : memref<512xf32, #tpu.memory_space<vmem>> -> memref<128xf32, #tpu.memory_space<vmem>>
    %dma_wait3A_77 = arith.constant 256 : i32
    %dma_wait3A_78 = tpu.memref_slice %arg9[%dma_wait3A_77] : memref<512xi32, #tpu.memory_space<vmem>> -> memref<128xi32, #tpu.memory_space<vmem>>
    %dma_wait3A_79 = arith.constant 0 : i32
    %dma_wait3A_80 = tpu.memref_slice %arg17[%dma_wait3A_79] : memref<1000064xf32, #tpu.memory_space<vmem_shared>> -> memref<1000064xf32, #tpu.memory_space<vmem_shared>>
    tpu.wait_indirect_dma semaphore(%arg19 : memref<!tpu.dma_semaphore, #tpu.memory_space<semaphore_mem>>) src(%dma_wait3A_80 : memref<1000064xf32, #tpu.memory_space<vmem_shared>>) dst(%dma_wait3A_76 : memref<128xf32, #tpu.memory_space<vmem>>)
    %dma_wait3A_81 = arith.constant 256 : i32
    %dma_wait3A_82 = tpu.memref_slice %arg14[%dma_wait3A_81] : memref<512xf32, #tpu.memory_space<vmem>> -> memref<128xf32, #tpu.memory_space<vmem>>
    %dma_wait3A_83 = arith.constant 256 : i32
    %dma_wait3A_84 = tpu.memref_slice %arg10[%dma_wait3A_83] : memref<512xi32, #tpu.memory_space<vmem>> -> memref<128xi32, #tpu.memory_space<vmem>>
    %dma_wait3A_85 = arith.constant 0 : i32
    %dma_wait3A_86 = tpu.memref_slice %arg17[%dma_wait3A_85] : memref<1000064xf32, #tpu.memory_space<vmem_shared>> -> memref<1000064xf32, #tpu.memory_space<vmem_shared>>
    tpu.wait_indirect_dma semaphore(%arg19 : memref<!tpu.dma_semaphore, #tpu.memory_space<semaphore_mem>>) src(%dma_wait3A_86 : memref<1000064xf32, #tpu.memory_space<vmem_shared>>) dst(%dma_wait3A_82 : memref<128xf32, #tpu.memory_space<vmem>>)
    %dma_wait3A_87 = arith.constant 384 : i32
    %dma_wait3A_88 = tpu.memref_slice %arg13[%dma_wait3A_87] : memref<512xf32, #tpu.memory_space<vmem>> -> memref<128xf32, #tpu.memory_space<vmem>>
    %dma_wait3A_89 = arith.constant 384 : i32
    %dma_wait3A_90 = tpu.memref_slice %arg9[%dma_wait3A_89] : memref<512xi32, #tpu.memory_space<vmem>> -> memref<128xi32, #tpu.memory_space<vmem>>
    %dma_wait3A_91 = arith.constant 0 : i32
    %dma_wait3A_92 = tpu.memref_slice %arg17[%dma_wait3A_91] : memref<1000064xf32, #tpu.memory_space<vmem_shared>> -> memref<1000064xf32, #tpu.memory_space<vmem_shared>>
    tpu.wait_indirect_dma semaphore(%arg19 : memref<!tpu.dma_semaphore, #tpu.memory_space<semaphore_mem>>) src(%dma_wait3A_92 : memref<1000064xf32, #tpu.memory_space<vmem_shared>>) dst(%dma_wait3A_88 : memref<128xf32, #tpu.memory_space<vmem>>)
    %dma_wait3A_93 = arith.constant 384 : i32
    %dma_wait3A_94 = tpu.memref_slice %arg14[%dma_wait3A_93] : memref<512xf32, #tpu.memory_space<vmem>> -> memref<128xf32, #tpu.memory_space<vmem>>
    %dma_wait3A_95 = arith.constant 384 : i32
    %dma_wait3A_96 = tpu.memref_slice %arg10[%dma_wait3A_95] : memref<512xi32, #tpu.memory_space<vmem>> -> memref<128xi32, #tpu.memory_space<vmem>>
    %dma_wait3A_97 = arith.constant 0 : i32
    %dma_wait3A_98 = tpu.memref_slice %arg17[%dma_wait3A_97] : memref<1000064xf32, #tpu.memory_space<vmem_shared>> -> memref<1000064xf32, #tpu.memory_space<vmem_shared>>
    tpu.wait_indirect_dma semaphore(%arg19 : memref<!tpu.dma_semaphore, #tpu.memory_space<semaphore_mem>>) src(%dma_wait3A_98 : memref<1000064xf32, #tpu.memory_space<vmem_shared>>) dst(%dma_wait3A_94 : memref<128xf32, #tpu.memory_space<vmem>>)
    %get3A = arith.constant 0 : index
    %get3A_99 = tpu.vector_load %arg15[%get3A] {strides = array<i32>} : memref<16xf32, #tpu.memory_space<vmem>>, vector<16xf32>,
    %broadcast_in_dim3A = arith.constant 127 : i32
    %broadcast_in_dim3A_100 = vector.broadcast %broadcast_in_dim3A : i32 to vector<16xi32>
    %scan3A = arith.constant 0 : i32
    %scan3A_101 = arith.constant 0 : i32
    %scan3A_102 = arith.constant 32 : i32
    %scan3A_103 = arith.addi %scan3A_101, %scan3A_102 : i32
    %scan3A_104 = arith.constant 1 : i32
    scf.for %scan3A_106 = %scan3A_101 to %scan3A_103 step %scan3A_104  : i32 {
      %mul3A_107 = arith.constant 16 : i32
      %mul3A_108 = arith.muli %scan3A_106, %mul3A_107 : i32
      %get3A_109 = arith.index_cast %mul3A_108 : i32 to index
      %get3A_110 = tpu.vector_load %arg9[%get3A_109] {strides = array<i32>} : memref<512xi32, #tpu.memory_space<vmem>>, vector<16xi32>,
      %mul3A_111 = arith.constant 16 : i32
      %mul3A_112 = arith.muli %scan3A_106, %mul3A_111 : i32
      %get3A_113 = arith.index_cast %mul3A_112 : i32 to index
      %get3A_114 = tpu.vector_load %arg10[%get3A_113] {strides = array<i32>} : memref<512xi32, #tpu.memory_space<vmem>>, vector<16xi32>,
      %slice3A = vector.extract_strided_slice %get3A_110 {offsets = [0], sizes = [1], strides = [1]} : vector<16xi32> to vector<1xi32>
      %squeeze3A = vector.extract %slice3A[0] : i32 from vector<1xi32>
      %slice3A_115 = vector.extract_strided_slice %get3A_114 {offsets = [0], sizes = [1], strides = [1]} : vector<16xi32> to vector<1xi32>
      %squeeze3A_116 = vector.extract %slice3A_115[0] : i32 from vector<1xi32>
      %shift_right_logical3A = arith.constant 7 : i32
      %shift_right_logical3A_117 = arith.shrui %squeeze3A, %shift_right_logical3A : i32
      %shift_left3A = arith.constant 7 : i32
      %shift_left3A_118 = arith.shli %shift_right_logical3A_117, %shift_left3A : i32
      %multiple_of3A = tpu.assume_multiple %shift_left3A_118, 128 : i32
      %shift_right_logical3A_119 = arith.constant 7 : i32
      %shift_right_logical3A_120 = arith.shrui %squeeze3A_116, %shift_right_logical3A_119 : i32
      %shift_left3A_121 = arith.constant 7 : i32
      %shift_left3A_122 = arith.shli %shift_right_logical3A_120, %shift_left3A_121 : i32
      %multiple_of3A_123 = tpu.assume_multiple %shift_left3A_122, 128 : i32
      %dma_start3A_124 = arith.constant 0 : i32
      %dma_start3A_125 = arith.constant 0 : i32
      %dma_start3A_126 = arith.constant 0 : i32
      %dma_start3A_127 = tpu.memref_slice %arg11[%dma_start3A_124, %dma_start3A_125, %dma_start3A_126] : memref<16x16x128xf32, #tpu.memory_space<vmem>> -> memref<1x16x128xf32, #tpu.memory_space<vmem>>
      %dma_start3A_128 = tpu.memref_squeeze %dma_start3A_127 : memref<1x16x128xf32, #tpu.memory_space<vmem>> -> memref<16x128xf32, #tpu.memory_space<vmem>>
      %dma_start3A_129 = arith.constant 0 : i32
      %dma_start3A_130 = tpu.memref_slice %arg4[%dma_start3A_129, %multiple_of3A] : memref<16x1000000xf32, #tpu.memory_space<hbm>> -> memref<16x128xf32, #tpu.memory_space<hbm>>
      %dma_start3A_131 = arith.constant 0 : i32
      %dma_start3A_132 = arith.constant 0 : i32
      %dma_start3A_133 = tpu.memref_slice %arg11[%dma_start3A_124, %dma_start3A_131, %dma_start3A_132] : memref<16x16x128xf32, #tpu.memory_space<vmem>> -> memref<1x16x128xf32, #tpu.memory_space<vmem>>
      %dma_start3A_134 = tpu.memref_squeeze %dma_start3A_133 : memref<1x16x128xf32, #tpu.memory_space<vmem>> -> memref<16x128xf32, #tpu.memory_space<vmem>>
      %dma_start3A_135 = arith.constant 0 : i32
      %dma_start3A_136 = tpu.memref_slice %arg4[%dma_start3A_135, %multiple_of3A] : memref<16x1000000xf32, #tpu.memory_space<hbm>> -> memref<16x128xf32, #tpu.memory_space<hbm>>
      tpu.enqueue_dma source(%dma_start3A_136 : memref<16x128xf32, #tpu.memory_space<hbm>>) target(%dma_start3A_134 : memref<16x128xf32, #tpu.memory_space<vmem>>) target_semaphore(%arg18 : memref<!tpu.dma_semaphore, #tpu.memory_space<semaphore_mem>>)
      %dma_start3A_137 = arith.constant 0 : i32
      %dma_start3A_138 = arith.constant 0 : i32
      %dma_start3A_139 = arith.constant 0 : i32
      %dma_start3A_140 = tpu.memref_slice %arg12[%dma_start3A_137, %dma_start3A_138, %dma_start3A_139] : memref<16x16x128xf32, #tpu.memory_space<vmem>> -> memref<1x16x128xf32, #tpu.memory_space<vmem>>
      %dma_start3A_141 = tpu.memref_squeeze %dma_start3A_140 : memref<1x16x128xf32, #tpu.memory_space<vmem>> -> memref<16x128xf32, #tpu.memory_space<vmem>>
      %dma_start3A_142 = arith.constant 0 : i32
      %dma_start3A_143 = tpu.memref_slice %arg5[%dma_start3A_142, %multiple_of3A_123] : memref<16x1000000xf32, #tpu.memory_space<hbm>> -> memref<16x128xf32, #tpu.memory_space<hbm>>
      %dma_start3A_144 = arith.constant 0 : i32
      %dma_start3A_145 = arith.constant 0 : i32
      %dma_start3A_146 = tpu.memref_slice %arg12[%dma_start3A_137, %dma_start3A_144, %dma_start3A_145] : memref<16x16x128xf32, #tpu.memory_space<vmem>> -> memref<1x16x128xf32, #tpu.memory_space<vmem>>
      %dma_start3A_147 = tpu.memref_squeeze %dma_start3A_146 : memref<1x16x128xf32, #tpu.memory_space<vmem>> -> memref<16x128xf32, #tpu.memory_space<vmem>>
      %dma_start3A_148 = arith.constant 0 : i32
      %dma_start3A_149 = tpu.memref_slice %arg5[%dma_start3A_148, %multiple_of3A_123] : memref<16x1000000xf32, #tpu.memory_space<hbm>> -> memref<16x128xf32, #tpu.memory_space<hbm>>
      tpu.enqueue_dma source(%dma_start3A_149 : memref<16x128xf32, #tpu.memory_space<hbm>>) target(%dma_start3A_147 : memref<16x128xf32, #tpu.memory_space<vmem>>) target_semaphore(%arg18 : memref<!tpu.dma_semaphore, #tpu.memory_space<semaphore_mem>>)
      %slice3A_150 = vector.extract_strided_slice %get3A_110 {offsets = [1], sizes = [1], strides = [1]} : vector<16xi32> to vector<1xi32>
      %squeeze3A_151 = vector.extract %slice3A_150[0] : i32 from vector<1xi32>
      %slice3A_152 = vector.extract_strided_slice %get3A_114 {offsets = [1], sizes = [1], strides = [1]} : vector<16xi32> to vector<1xi32>
      %squeeze3A_153 = vector.extract %slice3A_152[0] : i32 from vector<1xi32>
      %shift_right_logical3A_154 = arith.constant 7 : i32
      %shift_right_logical3A_155 = arith.shrui %squeeze3A_151, %shift_right_logical3A_154 : i32
      %shift_left3A_156 = arith.constant 7 : i32
      %shift_left3A_157 = arith.shli %shift_right_logical3A_155, %shift_left3A_156 : i32
      %multiple_of3A_158 = tpu.assume_multiple %shift_left3A_157, 128 : i32
      %shift_right_logical3A_159 = arith.constant 7 : i32
      %shift_right_logical3A_160 = arith.shrui %squeeze3A_153, %shift_right_logical3A_159 : i32
      %shift_left3A_161 = arith.constant 7 : i32
      %shift_left3A_162 = arith.shli %shift_right_logical3A_160, %shift_left3A_161 : i32
      %multiple_of3A_163 = tpu.assume_multiple %shift_left3A_162, 128 : i32
      %dma_start3A_164 = arith.constant 1 : i32
      %dma_start3A_165 = arith.constant 0 : i32
      %dma_start3A_166 = arith.constant 0 : i32
      %dma_start3A_167 = tpu.memref_slice %arg11[%dma_start3A_164, %dma_start3A_165, %dma_start3A_166] : memref<16x16x128xf32, #tpu.memory_space<vmem>> -> memref<1x16x128xf32, #tpu.memory_space<vmem>>
      %dma_start3A_168 = tpu.memref_squeeze %dma_start3A_167 : memref<1x16x128xf32, #tpu.memory_space<vmem>> -> memref<16x128xf32, #tpu.memory_space<vmem>>
      %dma_start3A_169 = arith.constant 0 : i32
      %dma_start3A_170 = tpu.memref_slice %arg4[%dma_start3A_169, %multiple_of3A_158] : memref<16x1000000xf32, #tpu.memory_space<hbm>> -> memref<16x128xf32, #tpu.memory_space<hbm>>
      %dma_start3A_171 = arith.constant 0 : i32
      %dma_start3A_172 = arith.constant 0 : i32
      %dma_start3A_173 = tpu.memref_slice %arg11[%dma_start3A_164, %dma_start3A_171, %dma_start3A_172] : memref<16x16x128xf32, #tpu.memory_space<vmem>> -> memref<1x16x128xf32, #tpu.memory_space<vmem>>
      %dma_start3A_174 = tpu.memref_squeeze %dma_start3A_173 : memref<1x16x128xf32, #tpu.memory_space<vmem>> -> memref<16x128xf32, #tpu.memory_space<vmem>>
      %dma_start3A_175 = arith.constant 0 : i32
      %dma_start3A_176 = tpu.memref_slice %arg4[%dma_start3A_175, %multiple_of3A_158] : memref<16x1000000xf32, #tpu.memory_space<hbm>> -> memref<16x128xf32, #tpu.memory_space<hbm>>
      tpu.enqueue_dma source(%dma_start3A_176 : memref<16x128xf32, #tpu.memory_space<hbm>>) target(%dma_start3A_174 : memref<16x128xf32, #tpu.memory_space<vmem>>) target_semaphore(%arg18 : memref<!tpu.dma_semaphore, #tpu.memory_space<semaphore_mem>>)
      %dma_start3A_177 = arith.constant 1 : i32
      %dma_start3A_178 = arith.constant 0 : i32
      %dma_start3A_179 = arith.constant 0 : i32
      %dma_start3A_180 = tpu.memref_slice %arg12[%dma_start3A_177, %dma_start3A_178, %dma_start3A_179] : memref<16x16x128xf32, #tpu.memory_space<vmem>> -> memref<1x16x128xf32, #tpu.memory_space<vmem>>
      %dma_start3A_181 = tpu.memref_squeeze %dma_start3A_180 : memref<1x16x128xf32, #tpu.memory_space<vmem>> -> memref<16x128xf32, #tpu.memory_space<vmem>>
      %dma_start3A_182 = arith.constant 0 : i32
      %dma_start3A_183 = tpu.memref_slice %arg5[%dma_start3A_182, %multiple_of3A_163] : memref<16x1000000xf32, #tpu.memory_space<hbm>> -> memref<16x128xf32, #tpu.memory_space<hbm>>
      %dma_start3A_184 = arith.constant 0 : i32
      %dma_start3A_185 = arith.constant 0 : i32
      %dma_start3A_186 = tpu.memref_slice %arg12[%dma_start3A_177, %dma_start3A_184, %dma_start3A_185] : memref<16x16x128xf32, #tpu.memory_space<vmem>> -> memref<1x16x128xf32, #tpu.memory_space<vmem>>
      %dma_start3A_187 = tpu.memref_squeeze %dma_start3A_186 : memref<1x16x128xf32, #tpu.memory_space<vmem>> -> memref<16x128xf32, #tpu.memory_space<vmem>>
      %dma_start3A_188 = arith.constant 0 : i32
      %dma_start3A_189 = tpu.memref_slice %arg5[%dma_start3A_188, %multiple_of3A_163] : memref<16x1000000xf32, #tpu.memory_space<hbm>> -> memref<16x128xf32, #tpu.memory_space<hbm>>
      tpu.enqueue_dma source(%dma_start3A_189 : memref<16x128xf32, #tpu.memory_space<hbm>>) target(%dma_start3A_187 : memref<16x128xf32, #tpu.memory_space<vmem>>) target_semaphore(%arg18 : memref<!tpu.dma_semaphore, #tpu.memory_space<semaphore_mem>>)
      %slice3A_190 = vector.extract_strided_slice %get3A_110 {offsets = [2], sizes = [1], strides = [1]} : vector<16xi32> to vector<1xi32>
      %squeeze3A_191 = vector.extract %slice3A_190[0] : i32 from vector<1xi32>
      %slice3A_192 = vector.extract_strided_slice %get3A_114 {offsets = [2], sizes = [1], strides = [1]} : vector<16xi32> to vector<1xi32>
      %squeeze3A_193 = vector.extract %slice3A_192[0] : i32 from vector<1xi32>
      %shift_right_logical3A_194 = arith.constant 7 : i32
      %shift_right_logical3A_195 = arith.shrui %squeeze3A_191, %shift_right_logical3A_194 : i32
      %shift_left3A_196 = arith.constant 7 : i32
      %shift_left3A_197 = arith.shli %shift_right_logical3A_195, %shift_left3A_196 : i32
      %multiple_of3A_198 = tpu.assume_multiple %shift_left3A_197, 128 : i32
      %shift_right_logical3A_199 = arith.constant 7 : i32
      %shift_right_logical3A_200 = arith.shrui %squeeze3A_193, %shift_right_logical3A_199 : i32
      %shift_left3A_201 = arith.constant 7 : i32
      %shift_left3A_202 = arith.shli %shift_right_logical3A_200, %shift_left3A_201 : i32
      %multiple_of3A_203 = tpu.assume_multiple %shift_left3A_202, 128 : i32
      %dma_start3A_204 = arith.constant 2 : i32
      %dma_start3A_205 = arith.constant 0 : i32
      %dma_start3A_206 = arith.constant 0 : i32
      %dma_start3A_207 = tpu.memref_slice %arg11[%dma_start3A_204, %dma_start3A_205, %dma_start3A_206] : memref<16x16x128xf32, #tpu.memory_space<vmem>> -> memref<1x16x128xf32, #tpu.memory_space<vmem>>
      %dma_start3A_208 = tpu.memref_squeeze %dma_start3A_207 : memref<1x16x128xf32, #tpu.memory_space<vmem>> -> memref<16x128xf32, #tpu.memory_space<vmem>>
      %dma_start3A_209 = arith.constant 0 : i32
      %dma_start3A_210 = tpu.memref_slice %arg4[%dma_start3A_209, %multiple_of3A_198] : memref<16x1000000xf32, #tpu.memory_space<hbm>> -> memref<16x128xf32, #tpu.memory_space<hbm>>
      %dma_start3A_211 = arith.constant 0 : i32
      %dma_start3A_212 = arith.constant 0 : i32
      %dma_start3A_213 = tpu.memref_slice %arg11[%dma_start3A_204, %dma_start3A_211, %dma_start3A_212] : memref<16x16x128xf32, #tpu.memory_space<vmem>> -> memref<1x16x128xf32, #tpu.memory_space<vmem>>
      %dma_start3A_214 = tpu.memref_squeeze %dma_start3A_213 : memref<1x16x128xf32, #tpu.memory_space<vmem>> -> memref<16x128xf32, #tpu.memory_space<vmem>>
      %dma_start3A_215 = arith.constant 0 : i32
      %dma_start3A_216 = tpu.memref_slice %arg4[%dma_start3A_215, %multiple_of3A_198] : memref<16x1000000xf32, #tpu.memory_space<hbm>> -> memref<16x128xf32, #tpu.memory_space<hbm>>
      tpu.enqueue_dma source(%dma_start3A_216 : memref<16x128xf32, #tpu.memory_space<hbm>>) target(%dma_start3A_214 : memref<16x128xf32, #tpu.memory_space<vmem>>) target_semaphore(%arg18 : memref<!tpu.dma_semaphore, #tpu.memory_space<semaphore_mem>>)
      %dma_start3A_217 = arith.constant 2 : i32
      %dma_start3A_218 = arith.constant 0 : i32
      %dma_start3A_219 = arith.constant 0 : i32
      %dma_start3A_220 = tpu.memref_slice %arg12[%dma_start3A_217, %dma_start3A_218, %dma_start3A_219] : memref<16x16x128xf32, #tpu.memory_space<vmem>> -> memref<1x16x128xf32, #tpu.memory_space<vmem>>
      %dma_start3A_221 = tpu.memref_squeeze %dma_start3A_220 : memref<1x16x128xf32, #tpu.memory_space<vmem>> -> memref<16x128xf32, #tpu.memory_space<vmem>>
      %dma_start3A_222 = arith.constant 0 : i32
      %dma_start3A_223 = tpu.memref_slice %arg5[%dma_start3A_222, %multiple_of3A_203] : memref<16x1000000xf32, #tpu.memory_space<hbm>> -> memref<16x128xf32, #tpu.memory_space<hbm>>
      %dma_start3A_224 = arith.constant 0 : i32
      %dma_start3A_225 = arith.constant 0 : i32
      %dma_start3A_226 = tpu.memref_slice %arg12[%dma_start3A_217, %dma_start3A_224, %dma_start3A_225] : memref<16x16x128xf32, #tpu.memory_space<vmem>> -> memref<1x16x128xf32, #tpu.memory_space<vmem>>
      %dma_start3A_227 = tpu.memref_squeeze %dma_start3A_226 : memref<1x16x128xf32, #tpu.memory_space<vmem>> -> memref<16x128xf32, #tpu.memory_space<vmem>>
      %dma_start3A_228 = arith.constant 0 : i32
      %dma_start3A_229 = tpu.memref_slice %arg5[%dma_start3A_228, %multiple_of3A_203] : memref<16x1000000xf32, #tpu.memory_space<hbm>> -> memref<16x128xf32, #tpu.memory_space<hbm>>
      tpu.enqueue_dma source(%dma_start3A_229 : memref<16x128xf32, #tpu.memory_space<hbm>>) target(%dma_start3A_227 : memref<16x128xf32, #tpu.memory_space<vmem>>) target_semaphore(%arg18 : memref<!tpu.dma_semaphore, #tpu.memory_space<semaphore_mem>>)
      %slice3A_230 = vector.extract_strided_slice %get3A_110 {offsets = [3], sizes = [1], strides = [1]} : vector<16xi32> to vector<1xi32>
      %squeeze3A_231 = vector.extract %slice3A_230[0] : i32 from vector<1xi32>
      %slice3A_232 = vector.extract_strided_slice %get3A_114 {offsets = [3], sizes = [1], strides = [1]} : vector<16xi32> to vector<1xi32>
      %squeeze3A_233 = vector.extract %slice3A_232[0] : i32 from vector<1xi32>
      %shift_right_logical3A_234 = arith.constant 7 : i32
      %shift_right_logical3A_235 = arith.shrui %squeeze3A_231, %shift_right_logical3A_234 : i32
      %shift_left3A_236 = arith.constant 7 : i32
      %shift_left3A_237 = arith.shli %shift_right_logical3A_235, %shift_left3A_236 : i32
      %multiple_of3A_238 = tpu.assume_multiple %shift_left3A_237, 128 : i32
      %shift_right_logical3A_239 = arith.constant 7 : i32
      %shift_right_logical3A_240 = arith.shrui %squeeze3A_233, %shift_right_logical3A_239 : i32
      %shift_left3A_241 = arith.constant 7 : i32
      %shift_left3A_242 = arith.shli %shift_right_logical3A_240, %shift_left3A_241 : i32
      %multiple_of3A_243 = tpu.assume_multiple %shift_left3A_242, 128 : i32
      %dma_start3A_244 = arith.constant 3 : i32
      %dma_start3A_245 = arith.constant 0 : i32
      %dma_start3A_246 = arith.constant 0 : i32
      %dma_start3A_247 = tpu.memref_slice %arg11[%dma_start3A_244, %dma_start3A_245, %dma_start3A_246] : memref<16x16x128xf32, #tpu.memory_space<vmem>> -> memref<1x16x128xf32, #tpu.memory_space<vmem>>
      %dma_start3A_248 = tpu.memref_squeeze %dma_start3A_247 : memref<1x16x128xf32, #tpu.memory_space<vmem>> -> memref<16x128xf32, #tpu.memory_space<vmem>>
      %dma_start3A_249 = arith.constant 0 : i32
      %dma_start3A_250 = tpu.memref_slice %arg4[%dma_start3A_249, %multiple_of3A_238] : memref<16x1000000xf32, #tpu.memory_space<hbm>> -> memref<16x128xf32, #tpu.memory_space<hbm>>
      %dma_start3A_251 = arith.constant 0 : i32
      %dma_start3A_252 = arith.constant 0 : i32
      %dma_start3A_253 = tpu.memref_slice %arg11[%dma_start3A_244, %dma_start3A_251, %dma_start3A_252] : memref<16x16x128xf32, #tpu.memory_space<vmem>> -> memref<1x16x128xf32, #tpu.memory_space<vmem>>
      %dma_start3A_254 = tpu.memref_squeeze %dma_start3A_253 : memref<1x16x128xf32, #tpu.memory_space<vmem>> -> memref<16x128xf32, #tpu.memory_space<vmem>>
      %dma_start3A_255 = arith.constant 0 : i32
      %dma_start3A_256 = tpu.memref_slice %arg4[%dma_start3A_255, %multiple_of3A_238] : memref<16x1000000xf32, #tpu.memory_space<hbm>> -> memref<16x128xf32, #tpu.memory_space<hbm>>
      tpu.enqueue_dma source(%dma_start3A_256 : memref<16x128xf32, #tpu.memory_space<hbm>>) target(%dma_start3A_254 : memref<16x128xf32, #tpu.memory_space<vmem>>) target_semaphore(%arg18 : memref<!tpu.dma_semaphore, #tpu.memory_space<semaphore_mem>>)
      %dma_start3A_257 = arith.constant 3 : i32
      %dma_start3A_258 = arith.constant 0 : i32
      %dma_start3A_259 = arith.constant 0 : i32
      %dma_start3A_260 = tpu.memref_slice %arg12[%dma_start3A_257, %dma_start3A_258, %dma_start3A_259] : memref<16x16x128xf32, #tpu.memory_space<vmem>> -> memref<1x16x128xf32, #tpu.memory_space<vmem>>
      %dma_start3A_261 = tpu.memref_squeeze %dma_start3A_260 : memref<1x16x128xf32, #tpu.memory_space<vmem>> -> memref<16x128xf32, #tpu.memory_space<vmem>>
      %dma_start3A_262 = arith.constant 0 : i32
      %dma_start3A_263 = tpu.memref_slice %arg5[%dma_start3A_262, %multiple_of3A_243] : memref<16x1000000xf32, #tpu.memory_space<hbm>> -> memref<16x128xf32, #tpu.memory_space<hbm>>
      %dma_start3A_264 = arith.constant 0 : i32
      %dma_start3A_265 = arith.constant 0 : i32
      %dma_start3A_266 = tpu.memref_slice %arg12[%dma_start3A_257, %dma_start3A_264, %dma_start3A_265] : memref<16x16x128xf32, #tpu.memory_space<vmem>> -> memref<1x16x128xf32, #tpu.memory_space<vmem>>
      %dma_start3A_267 = tpu.memref_squeeze %dma_start3A_266 : memref<1x16x128xf32, #tpu.memory_space<vmem>> -> memref<16x128xf32, #tpu.memory_space<vmem>>
      %dma_start3A_268 = arith.constant 0 : i32
      %dma_start3A_269 = tpu.memref_slice %arg5[%dma_start3A_268, %multiple_of3A_243] : memref<16x1000000xf32, #tpu.memory_space<hbm>> -> memref<16x128xf32, #tpu.memory_space<hbm>>
      tpu.enqueue_dma source(%dma_start3A_269 : memref<16x128xf32, #tpu.memory_space<hbm>>) target(%dma_start3A_267 : memref<16x128xf32, #tpu.memory_space<vmem>>) target_semaphore(%arg18 : memref<!tpu.dma_semaphore, #tpu.memory_space<semaphore_mem>>)
      %slice3A_270 = vector.extract_strided_slice %get3A_110 {offsets = [4], sizes = [1], strides = [1]} : vector<16xi32> to vector<1xi32>
      %squeeze3A_271 = vector.extract %slice3A_270[0] : i32 from vector<1xi32>
      %slice3A_272 = vector.extract_strided_slice %get3A_114 {offsets = [4], sizes = [1], strides = [1]} : vector<16xi32> to vector<1xi32>
      %squeeze3A_273 = vector.extract %slice3A_272[0] : i32 from vector<1xi32>
      %shift_right_logical3A_274 = arith.constant 7 : i32
      %shift_right_logical3A_275 = arith.shrui %squeeze3A_271, %shift_right_logical3A_274 : i32
      %shift_left3A_276 = arith.constant 7 : i32
      %shift_left3A_277 = arith.shli %shift_right_logical3A_275, %shift_left3A_276 : i32
      %multiple_of3A_278 = tpu.assume_multiple %shift_left3A_277, 128 : i32
      %shift_right_logical3A_279 = arith.constant 7 : i32
      %shift_right_logical3A_280 = arith.shrui %squeeze3A_273, %shift_right_logical3A_279 : i32
      %shift_left3A_281 = arith.constant 7 : i32
      %shift_left3A_282 = arith.shli %shift_right_logical3A_280, %shift_left3A_281 : i32
      %multiple_of3A_283 = tpu.assume_multiple %shift_left3A_282, 128 : i32
      %dma_start3A_284 = arith.constant 4 : i32
      %dma_start3A_285 = arith.constant 0 : i32
      %dma_start3A_286 = arith.constant 0 : i32
      %dma_start3A_287 = tpu.memref_slice %arg11[%dma_start3A_284, %dma_start3A_285, %dma_start3A_286] : memref<16x16x128xf32, #tpu.memory_space<vmem>> -> memref<1x16x128xf32, #tpu.memory_space<vmem>>
      %dma_start3A_288 = tpu.memref_squeeze %dma_start3A_287 : memref<1x16x128xf32, #tpu.memory_space<vmem>> -> memref<16x128xf32, #tpu.memory_space<vmem>>
      %dma_start3A_289 = arith.constant 0 : i32
      %dma_start3A_290 = tpu.memref_slice %arg4[%dma_start3A_289, %multiple_of3A_278] : memref<16x1000000xf32, #tpu.memory_space<hbm>> -> memref<16x128xf32, #tpu.memory_space<hbm>>
      %dma_start3A_291 = arith.constant 0 : i32
      %dma_start3A_292 = arith.constant 0 : i32
      %dma_start3A_293 = tpu.memref_slice %arg11[%dma_start3A_284, %dma_start3A_291, %dma_start3A_292] : memref<16x16x128xf32, #tpu.memory_space<vmem>> -> memref<1x16x128xf32, #tpu.memory_space<vmem>>
      %dma_start3A_294 = tpu.memref_squeeze %dma_start3A_293 : memref<1x16x128xf32, #tpu.memory_space<vmem>> -> memref<16x128xf32, #tpu.memory_space<vmem>>
      %dma_start3A_295 = arith.constant 0 : i32
      %dma_start3A_296 = tpu.memref_slice %arg4[%dma_start3A_295, %multiple_of3A_278] : memref<16x1000000xf32, #tpu.memory_space<hbm>> -> memref<16x128xf32, #tpu.memory_space<hbm>>
      tpu.enqueue_dma source(%dma_start3A_296 : memref<16x128xf32, #tpu.memory_space<hbm>>) target(%dma_start3A_294 : memref<16x128xf32, #tpu.memory_space<vmem>>) target_semaphore(%arg18 : memref<!tpu.dma_semaphore, #tpu.memory_space<semaphore_mem>>)
      %dma_start3A_297 = arith.constant 4 : i32
      %dma_start3A_298 = arith.constant 0 : i32
      %dma_start3A_299 = arith.constant 0 : i32
      %dma_start3A_300 = tpu.memref_slice %arg12[%dma_start3A_297, %dma_start3A_298, %dma_start3A_299] : memref<16x16x128xf32, #tpu.memory_space<vmem>> -> memref<1x16x128xf32, #tpu.memory_space<vmem>>
      %dma_start3A_301 = tpu.memref_squeeze %dma_start3A_300 : memref<1x16x128xf32, #tpu.memory_space<vmem>> -> memref<16x128xf32, #tpu.memory_space<vmem>>
      %dma_start3A_302 = arith.constant 0 : i32
      %dma_start3A_303 = tpu.memref_slice %arg5[%dma_start3A_302, %multiple_of3A_283] : memref<16x1000000xf32, #tpu.memory_space<hbm>> -> memref<16x128xf32, #tpu.memory_space<hbm>>
      %dma_start3A_304 = arith.constant 0 : i32
      %dma_start3A_305 = arith.constant 0 : i32
      %dma_start3A_306 = tpu.memref_slice %arg12[%dma_start3A_297, %dma_start3A_304, %dma_start3A_305] : memref<16x16x128xf32, #tpu.memory_space<vmem>> -> memref<1x16x128xf32, #tpu.memory_space<vmem>>
      %dma_start3A_307 = tpu.memref_squeeze %dma_start3A_306 : memref<1x16x128xf32, #tpu.memory_space<vmem>> -> memref<16x128xf32, #tpu.memory_space<vmem>>
      %dma_start3A_308 = arith.constant 0 : i32
      %dma_start3A_309 = tpu.memref_slice %arg5[%dma_start3A_308, %multiple_of3A_283] : memref<16x1000000xf32, #tpu.memory_space<hbm>> -> memref<16x128xf32, #tpu.memory_space<hbm>>
      tpu.enqueue_dma source(%dma_start3A_309 : memref<16x128xf32, #tpu.memory_space<hbm>>) target(%dma_start3A_307 : memref<16x128xf32, #tpu.memory_space<vmem>>) target_semaphore(%arg18 : memref<!tpu.dma_semaphore, #tpu.memory_space<semaphore_mem>>)
      %slice3A_310 = vector.extract_strided_slice %get3A_110 {offsets = [5], sizes = [1], strides = [1]} : vector<16xi32> to vector<1xi32>
      %squeeze3A_311 = vector.extract %slice3A_310[0] : i32 from vector<1xi32>
      %slice3A_312 = vector.extract_strided_slice %get3A_114 {offsets = [5], sizes = [1], strides = [1]} : vector<16xi32> to vector<1xi32>
      %squeeze3A_313 = vector.extract %slice3A_312[0] : i32 from vector<1xi32>
      %shift_right_logical3A_314 = arith.constant 7 : i32
      %shift_right_logical3A_315 = arith.shrui %squeeze3A_311, %shift_right_logical3A_314 : i32
      %shift_left3A_316 = arith.constant 7 : i32
      %shift_left3A_317 = arith.shli %shift_right_logical3A_315, %shift_left3A_316 : i32
      %multiple_of3A_318 = tpu.assume_multiple %shift_left3A_317, 128 : i32
      %shift_right_logical3A_319 = arith.constant 7 : i32
      %shift_right_logical3A_320 = arith.shrui %squeeze3A_313, %shift_right_logical3A_319 : i32
      %shift_left3A_321 = arith.constant 7 : i32
      %shift_left3A_322 = arith.shli %shift_right_logical3A_320, %shift_left3A_321 : i32
      %multiple_of3A_323 = tpu.assume_multiple %shift_left3A_322, 128 : i32
      %dma_start3A_324 = arith.constant 5 : i32
      %dma_start3A_325 = arith.constant 0 : i32
      %dma_start3A_326 = arith.constant 0 : i32
      %dma_start3A_327 = tpu.memref_slice %arg11[%dma_start3A_324, %dma_start3A_325, %dma_start3A_326] : memref<16x16x128xf32, #tpu.memory_space<vmem>> -> memref<1x16x128xf32, #tpu.memory_space<vmem>>
      %dma_start3A_328 = tpu.memref_squeeze %dma_start3A_327 : memref<1x16x128xf32, #tpu.memory_space<vmem>> -> memref<16x128xf32, #tpu.memory_space<vmem>>
      %dma_start3A_329 = arith.constant 0 : i32
      %dma_start3A_330 = tpu.memref_slice %arg4[%dma_start3A_329, %multiple_of3A_318] : memref<16x1000000xf32, #tpu.memory_space<hbm>> -> memref<16x128xf32, #tpu.memory_space<hbm>>
      %dma_start3A_331 = arith.constant 0 : i32
      %dma_start3A_332 = arith.constant 0 : i32
      %dma_start3A_333 = tpu.memref_slice %arg11[%dma_start3A_324, %dma_start3A_331, %dma_start3A_332] : memref<16x16x128xf32, #tpu.memory_space<vmem>> -> memref<1x16x128xf32, #tpu.memory_space<vmem>>
      %dma_start3A_334 = tpu.memref_squeeze %dma_start3A_333 : memref<1x16x128xf32, #tpu.memory_space<vmem>> -> memref<16x128xf32, #tpu.memory_space<vmem>>
      %dma_start3A_335 = arith.constant 0 : i32
      %dma_start3A_336 = tpu.memref_slice %arg4[%dma_start3A_335, %multiple_of3A_318] : memref<16x1000000xf32, #tpu.memory_space<hbm>> -> memref<16x128xf32, #tpu.memory_space<hbm>>
      tpu.enqueue_dma source(%dma_start3A_336 : memref<16x128xf32, #tpu.memory_space<hbm>>) target(%dma_start3A_334 : memref<16x128xf32, #tpu.memory_space<vmem>>) target_semaphore(%arg18 : memref<!tpu.dma_semaphore, #tpu.memory_space<semaphore_mem>>)
      %dma_start3A_337 = arith.constant 5 : i32
      %dma_start3A_338 = arith.constant 0 : i32
      %dma_start3A_339 = arith.constant 0 : i32
      %dma_start3A_340 = tpu.memref_slice %arg12[%dma_start3A_337, %dma_start3A_338, %dma_start3A_339] : memref<16x16x128xf32, #tpu.memory_space<vmem>> -> memref<1x16x128xf32, #tpu.memory_space<vmem>>
      %dma_start3A_341 = tpu.memref_squeeze %dma_start3A_340 : memref<1x16x128xf32, #tpu.memory_space<vmem>> -> memref<16x128xf32, #tpu.memory_space<vmem>>
      %dma_start3A_342 = arith.constant 0 : i32
      %dma_start3A_343 = tpu.memref_slice %arg5[%dma_start3A_342, %multiple_of3A_323] : memref<16x1000000xf32, #tpu.memory_space<hbm>> -> memref<16x128xf32, #tpu.memory_space<hbm>>
      %dma_start3A_344 = arith.constant 0 : i32
      %dma_start3A_345 = arith.constant 0 : i32
      %dma_start3A_346 = tpu.memref_slice %arg12[%dma_start3A_337, %dma_start3A_344, %dma_start3A_345] : memref<16x16x128xf32, #tpu.memory_space<vmem>> -> memref<1x16x128xf32, #tpu.memory_space<vmem>>
      %dma_start3A_347 = tpu.memref_squeeze %dma_start3A_346 : memref<1x16x128xf32, #tpu.memory_space<vmem>> -> memref<16x128xf32, #tpu.memory_space<vmem>>
      %dma_start3A_348 = arith.constant 0 : i32
      %dma_start3A_349 = tpu.memref_slice %arg5[%dma_start3A_348, %multiple_of3A_323] : memref<16x1000000xf32, #tpu.memory_space<hbm>> -> memref<16x128xf32, #tpu.memory_space<hbm>>
      tpu.enqueue_dma source(%dma_start3A_349 : memref<16x128xf32, #tpu.memory_space<hbm>>) target(%dma_start3A_347 : memref<16x128xf32, #tpu.memory_space<vmem>>) target_semaphore(%arg18 : memref<!tpu.dma_semaphore, #tpu.memory_space<semaphore_mem>>)
      %slice3A_350 = vector.extract_strided_slice %get3A_110 {offsets = [6], sizes = [1], strides = [1]} : vector<16xi32> to vector<1xi32>
      %squeeze3A_351 = vector.extract %slice3A_350[0] : i32 from vector<1xi32>
      %slice3A_352 = vector.extract_strided_slice %get3A_114 {offsets = [6], sizes = [1], strides = [1]} : vector<16xi32> to vector<1xi32>
      %squeeze3A_353 = vector.extract %slice3A_352[0] : i32 from vector<1xi32>
      %shift_right_logical3A_354 = arith.constant 7 : i32
      %shift_right_logical3A_355 = arith.shrui %squeeze3A_351, %shift_right_logical3A_354 : i32
      %shift_left3A_356 = arith.constant 7 : i32
      %shift_left3A_357 = arith.shli %shift_right_logical3A_355, %shift_left3A_356 : i32
      %multiple_of3A_358 = tpu.assume_multiple %shift_left3A_357, 128 : i32
      %shift_right_logical3A_359 = arith.constant 7 : i32
      %shift_right_logical3A_360 = arith.shrui %squeeze3A_353, %shift_right_logical3A_359 : i32
      %shift_left3A_361 = arith.constant 7 : i32
      %shift_left3A_362 = arith.shli %shift_right_logical3A_360, %shift_left3A_361 : i32
      %multiple_of3A_363 = tpu.assume_multiple %shift_left3A_362, 128 : i32
      %dma_start3A_364 = arith.constant 6 : i32
      %dma_start3A_365 = arith.constant 0 : i32
      %dma_start3A_366 = arith.constant 0 : i32
      %dma_start3A_367 = tpu.memref_slice %arg11[%dma_start3A_364, %dma_start3A_365, %dma_start3A_366] : memref<16x16x128xf32, #tpu.memory_space<vmem>> -> memref<1x16x128xf32, #tpu.memory_space<vmem>>
      %dma_start3A_368 = tpu.memref_squeeze %dma_start3A_367 : memref<1x16x128xf32, #tpu.memory_space<vmem>> -> memref<16x128xf32, #tpu.memory_space<vmem>>
      %dma_start3A_369 = arith.constant 0 : i32
      %dma_start3A_370 = tpu.memref_slice %arg4[%dma_start3A_369, %multiple_of3A_358] : memref<16x1000000xf32, #tpu.memory_space<hbm>> -> memref<16x128xf32, #tpu.memory_space<hbm>>
      %dma_start3A_371 = arith.constant 0 : i32
      %dma_start3A_372 = arith.constant 0 : i32
      %dma_start3A_373 = tpu.memref_slice %arg11[%dma_start3A_364, %dma_start3A_371, %dma_start3A_372] : memref<16x16x128xf32, #tpu.memory_space<vmem>> -> memref<1x16x128xf32, #tpu.memory_space<vmem>>
      %dma_start3A_374 = tpu.memref_squeeze %dma_start3A_373 : memref<1x16x128xf32, #tpu.memory_space<vmem>> -> memref<16x128xf32, #tpu.memory_space<vmem>>
      %dma_start3A_375 = arith.constant 0 : i32
      %dma_start3A_376 = tpu.memref_slice %arg4[%dma_start3A_375, %multiple_of3A_358] : memref<16x1000000xf32, #tpu.memory_space<hbm>> -> memref<16x128xf32, #tpu.memory_space<hbm>>
      tpu.enqueue_dma source(%dma_start3A_376 : memref<16x128xf32, #tpu.memory_space<hbm>>) target(%dma_start3A_374 : memref<16x128xf32, #tpu.memory_space<vmem>>) target_semaphore(%arg18 : memref<!tpu.dma_semaphore, #tpu.memory_space<semaphore_mem>>)
      %dma_start3A_377 = arith.constant 6 : i32
      %dma_start3A_378 = arith.constant 0 : i32
      %dma_start3A_379 = arith.constant 0 : i32
      %dma_start3A_380 = tpu.memref_slice %arg12[%dma_start3A_377, %dma_start3A_378, %dma_start3A_379] : memref<16x16x128xf32, #tpu.memory_space<vmem>> -> memref<1x16x128xf32, #tpu.memory_space<vmem>>
      %dma_start3A_381 = tpu.memref_squeeze %dma_start3A_380 : memref<1x16x128xf32, #tpu.memory_space<vmem>> -> memref<16x128xf32, #tpu.memory_space<vmem>>
      %dma_start3A_382 = arith.constant 0 : i32
      %dma_start3A_383 = tpu.memref_slice %arg5[%dma_start3A_382, %multiple_of3A_363] : memref<16x1000000xf32, #tpu.memory_space<hbm>> -> memref<16x128xf32, #tpu.memory_space<hbm>>
      %dma_start3A_384 = arith.constant 0 : i32
      %dma_start3A_385 = arith.constant 0 : i32
      %dma_start3A_386 = tpu.memref_slice %arg12[%dma_start3A_377, %dma_start3A_384, %dma_start3A_385] : memref<16x16x128xf32, #tpu.memory_space<vmem>> -> memref<1x16x128xf32, #tpu.memory_space<vmem>>
      %dma_start3A_387 = tpu.memref_squeeze %dma_start3A_386 : memref<1x16x128xf32, #tpu.memory_space<vmem>> -> memref<16x128xf32, #tpu.memory_space<vmem>>
      %dma_start3A_388 = arith.constant 0 : i32
      %dma_start3A_389 = tpu.memref_slice %arg5[%dma_start3A_388, %multiple_of3A_363] : memref<16x1000000xf32, #tpu.memory_space<hbm>> -> memref<16x128xf32, #tpu.memory_space<hbm>>
      tpu.enqueue_dma source(%dma_start3A_389 : memref<16x128xf32, #tpu.memory_space<hbm>>) target(%dma_start3A_387 : memref<16x128xf32, #tpu.memory_space<vmem>>) target_semaphore(%arg18 : memref<!tpu.dma_semaphore, #tpu.memory_space<semaphore_mem>>)
      %slice3A_390 = vector.extract_strided_slice %get3A_110 {offsets = [7], sizes = [1], strides = [1]} : vector<16xi32> to vector<1xi32>
      %squeeze3A_391 = vector.extract %slice3A_390[0] : i32 from vector<1xi32>
      %slice3A_392 = vector.extract_strided_slice %get3A_114 {offsets = [7], sizes = [1], strides = [1]} : vector<16xi32> to vector<1xi32>
      %squeeze3A_393 = vector.extract %slice3A_392[0] : i32 from vector<1xi32>
      %shift_right_logical3A_394 = arith.constant 7 : i32
      %shift_right_logical3A_395 = arith.shrui %squeeze3A_391, %shift_right_logical3A_394 : i32
      %shift_left3A_396 = arith.constant 7 : i32
      %shift_left3A_397 = arith.shli %shift_right_logical3A_395, %shift_left3A_396 : i32
      %multiple_of3A_398 = tpu.assume_multiple %shift_left3A_397, 128 : i32
      %shift_right_logical3A_399 = arith.constant 7 : i32
      %shift_right_logical3A_400 = arith.shrui %squeeze3A_393, %shift_right_logical3A_399 : i32
      %shift_left3A_401 = arith.constant 7 : i32
      %shift_left3A_402 = arith.shli %shift_right_logical3A_400, %shift_left3A_401 : i32
      %multiple_of3A_403 = tpu.assume_multiple %shift_left3A_402, 128 : i32
      %dma_start3A_404 = arith.constant 7 : i32
      %dma_start3A_405 = arith.constant 0 : i32
      %dma_start3A_406 = arith.constant 0 : i32
      %dma_start3A_407 = tpu.memref_slice %arg11[%dma_start3A_404, %dma_start3A_405, %dma_start3A_406] : memref<16x16x128xf32, #tpu.memory_space<vmem>> -> memref<1x16x128xf32, #tpu.memory_space<vmem>>
      %dma_start3A_408 = tpu.memref_squeeze %dma_start3A_407 : memref<1x16x128xf32, #tpu.memory_space<vmem>> -> memref<16x128xf32, #tpu.memory_space<vmem>>
      %dma_start3A_409 = arith.constant 0 : i32
      %dma_start3A_410 = tpu.memref_slice %arg4[%dma_start3A_409, %multiple_of3A_398] : memref<16x1000000xf32, #tpu.memory_space<hbm>> -> memref<16x128xf32, #tpu.memory_space<hbm>>
      %dma_start3A_411 = arith.constant 0 : i32
      %dma_start3A_412 = arith.constant 0 : i32
      %dma_start3A_413 = tpu.memref_slice %arg11[%dma_start3A_404, %dma_start3A_411, %dma_start3A_412] : memref<16x16x128xf32, #tpu.memory_space<vmem>> -> memref<1x16x128xf32, #tpu.memory_space<vmem>>
      %dma_start3A_414 = tpu.memref_squeeze %dma_start3A_413 : memref<1x16x128xf32, #tpu.memory_space<vmem>> -> memref<16x128xf32, #tpu.memory_space<vmem>>
      %dma_start3A_415 = arith.constant 0 : i32
      %dma_start3A_416 = tpu.memref_slice %arg4[%dma_start3A_415, %multiple_of3A_398] : memref<16x1000000xf32, #tpu.memory_space<hbm>> -> memref<16x128xf32, #tpu.memory_space<hbm>>
      tpu.enqueue_dma source(%dma_start3A_416 : memref<16x128xf32, #tpu.memory_space<hbm>>) target(%dma_start3A_414 : memref<16x128xf32, #tpu.memory_space<vmem>>) target_semaphore(%arg18 : memref<!tpu.dma_semaphore, #tpu.memory_space<semaphore_mem>>)
      %dma_start3A_417 = arith.constant 7 : i32
      %dma_start3A_418 = arith.constant 0 : i32
      %dma_start3A_419 = arith.constant 0 : i32
      %dma_start3A_420 = tpu.memref_slice %arg12[%dma_start3A_417, %dma_start3A_418, %dma_start3A_419] : memref<16x16x128xf32, #tpu.memory_space<vmem>> -> memref<1x16x128xf32, #tpu.memory_space<vmem>>
      %dma_start3A_421 = tpu.memref_squeeze %dma_start3A_420 : memref<1x16x128xf32, #tpu.memory_space<vmem>> -> memref<16x128xf32, #tpu.memory_space<vmem>>
      %dma_start3A_422 = arith.constant 0 : i32
      %dma_start3A_423 = tpu.memref_slice %arg5[%dma_start3A_422, %multiple_of3A_403] : memref<16x1000000xf32, #tpu.memory_space<hbm>> -> memref<16x128xf32, #tpu.memory_space<hbm>>
      %dma_start3A_424 = arith.constant 0 : i32
      %dma_start3A_425 = arith.constant 0 : i32
      %dma_start3A_426 = tpu.memref_slice %arg12[%dma_start3A_417, %dma_start3A_424, %dma_start3A_425] : memref<16x16x128xf32, #tpu.memory_space<vmem>> -> memref<1x16x128xf32, #tpu.memory_space<vmem>>
      %dma_start3A_427 = tpu.memref_squeeze %dma_start3A_426 : memref<1x16x128xf32, #tpu.memory_space<vmem>> -> memref<16x128xf32, #tpu.memory_space<vmem>>
      %dma_start3A_428 = arith.constant 0 : i32
      %dma_start3A_429 = tpu.memref_slice %arg5[%dma_start3A_428, %multiple_of3A_403] : memref<16x1000000xf32, #tpu.memory_space<hbm>> -> memref<16x128xf32, #tpu.memory_space<hbm>>
      tpu.enqueue_dma source(%dma_start3A_429 : memref<16x128xf32, #tpu.memory_space<hbm>>) target(%dma_start3A_427 : memref<16x128xf32, #tpu.memory_space<vmem>>) target_semaphore(%arg18 : memref<!tpu.dma_semaphore, #tpu.memory_space<semaphore_mem>>)
      %slice3A_430 = vector.extract_strided_slice %get3A_110 {offsets = [8], sizes = [1], strides = [1]} : vector<16xi32> to vector<1xi32>
      %squeeze3A_431 = vector.extract %slice3A_430[0] : i32 from vector<1xi32>
      %slice3A_432 = vector.extract_strided_slice %get3A_114 {offsets = [8], sizes = [1], strides = [1]} : vector<16xi32> to vector<1xi32>
      %squeeze3A_433 = vector.extract %slice3A_432[0] : i32 from vector<1xi32>
      %shift_right_logical3A_434 = arith.constant 7 : i32
      %shift_right_logical3A_435 = arith.shrui %squeeze3A_431, %shift_right_logical3A_434 : i32
      %shift_left3A_436 = arith.constant 7 : i32
      %shift_left3A_437 = arith.shli %shift_right_logical3A_435, %shift_left3A_436 : i32
      %multiple_of3A_438 = tpu.assume_multiple %shift_left3A_437, 128 : i32
      %shift_right_logical3A_439 = arith.constant 7 : i32
      %shift_right_logical3A_440 = arith.shrui %squeeze3A_433, %shift_right_logical3A_439 : i32
      %shift_left3A_441 = arith.constant 7 : i32
      %shift_left3A_442 = arith.shli %shift_right_logical3A_440, %shift_left3A_441 : i32
      %multiple_of3A_443 = tpu.assume_multiple %shift_left3A_442, 128 : i32
      %dma_start3A_444 = arith.constant 8 : i32
      %dma_start3A_445 = arith.constant 0 : i32
      %dma_start3A_446 = arith.constant 0 : i32
      %dma_start3A_447 = tpu.memref_slice %arg11[%dma_start3A_444, %dma_start3A_445, %dma_start3A_446] : memref<16x16x128xf32, #tpu.memory_space<vmem>> -> memref<1x16x128xf32, #tpu.memory_space<vmem>>
      %dma_start3A_448 = tpu.memref_squeeze %dma_start3A_447 : memref<1x16x128xf32, #tpu.memory_space<vmem>> -> memref<16x128xf32, #tpu.memory_space<vmem>>
      %dma_start3A_449 = arith.constant 0 : i32
      %dma_start3A_450 = tpu.memref_slice %arg4[%dma_start3A_449, %multiple_of3A_438] : memref<16x1000000xf32, #tpu.memory_space<hbm>> -> memref<16x128xf32, #tpu.memory_space<hbm>>
      %dma_start3A_451 = arith.constant 0 : i32
      %dma_start3A_452 = arith.constant 0 : i32
      %dma_start3A_453 = tpu.memref_slice %arg11[%dma_start3A_444, %dma_start3A_451, %dma_start3A_452] : memref<16x16x128xf32, #tpu.memory_space<vmem>> -> memref<1x16x128xf32, #tpu.memory_space<vmem>>
      %dma_start3A_454 = tpu.memref_squeeze %dma_start3A_453 : memref<1x16x128xf32, #tpu.memory_space<vmem>> -> memref<16x128xf32, #tpu.memory_space<vmem>>
      %dma_start3A_455 = arith.constant 0 : i32
      %dma_start3A_456 = tpu.memref_slice %arg4[%dma_start3A_455, %multiple_of3A_438] : memref<16x1000000xf32, #tpu.memory_space<hbm>> -> memref<16x128xf32, #tpu.memory_space<hbm>>
      tpu.enqueue_dma source(%dma_start3A_456 : memref<16x128xf32, #tpu.memory_space<hbm>>) target(%dma_start3A_454 : memref<16x128xf32, #tpu.memory_space<vmem>>) target_semaphore(%arg18 : memref<!tpu.dma_semaphore, #tpu.memory_space<semaphore_mem>>)
      %dma_start3A_457 = arith.constant 8 : i32
      %dma_start3A_458 = arith.constant 0 : i32
      %dma_start3A_459 = arith.constant 0 : i32
      %dma_start3A_460 = tpu.memref_slice %arg12[%dma_start3A_457, %dma_start3A_458, %dma_start3A_459] : memref<16x16x128xf32, #tpu.memory_space<vmem>> -> memref<1x16x128xf32, #tpu.memory_space<vmem>>
      %dma_start3A_461 = tpu.memref_squeeze %dma_start3A_460 : memref<1x16x128xf32, #tpu.memory_space<vmem>> -> memref<16x128xf32, #tpu.memory_space<vmem>>
      %dma_start3A_462 = arith.constant 0 : i32
      %dma_start3A_463 = tpu.memref_slice %arg5[%dma_start3A_462, %multiple_of3A_443] : memref<16x1000000xf32, #tpu.memory_space<hbm>> -> memref<16x128xf32, #tpu.memory_space<hbm>>
      %dma_start3A_464 = arith.constant 0 : i32
      %dma_start3A_465 = arith.constant 0 : i32
      %dma_start3A_466 = tpu.memref_slice %arg12[%dma_start3A_457, %dma_start3A_464, %dma_start3A_465] : memref<16x16x128xf32, #tpu.memory_space<vmem>> -> memref<1x16x128xf32, #tpu.memory_space<vmem>>
      %dma_start3A_467 = tpu.memref_squeeze %dma_start3A_466 : memref<1x16x128xf32, #tpu.memory_space<vmem>> -> memref<16x128xf32, #tpu.memory_space<vmem>>
      %dma_start3A_468 = arith.constant 0 : i32
      %dma_start3A_469 = tpu.memref_slice %arg5[%dma_start3A_468, %multiple_of3A_443] : memref<16x1000000xf32, #tpu.memory_space<hbm>> -> memref<16x128xf32, #tpu.memory_space<hbm>>
      tpu.enqueue_dma source(%dma_start3A_469 : memref<16x128xf32, #tpu.memory_space<hbm>>) target(%dma_start3A_467 : memref<16x128xf32, #tpu.memory_space<vmem>>) target_semaphore(%arg18 : memref<!tpu.dma_semaphore, #tpu.memory_space<semaphore_mem>>)
      %slice3A_470 = vector.extract_strided_slice %get3A_110 {offsets = [9], sizes = [1], strides = [1]} : vector<16xi32> to vector<1xi32>
      %squeeze3A_471 = vector.extract %slice3A_470[0] : i32 from vector<1xi32>
      %slice3A_472 = vector.extract_strided_slice %get3A_114 {offsets = [9], sizes = [1], strides = [1]} : vector<16xi32> to vector<1xi32>
      %squeeze3A_473 = vector.extract %slice3A_472[0] : i32 from vector<1xi32>
      %shift_right_logical3A_474 = arith.constant 7 : i32
      %shift_right_logical3A_475 = arith.shrui %squeeze3A_471, %shift_right_logical3A_474 : i32
      %shift_left3A_476 = arith.constant 7 : i32
      %shift_left3A_477 = arith.shli %shift_right_logical3A_475, %shift_left3A_476 : i32
      %multiple_of3A_478 = tpu.assume_multiple %shift_left3A_477, 128 : i32
      %shift_right_logical3A_479 = arith.constant 7 : i32
      %shift_right_logical3A_480 = arith.shrui %squeeze3A_473, %shift_right_logical3A_479 : i32
      %shift_left3A_481 = arith.constant 7 : i32
      %shift_left3A_482 = arith.shli %shift_right_logical3A_480, %shift_left3A_481 : i32
      %multiple_of3A_483 = tpu.assume_multiple %shift_left3A_482, 128 : i32
      %dma_start3A_484 = arith.constant 9 : i32
      %dma_start3A_485 = arith.constant 0 : i32
      %dma_start3A_486 = arith.constant 0 : i32
      %dma_start3A_487 = tpu.memref_slice %arg11[%dma_start3A_484, %dma_start3A_485, %dma_start3A_486] : memref<16x16x128xf32, #tpu.memory_space<vmem>> -> memref<1x16x128xf32, #tpu.memory_space<vmem>>
      %dma_start3A_488 = tpu.memref_squeeze %dma_start3A_487 : memref<1x16x128xf32, #tpu.memory_space<vmem>> -> memref<16x128xf32, #tpu.memory_space<vmem>>
      %dma_start3A_489 = arith.constant 0 : i32
      %dma_start3A_490 = tpu.memref_slice %arg4[%dma_start3A_489, %multiple_of3A_478] : memref<16x1000000xf32, #tpu.memory_space<hbm>> -> memref<16x128xf32, #tpu.memory_space<hbm>>
      %dma_start3A_491 = arith.constant 0 : i32
      %dma_start3A_492 = arith.constant 0 : i32
      %dma_start3A_493 = tpu.memref_slice %arg11[%dma_start3A_484, %dma_start3A_491, %dma_start3A_492] : memref<16x16x128xf32, #tpu.memory_space<vmem>> -> memref<1x16x128xf32, #tpu.memory_space<vmem>>
      %dma_start3A_494 = tpu.memref_squeeze %dma_start3A_493 : memref<1x16x128xf32, #tpu.memory_space<vmem>> -> memref<16x128xf32, #tpu.memory_space<vmem>>
      %dma_start3A_495 = arith.constant 0 : i32
      %dma_start3A_496 = tpu.memref_slice %arg4[%dma_start3A_495, %multiple_of3A_478] : memref<16x1000000xf32, #tpu.memory_space<hbm>> -> memref<16x128xf32, #tpu.memory_space<hbm>>
      tpu.enqueue_dma source(%dma_start3A_496 : memref<16x128xf32, #tpu.memory_space<hbm>>) target(%dma_start3A_494 : memref<16x128xf32, #tpu.memory_space<vmem>>) target_semaphore(%arg18 : memref<!tpu.dma_semaphore, #tpu.memory_space<semaphore_mem>>)
      %dma_start3A_497 = arith.constant 9 : i32
      %dma_start3A_498 = arith.constant 0 : i32
      %dma_start3A_499 = arith.constant 0 : i32
      %dma_start3A_500 = tpu.memref_slice %arg12[%dma_start3A_497, %dma_start3A_498, %dma_start3A_499] : memref<16x16x128xf32, #tpu.memory_space<vmem>> -> memref<1x16x128xf32, #tpu.memory_space<vmem>>
      %dma_start3A_501 = tpu.memref_squeeze %dma_start3A_500 : memref<1x16x128xf32, #tpu.memory_space<vmem>> -> memref<16x128xf32, #tpu.memory_space<vmem>>
      %dma_start3A_502 = arith.constant 0 : i32
      %dma_start3A_503 = tpu.memref_slice %arg5[%dma_start3A_502, %multiple_of3A_483] : memref<16x1000000xf32, #tpu.memory_space<hbm>> -> memref<16x128xf32, #tpu.memory_space<hbm>>
      %dma_start3A_504 = arith.constant 0 : i32
      %dma_start3A_505 = arith.constant 0 : i32
      %dma_start3A_506 = tpu.memref_slice %arg12[%dma_start3A_497, %dma_start3A_504, %dma_start3A_505] : memref<16x16x128xf32, #tpu.memory_space<vmem>> -> memref<1x16x128xf32, #tpu.memory_space<vmem>>
      %dma_start3A_507 = tpu.memref_squeeze %dma_start3A_506 : memref<1x16x128xf32, #tpu.memory_space<vmem>> -> memref<16x128xf32, #tpu.memory_space<vmem>>
      %dma_start3A_508 = arith.constant 0 : i32
      %dma_start3A_509 = tpu.memref_slice %arg5[%dma_start3A_508, %multiple_of3A_483] : memref<16x1000000xf32, #tpu.memory_space<hbm>> -> memref<16x128xf32, #tpu.memory_space<hbm>>
      tpu.enqueue_dma source(%dma_start3A_509 : memref<16x128xf32, #tpu.memory_space<hbm>>) target(%dma_start3A_507 : memref<16x128xf32, #tpu.memory_space<vmem>>) target_semaphore(%arg18 : memref<!tpu.dma_semaphore, #tpu.memory_space<semaphore_mem>>)
      %slice3A_510 = vector.extract_strided_slice %get3A_110 {offsets = [10], sizes = [1], strides = [1]} : vector<16xi32> to vector<1xi32>
      %squeeze3A_511 = vector.extract %slice3A_510[0] : i32 from vector<1xi32>
      %slice3A_512 = vector.extract_strided_slice %get3A_114 {offsets = [10], sizes = [1], strides = [1]} : vector<16xi32> to vector<1xi32>
      %squeeze3A_513 = vector.extract %slice3A_512[0] : i32 from vector<1xi32>
      %shift_right_logical3A_514 = arith.constant 7 : i32
      %shift_right_logical3A_515 = arith.shrui %squeeze3A_511, %shift_right_logical3A_514 : i32
      %shift_left3A_516 = arith.constant 7 : i32
      %shift_left3A_517 = arith.shli %shift_right_logical3A_515, %shift_left3A_516 : i32
      %multiple_of3A_518 = tpu.assume_multiple %shift_left3A_517, 128 : i32
      %shift_right_logical3A_519 = arith.constant 7 : i32
      %shift_right_logical3A_520 = arith.shrui %squeeze3A_513, %shift_right_logical3A_519 : i32
      %shift_left3A_521 = arith.constant 7 : i32
      %shift_left3A_522 = arith.shli %shift_right_logical3A_520, %shift_left3A_521 : i32
      %multiple_of3A_523 = tpu.assume_multiple %shift_left3A_522, 128 : i32
      %dma_start3A_524 = arith.constant 10 : i32
      %dma_start3A_525 = arith.constant 0 : i32
      %dma_start3A_526 = arith.constant 0 : i32
      %dma_start3A_527 = tpu.memref_slice %arg11[%dma_start3A_524, %dma_start3A_525, %dma_start3A_526] : memref<16x16x128xf32, #tpu.memory_space<vmem>> -> memref<1x16x128xf32, #tpu.memory_space<vmem>>
      %dma_start3A_528 = tpu.memref_squeeze %dma_start3A_527 : memref<1x16x128xf32, #tpu.memory_space<vmem>> -> memref<16x128xf32, #tpu.memory_space<vmem>>
      %dma_start3A_529 = arith.constant 0 : i32
      %dma_start3A_530 = tpu.memref_slice %arg4[%dma_start3A_529, %multiple_of3A_518] : memref<16x1000000xf32, #tpu.memory_space<hbm>> -> memref<16x128xf32, #tpu.memory_space<hbm>>
      %dma_start3A_531 = arith.constant 0 : i32
      %dma_start3A_532 = arith.constant 0 : i32
      %dma_start3A_533 = tpu.memref_slice %arg11[%dma_start3A_524, %dma_start3A_531, %dma_start3A_532] : memref<16x16x128xf32, #tpu.memory_space<vmem>> -> memref<1x16x128xf32, #tpu.memory_space<vmem>>
      %dma_start3A_534 = tpu.memref_squeeze %dma_start3A_533 : memref<1x16x128xf32, #tpu.memory_space<vmem>> -> memref<16x128xf32, #tpu.memory_space<vmem>>
      %dma_start3A_535 = arith.constant 0 : i32
      %dma_start3A_536 = tpu.memref_slice %arg4[%dma_start3A_535, %multiple_of3A_518] : memref<16x1000000xf32, #tpu.memory_space<hbm>> -> memref<16x128xf32, #tpu.memory_space<hbm>>
      tpu.enqueue_dma source(%dma_start3A_536 : memref<16x128xf32, #tpu.memory_space<hbm>>) target(%dma_start3A_534 : memref<16x128xf32, #tpu.memory_space<vmem>>) target_semaphore(%arg18 : memref<!tpu.dma_semaphore, #tpu.memory_space<semaphore_mem>>)
      %dma_start3A_537 = arith.constant 10 : i32
      %dma_start3A_538 = arith.constant 0 : i32
      %dma_start3A_539 = arith.constant 0 : i32
      %dma_start3A_540 = tpu.memref_slice %arg12[%dma_start3A_537, %dma_start3A_538, %dma_start3A_539] : memref<16x16x128xf32, #tpu.memory_space<vmem>> -> memref<1x16x128xf32, #tpu.memory_space<vmem>>
      %dma_start3A_541 = tpu.memref_squeeze %dma_start3A_540 : memref<1x16x128xf32, #tpu.memory_space<vmem>> -> memref<16x128xf32, #tpu.memory_space<vmem>>
      %dma_start3A_542 = arith.constant 0 : i32
      %dma_start3A_543 = tpu.memref_slice %arg5[%dma_start3A_542, %multiple_of3A_523] : memref<16x1000000xf32, #tpu.memory_space<hbm>> -> memref<16x128xf32, #tpu.memory_space<hbm>>
      %dma_start3A_544 = arith.constant 0 : i32
      %dma_start3A_545 = arith.constant 0 : i32
      %dma_start3A_546 = tpu.memref_slice %arg12[%dma_start3A_537, %dma_start3A_544, %dma_start3A_545] : memref<16x16x128xf32, #tpu.memory_space<vmem>> -> memref<1x16x128xf32, #tpu.memory_space<vmem>>
      %dma_start3A_547 = tpu.memref_squeeze %dma_start3A_546 : memref<1x16x128xf32, #tpu.memory_space<vmem>> -> memref<16x128xf32, #tpu.memory_space<vmem>>
      %dma_start3A_548 = arith.constant 0 : i32
      %dma_start3A_549 = tpu.memref_slice %arg5[%dma_start3A_548, %multiple_of3A_523] : memref<16x1000000xf32, #tpu.memory_space<hbm>> -> memref<16x128xf32, #tpu.memory_space<hbm>>
      tpu.enqueue_dma source(%dma_start3A_549 : memref<16x128xf32, #tpu.memory_space<hbm>>) target(%dma_start3A_547 : memref<16x128xf32, #tpu.memory_space<vmem>>) target_semaphore(%arg18 : memref<!tpu.dma_semaphore, #tpu.memory_space<semaphore_mem>>)
      %slice3A_550 = vector.extract_strided_slice %get3A_110 {offsets = [11], sizes = [1], strides = [1]} : vector<16xi32> to vector<1xi32>
      %squeeze3A_551 = vector.extract %slice3A_550[0] : i32 from vector<1xi32>
      %slice3A_552 = vector.extract_strided_slice %get3A_114 {offsets = [11], sizes = [1], strides = [1]} : vector<16xi32> to vector<1xi32>
      %squeeze3A_553 = vector.extract %slice3A_552[0] : i32 from vector<1xi32>
      %shift_right_logical3A_554 = arith.constant 7 : i32
      %shift_right_logical3A_555 = arith.shrui %squeeze3A_551, %shift_right_logical3A_554 : i32
      %shift_left3A_556 = arith.constant 7 : i32
      %shift_left3A_557 = arith.shli %shift_right_logical3A_555, %shift_left3A_556 : i32
      %multiple_of3A_558 = tpu.assume_multiple %shift_left3A_557, 128 : i32
      %shift_right_logical3A_559 = arith.constant 7 : i32
      %shift_right_logical3A_560 = arith.shrui %squeeze3A_553, %shift_right_logical3A_559 : i32
      %shift_left3A_561 = arith.constant 7 : i32
      %shift_left3A_562 = arith.shli %shift_right_logical3A_560, %shift_left3A_561 : i32
      %multiple_of3A_563 = tpu.assume_multiple %shift_left3A_562, 128 : i32
      %dma_start3A_564 = arith.constant 11 : i32
      %dma_start3A_565 = arith.constant 0 : i32
      %dma_start3A_566 = arith.constant 0 : i32
      %dma_start3A_567 = tpu.memref_slice %arg11[%dma_start3A_564, %dma_start3A_565, %dma_start3A_566] : memref<16x16x128xf32, #tpu.memory_space<vmem>> -> memref<1x16x128xf32, #tpu.memory_space<vmem>>
      %dma_start3A_568 = tpu.memref_squeeze %dma_start3A_567 : memref<1x16x128xf32, #tpu.memory_space<vmem>> -> memref<16x128xf32, #tpu.memory_space<vmem>>
      %dma_start3A_569 = arith.constant 0 : i32
      %dma_start3A_570 = tpu.memref_slice %arg4[%dma_start3A_569, %multiple_of3A_558] : memref<16x1000000xf32, #tpu.memory_space<hbm>> -> memref<16x128xf32, #tpu.memory_space<hbm>>
      %dma_start3A_571 = arith.constant 0 : i32
      %dma_start3A_572 = arith.constant 0 : i32
      %dma_start3A_573 = tpu.memref_slice %arg11[%dma_start3A_564, %dma_start3A_571, %dma_start3A_572] : memref<16x16x128xf32, #tpu.memory_space<vmem>> -> memref<1x16x128xf32, #tpu.memory_space<vmem>>
      %dma_start3A_574 = tpu.memref_squeeze %dma_start3A_573 : memref<1x16x128xf32, #tpu.memory_space<vmem>> -> memref<16x128xf32, #tpu.memory_space<vmem>>
      %dma_start3A_575 = arith.constant 0 : i32
      %dma_start3A_576 = tpu.memref_slice %arg4[%dma_start3A_575, %multiple_of3A_558] : memref<16x1000000xf32, #tpu.memory_space<hbm>> -> memref<16x128xf32, #tpu.memory_space<hbm>>
      tpu.enqueue_dma source(%dma_start3A_576 : memref<16x128xf32, #tpu.memory_space<hbm>>) target(%dma_start3A_574 : memref<16x128xf32, #tpu.memory_space<vmem>>) target_semaphore(%arg18 : memref<!tpu.dma_semaphore, #tpu.memory_space<semaphore_mem>>)
      %dma_start3A_577 = arith.constant 11 : i32
      %dma_start3A_578 = arith.constant 0 : i32
      %dma_start3A_579 = arith.constant 0 : i32
      %dma_start3A_580 = tpu.memref_slice %arg12[%dma_start3A_577, %dma_start3A_578, %dma_start3A_579] : memref<16x16x128xf32, #tpu.memory_space<vmem>> -> memref<1x16x128xf32, #tpu.memory_space<vmem>>
      %dma_start3A_581 = tpu.memref_squeeze %dma_start3A_580 : memref<1x16x128xf32, #tpu.memory_space<vmem>> -> memref<16x128xf32, #tpu.memory_space<vmem>>
      %dma_start3A_582 = arith.constant 0 : i32
      %dma_start3A_583 = tpu.memref_slice %arg5[%dma_start3A_582, %multiple_of3A_563] : memref<16x1000000xf32, #tpu.memory_space<hbm>> -> memref<16x128xf32, #tpu.memory_space<hbm>>
      %dma_start3A_584 = arith.constant 0 : i32
      %dma_start3A_585 = arith.constant 0 : i32
      %dma_start3A_586 = tpu.memref_slice %arg12[%dma_start3A_577, %dma_start3A_584, %dma_start3A_585] : memref<16x16x128xf32, #tpu.memory_space<vmem>> -> memref<1x16x128xf32, #tpu.memory_space<vmem>>
      %dma_start3A_587 = tpu.memref_squeeze %dma_start3A_586 : memref<1x16x128xf32, #tpu.memory_space<vmem>> -> memref<16x128xf32, #tpu.memory_space<vmem>>
      %dma_start3A_588 = arith.constant 0 : i32
      %dma_start3A_589 = tpu.memref_slice %arg5[%dma_start3A_588, %multiple_of3A_563] : memref<16x1000000xf32, #tpu.memory_space<hbm>> -> memref<16x128xf32, #tpu.memory_space<hbm>>
      tpu.enqueue_dma source(%dma_start3A_589 : memref<16x128xf32, #tpu.memory_space<hbm>>) target(%dma_start3A_587 : memref<16x128xf32, #tpu.memory_space<vmem>>) target_semaphore(%arg18 : memref<!tpu.dma_semaphore, #tpu.memory_space<semaphore_mem>>)
      %slice3A_590 = vector.extract_strided_slice %get3A_110 {offsets = [12], sizes = [1], strides = [1]} : vector<16xi32> to vector<1xi32>
      %squeeze3A_591 = vector.extract %slice3A_590[0] : i32 from vector<1xi32>
      %slice3A_592 = vector.extract_strided_slice %get3A_114 {offsets = [12], sizes = [1], strides = [1]} : vector<16xi32> to vector<1xi32>
      %squeeze3A_593 = vector.extract %slice3A_592[0] : i32 from vector<1xi32>
      %shift_right_logical3A_594 = arith.constant 7 : i32
      %shift_right_logical3A_595 = arith.shrui %squeeze3A_591, %shift_right_logical3A_594 : i32
      %shift_left3A_596 = arith.constant 7 : i32
      %shift_left3A_597 = arith.shli %shift_right_logical3A_595, %shift_left3A_596 : i32
      %multiple_of3A_598 = tpu.assume_multiple %shift_left3A_597, 128 : i32
      %shift_right_logical3A_599 = arith.constant 7 : i32
      %shift_right_logical3A_600 = arith.shrui %squeeze3A_593, %shift_right_logical3A_599 : i32
      %shift_left3A_601 = arith.constant 7 : i32
      %shift_left3A_602 = arith.shli %shift_right_logical3A_600, %shift_left3A_601 : i32
      %multiple_of3A_603 = tpu.assume_multiple %shift_left3A_602, 128 : i32
      %dma_start3A_604 = arith.constant 12 : i32
      %dma_start3A_605 = arith.constant 0 : i32
      %dma_start3A_606 = arith.constant 0 : i32
      %dma_start3A_607 = tpu.memref_slice %arg11[%dma_start3A_604, %dma_start3A_605, %dma_start3A_606] : memref<16x16x128xf32, #tpu.memory_space<vmem>> -> memref<1x16x128xf32, #tpu.memory_space<vmem>>
      %dma_start3A_608 = tpu.memref_squeeze %dma_start3A_607 : memref<1x16x128xf32, #tpu.memory_space<vmem>> -> memref<16x128xf32, #tpu.memory_space<vmem>>
      %dma_start3A_609 = arith.constant 0 : i32
      %dma_start3A_610 = tpu.memref_slice %arg4[%dma_start3A_609, %multiple_of3A_598] : memref<16x1000000xf32, #tpu.memory_space<hbm>> -> memref<16x128xf32, #tpu.memory_space<hbm>>
      %dma_start3A_611 = arith.constant 0 : i32
      %dma_start3A_612 = arith.constant 0 : i32
      %dma_start3A_613 = tpu.memref_slice %arg11[%dma_start3A_604, %dma_start3A_611, %dma_start3A_612] : memref<16x16x128xf32, #tpu.memory_space<vmem>> -> memref<1x16x128xf32, #tpu.memory_space<vmem>>
      %dma_start3A_614 = tpu.memref_squeeze %dma_start3A_613 : memref<1x16x128xf32, #tpu.memory_space<vmem>> -> memref<16x128xf32, #tpu.memory_space<vmem>>
      %dma_start3A_615 = arith.constant 0 : i32
      %dma_start3A_616 = tpu.memref_slice %arg4[%dma_start3A_615, %multiple_of3A_598] : memref<16x1000000xf32, #tpu.memory_space<hbm>> -> memref<16x128xf32, #tpu.memory_space<hbm>>
      tpu.enqueue_dma source(%dma_start3A_616 : memref<16x128xf32, #tpu.memory_space<hbm>>) target(%dma_start3A_614 : memref<16x128xf32, #tpu.memory_space<vmem>>) target_semaphore(%arg18 : memref<!tpu.dma_semaphore, #tpu.memory_space<semaphore_mem>>)
      %dma_start3A_617 = arith.constant 12 : i32
      %dma_start3A_618 = arith.constant 0 : i32
      %dma_start3A_619 = arith.constant 0 : i32
      %dma_start3A_620 = tpu.memref_slice %arg12[%dma_start3A_617, %dma_start3A_618, %dma_start3A_619] : memref<16x16x128xf32, #tpu.memory_space<vmem>> -> memref<1x16x128xf32, #tpu.memory_space<vmem>>
      %dma_start3A_621 = tpu.memref_squeeze %dma_start3A_620 : memref<1x16x128xf32, #tpu.memory_space<vmem>> -> memref<16x128xf32, #tpu.memory_space<vmem>>
      %dma_start3A_622 = arith.constant 0 : i32
      %dma_start3A_623 = tpu.memref_slice %arg5[%dma_start3A_622, %multiple_of3A_603] : memref<16x1000000xf32, #tpu.memory_space<hbm>> -> memref<16x128xf32, #tpu.memory_space<hbm>>
      %dma_start3A_624 = arith.constant 0 : i32
      %dma_start3A_625 = arith.constant 0 : i32
      %dma_start3A_626 = tpu.memref_slice %arg12[%dma_start3A_617, %dma_start3A_624, %dma_start3A_625] : memref<16x16x128xf32, #tpu.memory_space<vmem>> -> memref<1x16x128xf32, #tpu.memory_space<vmem>>
      %dma_start3A_627 = tpu.memref_squeeze %dma_start3A_626 : memref<1x16x128xf32, #tpu.memory_space<vmem>> -> memref<16x128xf32, #tpu.memory_space<vmem>>
      %dma_start3A_628 = arith.constant 0 : i32
      %dma_start3A_629 = tpu.memref_slice %arg5[%dma_start3A_628, %multiple_of3A_603] : memref<16x1000000xf32, #tpu.memory_space<hbm>> -> memref<16x128xf32, #tpu.memory_space<hbm>>
      tpu.enqueue_dma source(%dma_start3A_629 : memref<16x128xf32, #tpu.memory_space<hbm>>) target(%dma_start3A_627 : memref<16x128xf32, #tpu.memory_space<vmem>>) target_semaphore(%arg18 : memref<!tpu.dma_semaphore, #tpu.memory_space<semaphore_mem>>)
      %slice3A_630 = vector.extract_strided_slice %get3A_110 {offsets = [13], sizes = [1], strides = [1]} : vector<16xi32> to vector<1xi32>
      %squeeze3A_631 = vector.extract %slice3A_630[0] : i32 from vector<1xi32>
      %slice3A_632 = vector.extract_strided_slice %get3A_114 {offsets = [13], sizes = [1], strides = [1]} : vector<16xi32> to vector<1xi32>
      %squeeze3A_633 = vector.extract %slice3A_632[0] : i32 from vector<1xi32>
      %shift_right_logical3A_634 = arith.constant 7 : i32
      %shift_right_logical3A_635 = arith.shrui %squeeze3A_631, %shift_right_logical3A_634 : i32
      %shift_left3A_636 = arith.constant 7 : i32
      %shift_left3A_637 = arith.shli %shift_right_logical3A_635, %shift_left3A_636 : i32
      %multiple_of3A_638 = tpu.assume_multiple %shift_left3A_637, 128 : i32
      %shift_right_logical3A_639 = arith.constant 7 : i32
      %shift_right_logical3A_640 = arith.shrui %squeeze3A_633, %shift_right_logical3A_639 : i32
      %shift_left3A_641 = arith.constant 7 : i32
      %shift_left3A_642 = arith.shli %shift_right_logical3A_640, %shift_left3A_641 : i32
      %multiple_of3A_643 = tpu.assume_multiple %shift_left3A_642, 128 : i32
      %dma_start3A_644 = arith.constant 13 : i32
      %dma_start3A_645 = arith.constant 0 : i32
      %dma_start3A_646 = arith.constant 0 : i32
      %dma_start3A_647 = tpu.memref_slice %arg11[%dma_start3A_644, %dma_start3A_645, %dma_start3A_646] : memref<16x16x128xf32, #tpu.memory_space<vmem>> -> memref<1x16x128xf32, #tpu.memory_space<vmem>>
      %dma_start3A_648 = tpu.memref_squeeze %dma_start3A_647 : memref<1x16x128xf32, #tpu.memory_space<vmem>> -> memref<16x128xf32, #tpu.memory_space<vmem>>
      %dma_start3A_649 = arith.constant 0 : i32
      %dma_start3A_650 = tpu.memref_slice %arg4[%dma_start3A_649, %multiple_of3A_638] : memref<16x1000000xf32, #tpu.memory_space<hbm>> -> memref<16x128xf32, #tpu.memory_space<hbm>>
      %dma_start3A_651 = arith.constant 0 : i32
      %dma_start3A_652 = arith.constant 0 : i32
      %dma_start3A_653 = tpu.memref_slice %arg11[%dma_start3A_644, %dma_start3A_651, %dma_start3A_652] : memref<16x16x128xf32, #tpu.memory_space<vmem>> -> memref<1x16x128xf32, #tpu.memory_space<vmem>>
      %dma_start3A_654 = tpu.memref_squeeze %dma_start3A_653 : memref<1x16x128xf32, #tpu.memory_space<vmem>> -> memref<16x128xf32, #tpu.memory_space<vmem>>
      %dma_start3A_655 = arith.constant 0 : i32
      %dma_start3A_656 = tpu.memref_slice %arg4[%dma_start3A_655, %multiple_of3A_638] : memref<16x1000000xf32, #tpu.memory_space<hbm>> -> memref<16x128xf32, #tpu.memory_space<hbm>>
      tpu.enqueue_dma source(%dma_start3A_656 : memref<16x128xf32, #tpu.memory_space<hbm>>) target(%dma_start3A_654 : memref<16x128xf32, #tpu.memory_space<vmem>>) target_semaphore(%arg18 : memref<!tpu.dma_semaphore, #tpu.memory_space<semaphore_mem>>)
      %dma_start3A_657 = arith.constant 13 : i32
      %dma_start3A_658 = arith.constant 0 : i32
      %dma_start3A_659 = arith.constant 0 : i32
      %dma_start3A_660 = tpu.memref_slice %arg12[%dma_start3A_657, %dma_start3A_658, %dma_start3A_659] : memref<16x16x128xf32, #tpu.memory_space<vmem>> -> memref<1x16x128xf32, #tpu.memory_space<vmem>>
      %dma_start3A_661 = tpu.memref_squeeze %dma_start3A_660 : memref<1x16x128xf32, #tpu.memory_space<vmem>> -> memref<16x128xf32, #tpu.memory_space<vmem>>
      %dma_start3A_662 = arith.constant 0 : i32
      %dma_start3A_663 = tpu.memref_slice %arg5[%dma_start3A_662, %multiple_of3A_643] : memref<16x1000000xf32, #tpu.memory_space<hbm>> -> memref<16x128xf32, #tpu.memory_space<hbm>>
      %dma_start3A_664 = arith.constant 0 : i32
      %dma_start3A_665 = arith.constant 0 : i32
      %dma_start3A_666 = tpu.memref_slice %arg12[%dma_start3A_657, %dma_start3A_664, %dma_start3A_665] : memref<16x16x128xf32, #tpu.memory_space<vmem>> -> memref<1x16x128xf32, #tpu.memory_space<vmem>>
      %dma_start3A_667 = tpu.memref_squeeze %dma_start3A_666 : memref<1x16x128xf32, #tpu.memory_space<vmem>> -> memref<16x128xf32, #tpu.memory_space<vmem>>
      %dma_start3A_668 = arith.constant 0 : i32
      %dma_start3A_669 = tpu.memref_slice %arg5[%dma_start3A_668, %multiple_of3A_643] : memref<16x1000000xf32, #tpu.memory_space<hbm>> -> memref<16x128xf32, #tpu.memory_space<hbm>>
      tpu.enqueue_dma source(%dma_start3A_669 : memref<16x128xf32, #tpu.memory_space<hbm>>) target(%dma_start3A_667 : memref<16x128xf32, #tpu.memory_space<vmem>>) target_semaphore(%arg18 : memref<!tpu.dma_semaphore, #tpu.memory_space<semaphore_mem>>)
      %slice3A_670 = vector.extract_strided_slice %get3A_110 {offsets = [14], sizes = [1], strides = [1]} : vector<16xi32> to vector<1xi32>
      %squeeze3A_671 = vector.extract %slice3A_670[0] : i32 from vector<1xi32>
      %slice3A_672 = vector.extract_strided_slice %get3A_114 {offsets = [14], sizes = [1], strides = [1]} : vector<16xi32> to vector<1xi32>
      %squeeze3A_673 = vector.extract %slice3A_672[0] : i32 from vector<1xi32>
      %shift_right_logical3A_674 = arith.constant 7 : i32
      %shift_right_logical3A_675 = arith.shrui %squeeze3A_671, %shift_right_logical3A_674 : i32
      %shift_left3A_676 = arith.constant 7 : i32
      %shift_left3A_677 = arith.shli %shift_right_logical3A_675, %shift_left3A_676 : i32
      %multiple_of3A_678 = tpu.assume_multiple %shift_left3A_677, 128 : i32
      %shift_right_logical3A_679 = arith.constant 7 : i32
      %shift_right_logical3A_680 = arith.shrui %squeeze3A_673, %shift_right_logical3A_679 : i32
      %shift_left3A_681 = arith.constant 7 : i32
      %shift_left3A_682 = arith.shli %shift_right_logical3A_680, %shift_left3A_681 : i32
      %multiple_of3A_683 = tpu.assume_multiple %shift_left3A_682, 128 : i32
      %dma_start3A_684 = arith.constant 14 : i32
      %dma_start3A_685 = arith.constant 0 : i32
      %dma_start3A_686 = arith.constant 0 : i32
      %dma_start3A_687 = tpu.memref_slice %arg11[%dma_start3A_684, %dma_start3A_685, %dma_start3A_686] : memref<16x16x128xf32, #tpu.memory_space<vmem>> -> memref<1x16x128xf32, #tpu.memory_space<vmem>>
      %dma_start3A_688 = tpu.memref_squeeze %dma_start3A_687 : memref<1x16x128xf32, #tpu.memory_space<vmem>> -> memref<16x128xf32, #tpu.memory_space<vmem>>
      %dma_start3A_689 = arith.constant 0 : i32
      %dma_start3A_690 = tpu.memref_slice %arg4[%dma_start3A_689, %multiple_of3A_678] : memref<16x1000000xf32, #tpu.memory_space<hbm>> -> memref<16x128xf32, #tpu.memory_space<hbm>>
      %dma_start3A_691 = arith.constant 0 : i32
      %dma_start3A_692 = arith.constant 0 : i32
      %dma_start3A_693 = tpu.memref_slice %arg11[%dma_start3A_684, %dma_start3A_691, %dma_start3A_692] : memref<16x16x128xf32, #tpu.memory_space<vmem>> -> memref<1x16x128xf32, #tpu.memory_space<vmem>>
      %dma_start3A_694 = tpu.memref_squeeze %dma_start3A_693 : memref<1x16x128xf32, #tpu.memory_space<vmem>> -> memref<16x128xf32, #tpu.memory_space<vmem>>
      %dma_start3A_695 = arith.constant 0 : i32
      %dma_start3A_696 = tpu.memref_slice %arg4[%dma_start3A_695, %multiple_of3A_678] : memref<16x1000000xf32, #tpu.memory_space<hbm>> -> memref<16x128xf32, #tpu.memory_space<hbm>>
      tpu.enqueue_dma source(%dma_start3A_696 : memref<16x128xf32, #tpu.memory_space<hbm>>) target(%dma_start3A_694 : memref<16x128xf32, #tpu.memory_space<vmem>>) target_semaphore(%arg18 : memref<!tpu.dma_semaphore, #tpu.memory_space<semaphore_mem>>)
      %dma_start3A_697 = arith.constant 14 : i32
      %dma_start3A_698 = arith.constant 0 : i32
      %dma_start3A_699 = arith.constant 0 : i32
      %dma_start3A_700 = tpu.memref_slice %arg12[%dma_start3A_697, %dma_start3A_698, %dma_start3A_699] : memref<16x16x128xf32, #tpu.memory_space<vmem>> -> memref<1x16x128xf32, #tpu.memory_space<vmem>>
      %dma_start3A_701 = tpu.memref_squeeze %dma_start3A_700 : memref<1x16x128xf32, #tpu.memory_space<vmem>> -> memref<16x128xf32, #tpu.memory_space<vmem>>
      %dma_start3A_702 = arith.constant 0 : i32
      %dma_start3A_703 = tpu.memref_slice %arg5[%dma_start3A_702, %multiple_of3A_683] : memref<16x1000000xf32, #tpu.memory_space<hbm>> -> memref<16x128xf32, #tpu.memory_space<hbm>>
      %dma_start3A_704 = arith.constant 0 : i32
      %dma_start3A_705 = arith.constant 0 : i32
      %dma_start3A_706 = tpu.memref_slice %arg12[%dma_start3A_697, %dma_start3A_704, %dma_start3A_705] : memref<16x16x128xf32, #tpu.memory_space<vmem>> -> memref<1x16x128xf32, #tpu.memory_space<vmem>>
      %dma_start3A_707 = tpu.memref_squeeze %dma_start3A_706 : memref<1x16x128xf32, #tpu.memory_space<vmem>> -> memref<16x128xf32, #tpu.memory_space<vmem>>
      %dma_start3A_708 = arith.constant 0 : i32
      %dma_start3A_709 = tpu.memref_slice %arg5[%dma_start3A_708, %multiple_of3A_683] : memref<16x1000000xf32, #tpu.memory_space<hbm>> -> memref<16x128xf32, #tpu.memory_space<hbm>>
      tpu.enqueue_dma source(%dma_start3A_709 : memref<16x128xf32, #tpu.memory_space<hbm>>) target(%dma_start3A_707 : memref<16x128xf32, #tpu.memory_space<vmem>>) target_semaphore(%arg18 : memref<!tpu.dma_semaphore, #tpu.memory_space<semaphore_mem>>)
      %slice3A_710 = vector.extract_strided_slice %get3A_110 {offsets = [15], sizes = [1], strides = [1]} : vector<16xi32> to vector<1xi32>
      %squeeze3A_711 = vector.extract %slice3A_710[0] : i32 from vector<1xi32>
      %slice3A_712 = vector.extract_strided_slice %get3A_114 {offsets = [15], sizes = [1], strides = [1]} : vector<16xi32> to vector<1xi32>
      %squeeze3A_713 = vector.extract %slice3A_712[0] : i32 from vector<1xi32>
      %shift_right_logical3A_714 = arith.constant 7 : i32
      %shift_right_logical3A_715 = arith.shrui %squeeze3A_711, %shift_right_logical3A_714 : i32
      %shift_left3A_716 = arith.constant 7 : i32
      %shift_left3A_717 = arith.shli %shift_right_logical3A_715, %shift_left3A_716 : i32
      %multiple_of3A_718 = tpu.assume_multiple %shift_left3A_717, 128 : i32
      %shift_right_logical3A_719 = arith.constant 7 : i32
      %shift_right_logical3A_720 = arith.shrui %squeeze3A_713, %shift_right_logical3A_719 : i32
      %shift_left3A_721 = arith.constant 7 : i32
      %shift_left3A_722 = arith.shli %shift_right_logical3A_720, %shift_left3A_721 : i32
      %multiple_of3A_723 = tpu.assume_multiple %shift_left3A_722, 128 : i32
      %dma_start3A_724 = arith.constant 15 : i32
      %dma_start3A_725 = arith.constant 0 : i32
      %dma_start3A_726 = arith.constant 0 : i32
      %dma_start3A_727 = tpu.memref_slice %arg11[%dma_start3A_724, %dma_start3A_725, %dma_start3A_726] : memref<16x16x128xf32, #tpu.memory_space<vmem>> -> memref<1x16x128xf32, #tpu.memory_space<vmem>>
      %dma_start3A_728 = tpu.memref_squeeze %dma_start3A_727 : memref<1x16x128xf32, #tpu.memory_space<vmem>> -> memref<16x128xf32, #tpu.memory_space<vmem>>
      %dma_start3A_729 = arith.constant 0 : i32
      %dma_start3A_730 = tpu.memref_slice %arg4[%dma_start3A_729, %multiple_of3A_718] : memref<16x1000000xf32, #tpu.memory_space<hbm>> -> memref<16x128xf32, #tpu.memory_space<hbm>>
      %dma_start3A_731 = arith.constant 0 : i32
      %dma_start3A_732 = arith.constant 0 : i32
      %dma_start3A_733 = tpu.memref_slice %arg11[%dma_start3A_724, %dma_start3A_731, %dma_start3A_732] : memref<16x16x128xf32, #tpu.memory_space<vmem>> -> memref<1x16x128xf32, #tpu.memory_space<vmem>>
      %dma_start3A_734 = tpu.memref_squeeze %dma_start3A_733 : memref<1x16x128xf32, #tpu.memory_space<vmem>> -> memref<16x128xf32, #tpu.memory_space<vmem>>
      %dma_start3A_735 = arith.constant 0 : i32
      %dma_start3A_736 = tpu.memref_slice %arg4[%dma_start3A_735, %multiple_of3A_718] : memref<16x1000000xf32, #tpu.memory_space<hbm>> -> memref<16x128xf32, #tpu.memory_space<hbm>>
      tpu.enqueue_dma source(%dma_start3A_736 : memref<16x128xf32, #tpu.memory_space<hbm>>) target(%dma_start3A_734 : memref<16x128xf32, #tpu.memory_space<vmem>>) target_semaphore(%arg18 : memref<!tpu.dma_semaphore, #tpu.memory_space<semaphore_mem>>)
      %dma_start3A_737 = arith.constant 15 : i32
      %dma_start3A_738 = arith.constant 0 : i32
      %dma_start3A_739 = arith.constant 0 : i32
      %dma_start3A_740 = tpu.memref_slice %arg12[%dma_start3A_737, %dma_start3A_738, %dma_start3A_739] : memref<16x16x128xf32, #tpu.memory_space<vmem>> -> memref<1x16x128xf32, #tpu.memory_space<vmem>>
      %dma_start3A_741 = tpu.memref_squeeze %dma_start3A_740 : memref<1x16x128xf32, #tpu.memory_space<vmem>> -> memref<16x128xf32, #tpu.memory_space<vmem>>
      %dma_start3A_742 = arith.constant 0 : i32
      %dma_start3A_743 = tpu.memref_slice %arg5[%dma_start3A_742, %multiple_of3A_723] : memref<16x1000000xf32, #tpu.memory_space<hbm>> -> memref<16x128xf32, #tpu.memory_space<hbm>>
      %dma_start3A_744 = arith.constant 0 : i32
      %dma_start3A_745 = arith.constant 0 : i32
      %dma_start3A_746 = tpu.memref_slice %arg12[%dma_start3A_737, %dma_start3A_744, %dma_start3A_745] : memref<16x16x128xf32, #tpu.memory_space<vmem>> -> memref<1x16x128xf32, #tpu.memory_space<vmem>>
      %dma_start3A_747 = tpu.memref_squeeze %dma_start3A_746 : memref<1x16x128xf32, #tpu.memory_space<vmem>> -> memref<16x128xf32, #tpu.memory_space<vmem>>
      %dma_start3A_748 = arith.constant 0 : i32
      %dma_start3A_749 = tpu.memref_slice %arg5[%dma_start3A_748, %multiple_of3A_723] : memref<16x1000000xf32, #tpu.memory_space<hbm>> -> memref<16x128xf32, #tpu.memory_space<hbm>>
      tpu.enqueue_dma source(%dma_start3A_749 : memref<16x128xf32, #tpu.memory_space<hbm>>) target(%dma_start3A_747 : memref<16x128xf32, #tpu.memory_space<vmem>>) target_semaphore(%arg18 : memref<!tpu.dma_semaphore, #tpu.memory_space<semaphore_mem>>)
      %dma_wait3A_750 = arith.constant 0 : i32
      %dma_wait3A_751 = arith.constant 0 : i32
      %dma_wait3A_752 = arith.constant 0 : i32
      %dma_wait3A_753 = tpu.memref_slice %arg11[%dma_wait3A_750, %dma_wait3A_751, %dma_wait3A_752] : memref<16x16x128xf32, #tpu.memory_space<vmem>> -> memref<1x16x128xf32, #tpu.memory_space<vmem>>
      %dma_wait3A_754 = tpu.memref_squeeze %dma_wait3A_753 : memref<1x16x128xf32, #tpu.memory_space<vmem>> -> memref<16x128xf32, #tpu.memory_space<vmem>>
      %dma_wait3A_755 = arith.constant 0 : i32
      %dma_wait3A_756 = tpu.memref_slice %arg4[%dma_wait3A_755, %multiple_of3A] : memref<16x1000000xf32, #tpu.memory_space<hbm>> -> memref<16x128xf32, #tpu.memory_space<hbm>>
      %dma_wait3A_757 = arith.constant 0 : i32
      %dma_wait3A_758 = arith.constant 0 : i32
      %dma_wait3A_759 = tpu.memref_slice %arg11[%dma_wait3A_750, %dma_wait3A_757, %dma_wait3A_758] : memref<16x16x128xf32, #tpu.memory_space<vmem>> -> memref<1x16x128xf32, #tpu.memory_space<vmem>>
      %dma_wait3A_760 = tpu.memref_squeeze %dma_wait3A_759 : memref<1x16x128xf32, #tpu.memory_space<vmem>> -> memref<16x128xf32, #tpu.memory_space<vmem>>
      %dma_wait3A_761 = arith.constant 0 : i32
      %dma_wait3A_762 = tpu.memref_slice %arg4[%dma_wait3A_761, %multiple_of3A] : memref<16x1000000xf32, #tpu.memory_space<hbm>> -> memref<16x128xf32, #tpu.memory_space<hbm>>
      tpu.wait_dma2 semaphore(%arg18 : memref<!tpu.dma_semaphore, #tpu.memory_space<semaphore_mem>>) src(%dma_wait3A_762 : memref<16x128xf32, #tpu.memory_space<hbm>>) dst(%dma_wait3A_760 : memref<16x128xf32, #tpu.memory_space<vmem>>)
      %dma_wait3A_763 = arith.constant 0 : i32
      %dma_wait3A_764 = arith.constant 0 : i32
      %dma_wait3A_765 = arith.constant 0 : i32
      %dma_wait3A_766 = tpu.memref_slice %arg12[%dma_wait3A_763, %dma_wait3A_764, %dma_wait3A_765] : memref<16x16x128xf32, #tpu.memory_space<vmem>> -> memref<1x16x128xf32, #tpu.memory_space<vmem>>
      %dma_wait3A_767 = tpu.memref_squeeze %dma_wait3A_766 : memref<1x16x128xf32, #tpu.memory_space<vmem>> -> memref<16x128xf32, #tpu.memory_space<vmem>>
      %dma_wait3A_768 = arith.constant 0 : i32
      %dma_wait3A_769 = tpu.memref_slice %arg5[%dma_wait3A_768, %multiple_of3A_123] : memref<16x1000000xf32, #tpu.memory_space<hbm>> -> memref<16x128xf32, #tpu.memory_space<hbm>>
      %dma_wait3A_770 = arith.constant 0 : i32
      %dma_wait3A_771 = arith.constant 0 : i32
      %dma_wait3A_772 = tpu.memref_slice %arg12[%dma_wait3A_763, %dma_wait3A_770, %dma_wait3A_771] : memref<16x16x128xf32, #tpu.memory_space<vmem>> -> memref<1x16x128xf32, #tpu.memory_space<vmem>>
      %dma_wait3A_773 = tpu.memref_squeeze %dma_wait3A_772 : memref<1x16x128xf32, #tpu.memory_space<vmem>> -> memref<16x128xf32, #tpu.memory_space<vmem>>
      %dma_wait3A_774 = arith.constant 0 : i32
      %dma_wait3A_775 = tpu.memref_slice %arg5[%dma_wait3A_774, %multiple_of3A_123] : memref<16x1000000xf32, #tpu.memory_space<hbm>> -> memref<16x128xf32, #tpu.memory_space<hbm>>
      tpu.wait_dma2 semaphore(%arg18 : memref<!tpu.dma_semaphore, #tpu.memory_space<semaphore_mem>>) src(%dma_wait3A_775 : memref<16x128xf32, #tpu.memory_space<hbm>>) dst(%dma_wait3A_773 : memref<16x128xf32, #tpu.memory_space<vmem>>)
      %dma_wait3A_776 = arith.constant 1 : i32
      %dma_wait3A_777 = arith.constant 0 : i32
      %dma_wait3A_778 = arith.constant 0 : i32
      %dma_wait3A_779 = tpu.memref_slice %arg11[%dma_wait3A_776, %dma_wait3A_777, %dma_wait3A_778] : memref<16x16x128xf32, #tpu.memory_space<vmem>> -> memref<1x16x128xf32, #tpu.memory_space<vmem>>
      %dma_wait3A_780 = tpu.memref_squeeze %dma_wait3A_779 : memref<1x16x128xf32, #tpu.memory_space<vmem>> -> memref<16x128xf32, #tpu.memory_space<vmem>>
      %dma_wait3A_781 = arith.constant 0 : i32
      %dma_wait3A_782 = tpu.memref_slice %arg4[%dma_wait3A_781, %multiple_of3A_158] : memref<16x1000000xf32, #tpu.memory_space<hbm>> -> memref<16x128xf32, #tpu.memory_space<hbm>>
      %dma_wait3A_783 = arith.constant 0 : i32
      %dma_wait3A_784 = arith.constant 0 : i32
      %dma_wait3A_785 = tpu.memref_slice %arg11[%dma_wait3A_776, %dma_wait3A_783, %dma_wait3A_784] : memref<16x16x128xf32, #tpu.memory_space<vmem>> -> memref<1x16x128xf32, #tpu.memory_space<vmem>>
      %dma_wait3A_786 = tpu.memref_squeeze %dma_wait3A_785 : memref<1x16x128xf32, #tpu.memory_space<vmem>> -> memref<16x128xf32, #tpu.memory_space<vmem>>
      %dma_wait3A_787 = arith.constant 0 : i32
      %dma_wait3A_788 = tpu.memref_slice %arg4[%dma_wait3A_787, %multiple_of3A_158] : memref<16x1000000xf32, #tpu.memory_space<hbm>> -> memref<16x128xf32, #tpu.memory_space<hbm>>
      tpu.wait_dma2 semaphore(%arg18 : memref<!tpu.dma_semaphore, #tpu.memory_space<semaphore_mem>>) src(%dma_wait3A_788 : memref<16x128xf32, #tpu.memory_space<hbm>>) dst(%dma_wait3A_786 : memref<16x128xf32, #tpu.memory_space<vmem>>)
      %dma_wait3A_789 = arith.constant 1 : i32
      %dma_wait3A_790 = arith.constant 0 : i32
      %dma_wait3A_791 = arith.constant 0 : i32
      %dma_wait3A_792 = tpu.memref_slice %arg12[%dma_wait3A_789, %dma_wait3A_790, %dma_wait3A_791] : memref<16x16x128xf32, #tpu.memory_space<vmem>> -> memref<1x16x128xf32, #tpu.memory_space<vmem>>
      %dma_wait3A_793 = tpu.memref_squeeze %dma_wait3A_792 : memref<1x16x128xf32, #tpu.memory_space<vmem>> -> memref<16x128xf32, #tpu.memory_space<vmem>>
      %dma_wait3A_794 = arith.constant 0 : i32
      %dma_wait3A_795 = tpu.memref_slice %arg5[%dma_wait3A_794, %multiple_of3A_163] : memref<16x1000000xf32, #tpu.memory_space<hbm>> -> memref<16x128xf32, #tpu.memory_space<hbm>>
      %dma_wait3A_796 = arith.constant 0 : i32
      %dma_wait3A_797 = arith.constant 0 : i32
      %dma_wait3A_798 = tpu.memref_slice %arg12[%dma_wait3A_789, %dma_wait3A_796, %dma_wait3A_797] : memref<16x16x128xf32, #tpu.memory_space<vmem>> -> memref<1x16x128xf32, #tpu.memory_space<vmem>>
      %dma_wait3A_799 = tpu.memref_squeeze %dma_wait3A_798 : memref<1x16x128xf32, #tpu.memory_space<vmem>> -> memref<16x128xf32, #tpu.memory_space<vmem>>
      %dma_wait3A_800 = arith.constant 0 : i32
      %dma_wait3A_801 = tpu.memref_slice %arg5[%dma_wait3A_800, %multiple_of3A_163] : memref<16x1000000xf32, #tpu.memory_space<hbm>> -> memref<16x128xf32, #tpu.memory_space<hbm>>
      tpu.wait_dma2 semaphore(%arg18 : memref<!tpu.dma_semaphore, #tpu.memory_space<semaphore_mem>>) src(%dma_wait3A_801 : memref<16x128xf32, #tpu.memory_space<hbm>>) dst(%dma_wait3A_799 : memref<16x128xf32, #tpu.memory_space<vmem>>)
      %dma_wait3A_802 = arith.constant 2 : i32
      %dma_wait3A_803 = arith.constant 0 : i32
      %dma_wait3A_804 = arith.constant 0 : i32
      %dma_wait3A_805 = tpu.memref_slice %arg11[%dma_wait3A_802, %dma_wait3A_803, %dma_wait3A_804] : memref<16x16x128xf32, #tpu.memory_space<vmem>> -> memref<1x16x128xf32, #tpu.memory_space<vmem>>
      %dma_wait3A_806 = tpu.memref_squeeze %dma_wait3A_805 : memref<1x16x128xf32, #tpu.memory_space<vmem>> -> memref<16x128xf32, #tpu.memory_space<vmem>>
      %dma_wait3A_807 = arith.constant 0 : i32
      %dma_wait3A_808 = tpu.memref_slice %arg4[%dma_wait3A_807, %multiple_of3A_198] : memref<16x1000000xf32, #tpu.memory_space<hbm>> -> memref<16x128xf32, #tpu.memory_space<hbm>>
      %dma_wait3A_809 = arith.constant 0 : i32
      %dma_wait3A_810 = arith.constant 0 : i32
      %dma_wait3A_811 = tpu.memref_slice %arg11[%dma_wait3A_802, %dma_wait3A_809, %dma_wait3A_810] : memref<16x16x128xf32, #tpu.memory_space<vmem>> -> memref<1x16x128xf32, #tpu.memory_space<vmem>>
      %dma_wait3A_812 = tpu.memref_squeeze %dma_wait3A_811 : memref<1x16x128xf32, #tpu.memory_space<vmem>> -> memref<16x128xf32, #tpu.memory_space<vmem>>
      %dma_wait3A_813 = arith.constant 0 : i32
      %dma_wait3A_814 = tpu.memref_slice %arg4[%dma_wait3A_813, %multiple_of3A_198] : memref<16x1000000xf32, #tpu.memory_space<hbm>> -> memref<16x128xf32, #tpu.memory_space<hbm>>
      tpu.wait_dma2 semaphore(%arg18 : memref<!tpu.dma_semaphore, #tpu.memory_space<semaphore_mem>>) src(%dma_wait3A_814 : memref<16x128xf32, #tpu.memory_space<hbm>>) dst(%dma_wait3A_812 : memref<16x128xf32, #tpu.memory_space<vmem>>)
      %dma_wait3A_815 = arith.constant 2 : i32
      %dma_wait3A_816 = arith.constant 0 : i32
      %dma_wait3A_817 = arith.constant 0 : i32
      %dma_wait3A_818 = tpu.memref_slice %arg12[%dma_wait3A_815, %dma_wait3A_816, %dma_wait3A_817] : memref<16x16x128xf32, #tpu.memory_space<vmem>> -> memref<1x16x128xf32, #tpu.memory_space<vmem>>
      %dma_wait3A_819 = tpu.memref_squeeze %dma_wait3A_818 : memref<1x16x128xf32, #tpu.memory_space<vmem>> -> memref<16x128xf32, #tpu.memory_space<vmem>>
      %dma_wait3A_820 = arith.constant 0 : i32
      %dma_wait3A_821 = tpu.memref_slice %arg5[%dma_wait3A_820, %multiple_of3A_203] : memref<16x1000000xf32, #tpu.memory_space<hbm>> -> memref<16x128xf32, #tpu.memory_space<hbm>>
      %dma_wait3A_822 = arith.constant 0 : i32
      %dma_wait3A_823 = arith.constant 0 : i32
      %dma_wait3A_824 = tpu.memref_slice %arg12[%dma_wait3A_815, %dma_wait3A_822, %dma_wait3A_823] : memref<16x16x128xf32, #tpu.memory_space<vmem>> -> memref<1x16x128xf32, #tpu.memory_space<vmem>>
      %dma_wait3A_825 = tpu.memref_squeeze %dma_wait3A_824 : memref<1x16x128xf32, #tpu.memory_space<vmem>> -> memref<16x128xf32, #tpu.memory_space<vmem>>
      %dma_wait3A_826 = arith.constant 0 : i32
      %dma_wait3A_827 = tpu.memref_slice %arg5[%dma_wait3A_826, %multiple_of3A_203] : memref<16x1000000xf32, #tpu.memory_space<hbm>> -> memref<16x128xf32, #tpu.memory_space<hbm>>
      tpu.wait_dma2 semaphore(%arg18 : memref<!tpu.dma_semaphore, #tpu.memory_space<semaphore_mem>>) src(%dma_wait3A_827 : memref<16x128xf32, #tpu.memory_space<hbm>>) dst(%dma_wait3A_825 : memref<16x128xf32, #tpu.memory_space<vmem>>)
      %dma_wait3A_828 = arith.constant 3 : i32
      %dma_wait3A_829 = arith.constant 0 : i32
      %dma_wait3A_830 = arith.constant 0 : i32
      %dma_wait3A_831 = tpu.memref_slice %arg11[%dma_wait3A_828, %dma_wait3A_829, %dma_wait3A_830] : memref<16x16x128xf32, #tpu.memory_space<vmem>> -> memref<1x16x128xf32, #tpu.memory_space<vmem>>
      %dma_wait3A_832 = tpu.memref_squeeze %dma_wait3A_831 : memref<1x16x128xf32, #tpu.memory_space<vmem>> -> memref<16x128xf32, #tpu.memory_space<vmem>>
      %dma_wait3A_833 = arith.constant 0 : i32
      %dma_wait3A_834 = tpu.memref_slice %arg4[%dma_wait3A_833, %multiple_of3A_238] : memref<16x1000000xf32, #tpu.memory_space<hbm>> -> memref<16x128xf32, #tpu.memory_space<hbm>>
      %dma_wait3A_835 = arith.constant 0 : i32
      %dma_wait3A_836 = arith.constant 0 : i32
      %dma_wait3A_837 = tpu.memref_slice %arg11[%dma_wait3A_828, %dma_wait3A_835, %dma_wait3A_836] : memref<16x16x128xf32, #tpu.memory_space<vmem>> -> memref<1x16x128xf32, #tpu.memory_space<vmem>>
      %dma_wait3A_838 = tpu.memref_squeeze %dma_wait3A_837 : memref<1x16x128xf32, #tpu.memory_space<vmem>> -> memref<16x128xf32, #tpu.memory_space<vmem>>
      %dma_wait3A_839 = arith.constant 0 : i32
      %dma_wait3A_840 = tpu.memref_slice %arg4[%dma_wait3A_839, %multiple_of3A_238] : memref<16x1000000xf32, #tpu.memory_space<hbm>> -> memref<16x128xf32, #tpu.memory_space<hbm>>
      tpu.wait_dma2 semaphore(%arg18 : memref<!tpu.dma_semaphore, #tpu.memory_space<semaphore_mem>>) src(%dma_wait3A_840 : memref<16x128xf32, #tpu.memory_space<hbm>>) dst(%dma_wait3A_838 : memref<16x128xf32, #tpu.memory_space<vmem>>)
      %dma_wait3A_841 = arith.constant 3 : i32
      %dma_wait3A_842 = arith.constant 0 : i32
      %dma_wait3A_843 = arith.constant 0 : i32
      %dma_wait3A_844 = tpu.memref_slice %arg12[%dma_wait3A_841, %dma_wait3A_842, %dma_wait3A_843] : memref<16x16x128xf32, #tpu.memory_space<vmem>> -> memref<1x16x128xf32, #tpu.memory_space<vmem>>
      %dma_wait3A_845 = tpu.memref_squeeze %dma_wait3A_844 : memref<1x16x128xf32, #tpu.memory_space<vmem>> -> memref<16x128xf32, #tpu.memory_space<vmem>>
      %dma_wait3A_846 = arith.constant 0 : i32
      %dma_wait3A_847 = tpu.memref_slice %arg5[%dma_wait3A_846, %multiple_of3A_243] : memref<16x1000000xf32, #tpu.memory_space<hbm>> -> memref<16x128xf32, #tpu.memory_space<hbm>>
      %dma_wait3A_848 = arith.constant 0 : i32
      %dma_wait3A_849 = arith.constant 0 : i32
      %dma_wait3A_850 = tpu.memref_slice %arg12[%dma_wait3A_841, %dma_wait3A_848, %dma_wait3A_849] : memref<16x16x128xf32, #tpu.memory_space<vmem>> -> memref<1x16x128xf32, #tpu.memory_space<vmem>>
      %dma_wait3A_851 = tpu.memref_squeeze %dma_wait3A_850 : memref<1x16x128xf32, #tpu.memory_space<vmem>> -> memref<16x128xf32, #tpu.memory_space<vmem>>
      %dma_wait3A_852 = arith.constant 0 : i32
      %dma_wait3A_853 = tpu.memref_slice %arg5[%dma_wait3A_852, %multiple_of3A_243] : memref<16x1000000xf32, #tpu.memory_space<hbm>> -> memref<16x128xf32, #tpu.memory_space<hbm>>
      tpu.wait_dma2 semaphore(%arg18 : memref<!tpu.dma_semaphore, #tpu.memory_space<semaphore_mem>>) src(%dma_wait3A_853 : memref<16x128xf32, #tpu.memory_space<hbm>>) dst(%dma_wait3A_851 : memref<16x128xf32, #tpu.memory_space<vmem>>)
      %dma_wait3A_854 = arith.constant 4 : i32
      %dma_wait3A_855 = arith.constant 0 : i32
      %dma_wait3A_856 = arith.constant 0 : i32
      %dma_wait3A_857 = tpu.memref_slice %arg11[%dma_wait3A_854, %dma_wait3A_855, %dma_wait3A_856] : memref<16x16x128xf32, #tpu.memory_space<vmem>> -> memref<1x16x128xf32, #tpu.memory_space<vmem>>
      %dma_wait3A_858 = tpu.memref_squeeze %dma_wait3A_857 : memref<1x16x128xf32, #tpu.memory_space<vmem>> -> memref<16x128xf32, #tpu.memory_space<vmem>>
      %dma_wait3A_859 = arith.constant 0 : i32
      %dma_wait3A_860 = tpu.memref_slice %arg4[%dma_wait3A_859, %multiple_of3A_278] : memref<16x1000000xf32, #tpu.memory_space<hbm>> -> memref<16x128xf32, #tpu.memory_space<hbm>>
      %dma_wait3A_861 = arith.constant 0 : i32
      %dma_wait3A_862 = arith.constant 0 : i32
      %dma_wait3A_863 = tpu.memref_slice %arg11[%dma_wait3A_854, %dma_wait3A_861, %dma_wait3A_862] : memref<16x16x128xf32, #tpu.memory_space<vmem>> -> memref<1x16x128xf32, #tpu.memory_space<vmem>>
      %dma_wait3A_864 = tpu.memref_squeeze %dma_wait3A_863 : memref<1x16x128xf32, #tpu.memory_space<vmem>> -> memref<16x128xf32, #tpu.memory_space<vmem>>
      %dma_wait3A_865 = arith.constant 0 : i32
      %dma_wait3A_866 = tpu.memref_slice %arg4[%dma_wait3A_865, %multiple_of3A_278] : memref<16x1000000xf32, #tpu.memory_space<hbm>> -> memref<16x128xf32, #tpu.memory_space<hbm>>
      tpu.wait_dma2 semaphore(%arg18 : memref<!tpu.dma_semaphore, #tpu.memory_space<semaphore_mem>>) src(%dma_wait3A_866 : memref<16x128xf32, #tpu.memory_space<hbm>>) dst(%dma_wait3A_864 : memref<16x128xf32, #tpu.memory_space<vmem>>)
      %dma_wait3A_867 = arith.constant 4 : i32
      %dma_wait3A_868 = arith.constant 0 : i32
      %dma_wait3A_869 = arith.constant 0 : i32
      %dma_wait3A_870 = tpu.memref_slice %arg12[%dma_wait3A_867, %dma_wait3A_868, %dma_wait3A_869] : memref<16x16x128xf32, #tpu.memory_space<vmem>> -> memref<1x16x128xf32, #tpu.memory_space<vmem>>
      %dma_wait3A_871 = tpu.memref_squeeze %dma_wait3A_870 : memref<1x16x128xf32, #tpu.memory_space<vmem>> -> memref<16x128xf32, #tpu.memory_space<vmem>>
      %dma_wait3A_872 = arith.constant 0 : i32
      %dma_wait3A_873 = tpu.memref_slice %arg5[%dma_wait3A_872, %multiple_of3A_283] : memref<16x1000000xf32, #tpu.memory_space<hbm>> -> memref<16x128xf32, #tpu.memory_space<hbm>>
      %dma_wait3A_874 = arith.constant 0 : i32
      %dma_wait3A_875 = arith.constant 0 : i32
      %dma_wait3A_876 = tpu.memref_slice %arg12[%dma_wait3A_867, %dma_wait3A_874, %dma_wait3A_875] : memref<16x16x128xf32, #tpu.memory_space<vmem>> -> memref<1x16x128xf32, #tpu.memory_space<vmem>>
      %dma_wait3A_877 = tpu.memref_squeeze %dma_wait3A_876 : memref<1x16x128xf32, #tpu.memory_space<vmem>> -> memref<16x128xf32, #tpu.memory_space<vmem>>
      %dma_wait3A_878 = arith.constant 0 : i32
      %dma_wait3A_879 = tpu.memref_slice %arg5[%dma_wait3A_878, %multiple_of3A_283] : memref<16x1000000xf32, #tpu.memory_space<hbm>> -> memref<16x128xf32, #tpu.memory_space<hbm>>
      tpu.wait_dma2 semaphore(%arg18 : memref<!tpu.dma_semaphore, #tpu.memory_space<semaphore_mem>>) src(%dma_wait3A_879 : memref<16x128xf32, #tpu.memory_space<hbm>>) dst(%dma_wait3A_877 : memref<16x128xf32, #tpu.memory_space<vmem>>)
      %dma_wait3A_880 = arith.constant 5 : i32
      %dma_wait3A_881 = arith.constant 0 : i32
      %dma_wait3A_882 = arith.constant 0 : i32
      %dma_wait3A_883 = tpu.memref_slice %arg11[%dma_wait3A_880, %dma_wait3A_881, %dma_wait3A_882] : memref<16x16x128xf32, #tpu.memory_space<vmem>> -> memref<1x16x128xf32, #tpu.memory_space<vmem>>
      %dma_wait3A_884 = tpu.memref_squeeze %dma_wait3A_883 : memref<1x16x128xf32, #tpu.memory_space<vmem>> -> memref<16x128xf32, #tpu.memory_space<vmem>>
      %dma_wait3A_885 = arith.constant 0 : i32
      %dma_wait3A_886 = tpu.memref_slice %arg4[%dma_wait3A_885, %multiple_of3A_318] : memref<16x1000000xf32, #tpu.memory_space<hbm>> -> memref<16x128xf32, #tpu.memory_space<hbm>>
      %dma_wait3A_887 = arith.constant 0 : i32
      %dma_wait3A_888 = arith.constant 0 : i32
      %dma_wait3A_889 = tpu.memref_slice %arg11[%dma_wait3A_880, %dma_wait3A_887, %dma_wait3A_888] : memref<16x16x128xf32, #tpu.memory_space<vmem>> -> memref<1x16x128xf32, #tpu.memory_space<vmem>>
      %dma_wait3A_890 = tpu.memref_squeeze %dma_wait3A_889 : memref<1x16x128xf32, #tpu.memory_space<vmem>> -> memref<16x128xf32, #tpu.memory_space<vmem>>
      %dma_wait3A_891 = arith.constant 0 : i32
      %dma_wait3A_892 = tpu.memref_slice %arg4[%dma_wait3A_891, %multiple_of3A_318] : memref<16x1000000xf32, #tpu.memory_space<hbm>> -> memref<16x128xf32, #tpu.memory_space<hbm>>
      tpu.wait_dma2 semaphore(%arg18 : memref<!tpu.dma_semaphore, #tpu.memory_space<semaphore_mem>>) src(%dma_wait3A_892 : memref<16x128xf32, #tpu.memory_space<hbm>>) dst(%dma_wait3A_890 : memref<16x128xf32, #tpu.memory_space<vmem>>)
      %dma_wait3A_893 = arith.constant 5 : i32
      %dma_wait3A_894 = arith.constant 0 : i32
      %dma_wait3A_895 = arith.constant 0 : i32
      %dma_wait3A_896 = tpu.memref_slice %arg12[%dma_wait3A_893, %dma_wait3A_894, %dma_wait3A_895] : memref<16x16x128xf32, #tpu.memory_space<vmem>> -> memref<1x16x128xf32, #tpu.memory_space<vmem>>
      %dma_wait3A_897 = tpu.memref_squeeze %dma_wait3A_896 : memref<1x16x128xf32, #tpu.memory_space<vmem>> -> memref<16x128xf32, #tpu.memory_space<vmem>>
      %dma_wait3A_898 = arith.constant 0 : i32
      %dma_wait3A_899 = tpu.memref_slice %arg5[%dma_wait3A_898, %multiple_of3A_323] : memref<16x1000000xf32, #tpu.memory_space<hbm>> -> memref<16x128xf32, #tpu.memory_space<hbm>>
      %dma_wait3A_900 = arith.constant 0 : i32
      %dma_wait3A_901 = arith.constant 0 : i32
      %dma_wait3A_902 = tpu.memref_slice %arg12[%dma_wait3A_893, %dma_wait3A_900, %dma_wait3A_901] : memref<16x16x128xf32, #tpu.memory_space<vmem>> -> memref<1x16x128xf32, #tpu.memory_space<vmem>>
      %dma_wait3A_903 = tpu.memref_squeeze %dma_wait3A_902 : memref<1x16x128xf32, #tpu.memory_space<vmem>> -> memref<16x128xf32, #tpu.memory_space<vmem>>
      %dma_wait3A_904 = arith.constant 0 : i32
      %dma_wait3A_905 = tpu.memref_slice %arg5[%dma_wait3A_904, %multiple_of3A_323] : memref<16x1000000xf32, #tpu.memory_space<hbm>> -> memref<16x128xf32, #tpu.memory_space<hbm>>
      tpu.wait_dma2 semaphore(%arg18 : memref<!tpu.dma_semaphore, #tpu.memory_space<semaphore_mem>>) src(%dma_wait3A_905 : memref<16x128xf32, #tpu.memory_space<hbm>>) dst(%dma_wait3A_903 : memref<16x128xf32, #tpu.memory_space<vmem>>)
      %dma_wait3A_906 = arith.constant 6 : i32
      %dma_wait3A_907 = arith.constant 0 : i32
      %dma_wait3A_908 = arith.constant 0 : i32
      %dma_wait3A_909 = tpu.memref_slice %arg11[%dma_wait3A_906, %dma_wait3A_907, %dma_wait3A_908] : memref<16x16x128xf32, #tpu.memory_space<vmem>> -> memref<1x16x128xf32, #tpu.memory_space<vmem>>
      %dma_wait3A_910 = tpu.memref_squeeze %dma_wait3A_909 : memref<1x16x128xf32, #tpu.memory_space<vmem>> -> memref<16x128xf32, #tpu.memory_space<vmem>>
      %dma_wait3A_911 = arith.constant 0 : i32
      %dma_wait3A_912 = tpu.memref_slice %arg4[%dma_wait3A_911, %multiple_of3A_358] : memref<16x1000000xf32, #tpu.memory_space<hbm>> -> memref<16x128xf32, #tpu.memory_space<hbm>>
      %dma_wait3A_913 = arith.constant 0 : i32
      %dma_wait3A_914 = arith.constant 0 : i32
      %dma_wait3A_915 = tpu.memref_slice %arg11[%dma_wait3A_906, %dma_wait3A_913, %dma_wait3A_914] : memref<16x16x128xf32, #tpu.memory_space<vmem>> -> memref<1x16x128xf32, #tpu.memory_space<vmem>>
      %dma_wait3A_916 = tpu.memref_squeeze %dma_wait3A_915 : memref<1x16x128xf32, #tpu.memory_space<vmem>> -> memref<16x128xf32, #tpu.memory_space<vmem>>
      %dma_wait3A_917 = arith.constant 0 : i32
      %dma_wait3A_918 = tpu.memref_slice %arg4[%dma_wait3A_917, %multiple_of3A_358] : memref<16x1000000xf32, #tpu.memory_space<hbm>> -> memref<16x128xf32, #tpu.memory_space<hbm>>
      tpu.wait_dma2 semaphore(%arg18 : memref<!tpu.dma_semaphore, #tpu.memory_space<semaphore_mem>>) src(%dma_wait3A_918 : memref<16x128xf32, #tpu.memory_space<hbm>>) dst(%dma_wait3A_916 : memref<16x128xf32, #tpu.memory_space<vmem>>)
      %dma_wait3A_919 = arith.constant 6 : i32
      %dma_wait3A_920 = arith.constant 0 : i32
      %dma_wait3A_921 = arith.constant 0 : i32
      %dma_wait3A_922 = tpu.memref_slice %arg12[%dma_wait3A_919, %dma_wait3A_920, %dma_wait3A_921] : memref<16x16x128xf32, #tpu.memory_space<vmem>> -> memref<1x16x128xf32, #tpu.memory_space<vmem>>
      %dma_wait3A_923 = tpu.memref_squeeze %dma_wait3A_922 : memref<1x16x128xf32, #tpu.memory_space<vmem>> -> memref<16x128xf32, #tpu.memory_space<vmem>>
      %dma_wait3A_924 = arith.constant 0 : i32
      %dma_wait3A_925 = tpu.memref_slice %arg5[%dma_wait3A_924, %multiple_of3A_363] : memref<16x1000000xf32, #tpu.memory_space<hbm>> -> memref<16x128xf32, #tpu.memory_space<hbm>>
      %dma_wait3A_926 = arith.constant 0 : i32
      %dma_wait3A_927 = arith.constant 0 : i32
      %dma_wait3A_928 = tpu.memref_slice %arg12[%dma_wait3A_919, %dma_wait3A_926, %dma_wait3A_927] : memref<16x16x128xf32, #tpu.memory_space<vmem>> -> memref<1x16x128xf32, #tpu.memory_space<vmem>>
      %dma_wait3A_929 = tpu.memref_squeeze %dma_wait3A_928 : memref<1x16x128xf32, #tpu.memory_space<vmem>> -> memref<16x128xf32, #tpu.memory_space<vmem>>
      %dma_wait3A_930 = arith.constant 0 : i32
      %dma_wait3A_931 = tpu.memref_slice %arg5[%dma_wait3A_930, %multiple_of3A_363] : memref<16x1000000xf32, #tpu.memory_space<hbm>> -> memref<16x128xf32, #tpu.memory_space<hbm>>
      tpu.wait_dma2 semaphore(%arg18 : memref<!tpu.dma_semaphore, #tpu.memory_space<semaphore_mem>>) src(%dma_wait3A_931 : memref<16x128xf32, #tpu.memory_space<hbm>>) dst(%dma_wait3A_929 : memref<16x128xf32, #tpu.memory_space<vmem>>)
      %dma_wait3A_932 = arith.constant 7 : i32
      %dma_wait3A_933 = arith.constant 0 : i32
      %dma_wait3A_934 = arith.constant 0 : i32
      %dma_wait3A_935 = tpu.memref_slice %arg11[%dma_wait3A_932, %dma_wait3A_933, %dma_wait3A_934] : memref<16x16x128xf32, #tpu.memory_space<vmem>> -> memref<1x16x128xf32, #tpu.memory_space<vmem>>
      %dma_wait3A_936 = tpu.memref_squeeze %dma_wait3A_935 : memref<1x16x128xf32, #tpu.memory_space<vmem>> -> memref<16x128xf32, #tpu.memory_space<vmem>>
      %dma_wait3A_937 = arith.constant 0 : i32
      %dma_wait3A_938 = tpu.memref_slice %arg4[%dma_wait3A_937, %multiple_of3A_398] : memref<16x1000000xf32, #tpu.memory_space<hbm>> -> memref<16x128xf32, #tpu.memory_space<hbm>>
      %dma_wait3A_939 = arith.constant 0 : i32
      %dma_wait3A_940 = arith.constant 0 : i32
      %dma_wait3A_941 = tpu.memref_slice %arg11[%dma_wait3A_932, %dma_wait3A_939, %dma_wait3A_940] : memref<16x16x128xf32, #tpu.memory_space<vmem>> -> memref<1x16x128xf32, #tpu.memory_space<vmem>>
      %dma_wait3A_942 = tpu.memref_squeeze %dma_wait3A_941 : memref<1x16x128xf32, #tpu.memory_space<vmem>> -> memref<16x128xf32, #tpu.memory_space<vmem>>
      %dma_wait3A_943 = arith.constant 0 : i32
      %dma_wait3A_944 = tpu.memref_slice %arg4[%dma_wait3A_943, %multiple_of3A_398] : memref<16x1000000xf32, #tpu.memory_space<hbm>> -> memref<16x128xf32, #tpu.memory_space<hbm>>
      tpu.wait_dma2 semaphore(%arg18 : memref<!tpu.dma_semaphore, #tpu.memory_space<semaphore_mem>>) src(%dma_wait3A_944 : memref<16x128xf32, #tpu.memory_space<hbm>>) dst(%dma_wait3A_942 : memref<16x128xf32, #tpu.memory_space<vmem>>)
      %dma_wait3A_945 = arith.constant 7 : i32
      %dma_wait3A_946 = arith.constant 0 : i32
      %dma_wait3A_947 = arith.constant 0 : i32
      %dma_wait3A_948 = tpu.memref_slice %arg12[%dma_wait3A_945, %dma_wait3A_946, %dma_wait3A_947] : memref<16x16x128xf32, #tpu.memory_space<vmem>> -> memref<1x16x128xf32, #tpu.memory_space<vmem>>
      %dma_wait3A_949 = tpu.memref_squeeze %dma_wait3A_948 : memref<1x16x128xf32, #tpu.memory_space<vmem>> -> memref<16x128xf32, #tpu.memory_space<vmem>>
      %dma_wait3A_950 = arith.constant 0 : i32
      %dma_wait3A_951 = tpu.memref_slice %arg5[%dma_wait3A_950, %multiple_of3A_403] : memref<16x1000000xf32, #tpu.memory_space<hbm>> -> memref<16x128xf32, #tpu.memory_space<hbm>>
      %dma_wait3A_952 = arith.constant 0 : i32
      %dma_wait3A_953 = arith.constant 0 : i32
      %dma_wait3A_954 = tpu.memref_slice %arg12[%dma_wait3A_945, %dma_wait3A_952, %dma_wait3A_953] : memref<16x16x128xf32, #tpu.memory_space<vmem>> -> memref<1x16x128xf32, #tpu.memory_space<vmem>>
      %dma_wait3A_955 = tpu.memref_squeeze %dma_wait3A_954 : memref<1x16x128xf32, #tpu.memory_space<vmem>> -> memref<16x128xf32, #tpu.memory_space<vmem>>
      %dma_wait3A_956 = arith.constant 0 : i32
      %dma_wait3A_957 = tpu.memref_slice %arg5[%dma_wait3A_956, %multiple_of3A_403] : memref<16x1000000xf32, #tpu.memory_space<hbm>> -> memref<16x128xf32, #tpu.memory_space<hbm>>
      tpu.wait_dma2 semaphore(%arg18 : memref<!tpu.dma_semaphore, #tpu.memory_space<semaphore_mem>>) src(%dma_wait3A_957 : memref<16x128xf32, #tpu.memory_space<hbm>>) dst(%dma_wait3A_955 : memref<16x128xf32, #tpu.memory_space<vmem>>)
      %dma_wait3A_958 = arith.constant 8 : i32
      %dma_wait3A_959 = arith.constant 0 : i32
      %dma_wait3A_960 = arith.constant 0 : i32
      %dma_wait3A_961 = tpu.memref_slice %arg11[%dma_wait3A_958, %dma_wait3A_959, %dma_wait3A_960] : memref<16x16x128xf32, #tpu.memory_space<vmem>> -> memref<1x16x128xf32, #tpu.memory_space<vmem>>
      %dma_wait3A_962 = tpu.memref_squeeze %dma_wait3A_961 : memref<1x16x128xf32, #tpu.memory_space<vmem>> -> memref<16x128xf32, #tpu.memory_space<vmem>>
      %dma_wait3A_963 = arith.constant 0 : i32
      %dma_wait3A_964 = tpu.memref_slice %arg4[%dma_wait3A_963, %multiple_of3A_438] : memref<16x1000000xf32, #tpu.memory_space<hbm>> -> memref<16x128xf32, #tpu.memory_space<hbm>>
      %dma_wait3A_965 = arith.constant 0 : i32
      %dma_wait3A_966 = arith.constant 0 : i32
      %dma_wait3A_967 = tpu.memref_slice %arg11[%dma_wait3A_958, %dma_wait3A_965, %dma_wait3A_966] : memref<16x16x128xf32, #tpu.memory_space<vmem>> -> memref<1x16x128xf32, #tpu.memory_space<vmem>>
      %dma_wait3A_968 = tpu.memref_squeeze %dma_wait3A_967 : memref<1x16x128xf32, #tpu.memory_space<vmem>> -> memref<16x128xf32, #tpu.memory_space<vmem>>
      %dma_wait3A_969 = arith.constant 0 : i32
      %dma_wait3A_970 = tpu.memref_slice %arg4[%dma_wait3A_969, %multiple_of3A_438] : memref<16x1000000xf32, #tpu.memory_space<hbm>> -> memref<16x128xf32, #tpu.memory_space<hbm>>
      tpu.wait_dma2 semaphore(%arg18 : memref<!tpu.dma_semaphore, #tpu.memory_space<semaphore_mem>>) src(%dma_wait3A_970 : memref<16x128xf32, #tpu.memory_space<hbm>>) dst(%dma_wait3A_968 : memref<16x128xf32, #tpu.memory_space<vmem>>)
      %dma_wait3A_971 = arith.constant 8 : i32
      %dma_wait3A_972 = arith.constant 0 : i32
      %dma_wait3A_973 = arith.constant 0 : i32
      %dma_wait3A_974 = tpu.memref_slice %arg12[%dma_wait3A_971, %dma_wait3A_972, %dma_wait3A_973] : memref<16x16x128xf32, #tpu.memory_space<vmem>> -> memref<1x16x128xf32, #tpu.memory_space<vmem>>
      %dma_wait3A_975 = tpu.memref_squeeze %dma_wait3A_974 : memref<1x16x128xf32, #tpu.memory_space<vmem>> -> memref<16x128xf32, #tpu.memory_space<vmem>>
      %dma_wait3A_976 = arith.constant 0 : i32
      %dma_wait3A_977 = tpu.memref_slice %arg5[%dma_wait3A_976, %multiple_of3A_443] : memref<16x1000000xf32, #tpu.memory_space<hbm>> -> memref<16x128xf32, #tpu.memory_space<hbm>>
      %dma_wait3A_978 = arith.constant 0 : i32
      %dma_wait3A_979 = arith.constant 0 : i32
      %dma_wait3A_980 = tpu.memref_slice %arg12[%dma_wait3A_971, %dma_wait3A_978, %dma_wait3A_979] : memref<16x16x128xf32, #tpu.memory_space<vmem>> -> memref<1x16x128xf32, #tpu.memory_space<vmem>>
      %dma_wait3A_981 = tpu.memref_squeeze %dma_wait3A_980 : memref<1x16x128xf32, #tpu.memory_space<vmem>> -> memref<16x128xf32, #tpu.memory_space<vmem>>
      %dma_wait3A_982 = arith.constant 0 : i32
      %dma_wait3A_983 = tpu.memref_slice %arg5[%dma_wait3A_982, %multiple_of3A_443] : memref<16x1000000xf32, #tpu.memory_space<hbm>> -> memref<16x128xf32, #tpu.memory_space<hbm>>
      tpu.wait_dma2 semaphore(%arg18 : memref<!tpu.dma_semaphore, #tpu.memory_space<semaphore_mem>>) src(%dma_wait3A_983 : memref<16x128xf32, #tpu.memory_space<hbm>>) dst(%dma_wait3A_981 : memref<16x128xf32, #tpu.memory_space<vmem>>)
      %dma_wait3A_984 = arith.constant 9 : i32
      %dma_wait3A_985 = arith.constant 0 : i32
      %dma_wait3A_986 = arith.constant 0 : i32
      %dma_wait3A_987 = tpu.memref_slice %arg11[%dma_wait3A_984, %dma_wait3A_985, %dma_wait3A_986] : memref<16x16x128xf32, #tpu.memory_space<vmem>> -> memref<1x16x128xf32, #tpu.memory_space<vmem>>
      %dma_wait3A_988 = tpu.memref_squeeze %dma_wait3A_987 : memref<1x16x128xf32, #tpu.memory_space<vmem>> -> memref<16x128xf32, #tpu.memory_space<vmem>>
      %dma_wait3A_989 = arith.constant 0 : i32
      %dma_wait3A_990 = tpu.memref_slice %arg4[%dma_wait3A_989, %multiple_of3A_478] : memref<16x1000000xf32, #tpu.memory_space<hbm>> -> memref<16x128xf32, #tpu.memory_space<hbm>>
      %dma_wait3A_991 = arith.constant 0 : i32
      %dma_wait3A_992 = arith.constant 0 : i32
      %dma_wait3A_993 = tpu.memref_slice %arg11[%dma_wait3A_984, %dma_wait3A_991, %dma_wait3A_992] : memref<16x16x128xf32, #tpu.memory_space<vmem>> -> memref<1x16x128xf32, #tpu.memory_space<vmem>>
      %dma_wait3A_994 = tpu.memref_squeeze %dma_wait3A_993 : memref<1x16x128xf32, #tpu.memory_space<vmem>> -> memref<16x128xf32, #tpu.memory_space<vmem>>
      %dma_wait3A_995 = arith.constant 0 : i32
      %dma_wait3A_996 = tpu.memref_slice %arg4[%dma_wait3A_995, %multiple_of3A_478] : memref<16x1000000xf32, #tpu.memory_space<hbm>> -> memref<16x128xf32, #tpu.memory_space<hbm>>
      tpu.wait_dma2 semaphore(%arg18 : memref<!tpu.dma_semaphore, #tpu.memory_space<semaphore_mem>>) src(%dma_wait3A_996 : memref<16x128xf32, #tpu.memory_space<hbm>>) dst(%dma_wait3A_994 : memref<16x128xf32, #tpu.memory_space<vmem>>)
      %dma_wait3A_997 = arith.constant 9 : i32
      %dma_wait3A_998 = arith.constant 0 : i32
      %dma_wait3A_999 = arith.constant 0 : i32
      %dma_wait3A_1000 = tpu.memref_slice %arg12[%dma_wait3A_997, %dma_wait3A_998, %dma_wait3A_999] : memref<16x16x128xf32, #tpu.memory_space<vmem>> -> memref<1x16x128xf32, #tpu.memory_space<vmem>>
      %dma_wait3A_1001 = tpu.memref_squeeze %dma_wait3A_1000 : memref<1x16x128xf32, #tpu.memory_space<vmem>> -> memref<16x128xf32, #tpu.memory_space<vmem>>
      %dma_wait3A_1002 = arith.constant 0 : i32
      %dma_wait3A_1003 = tpu.memref_slice %arg5[%dma_wait3A_1002, %multiple_of3A_483] : memref<16x1000000xf32, #tpu.memory_space<hbm>> -> memref<16x128xf32, #tpu.memory_space<hbm>>
      %dma_wait3A_1004 = arith.constant 0 : i32
      %dma_wait3A_1005 = arith.constant 0 : i32
      %dma_wait3A_1006 = tpu.memref_slice %arg12[%dma_wait3A_997, %dma_wait3A_1004, %dma_wait3A_1005] : memref<16x16x128xf32, #tpu.memory_space<vmem>> -> memref<1x16x128xf32, #tpu.memory_space<vmem>>
      %dma_wait3A_1007 = tpu.memref_squeeze %dma_wait3A_1006 : memref<1x16x128xf32, #tpu.memory_space<vmem>> -> memref<16x128xf32, #tpu.memory_space<vmem>>
      %dma_wait3A_1008 = arith.constant 0 : i32
      %dma_wait3A_1009 = tpu.memref_slice %arg5[%dma_wait3A_1008, %multiple_of3A_483] : memref<16x1000000xf32, #tpu.memory_space<hbm>> -> memref<16x128xf32, #tpu.memory_space<hbm>>
      tpu.wait_dma2 semaphore(%arg18 : memref<!tpu.dma_semaphore, #tpu.memory_space<semaphore_mem>>) src(%dma_wait3A_1009 : memref<16x128xf32, #tpu.memory_space<hbm>>) dst(%dma_wait3A_1007 : memref<16x128xf32, #tpu.memory_space<vmem>>)
      %dma_wait3A_1010 = arith.constant 10 : i32
      %dma_wait3A_1011 = arith.constant 0 : i32
      %dma_wait3A_1012 = arith.constant 0 : i32
      %dma_wait3A_1013 = tpu.memref_slice %arg11[%dma_wait3A_1010, %dma_wait3A_1011, %dma_wait3A_1012] : memref<16x16x128xf32, #tpu.memory_space<vmem>> -> memref<1x16x128xf32, #tpu.memory_space<vmem>>
      %dma_wait3A_1014 = tpu.memref_squeeze %dma_wait3A_1013 : memref<1x16x128xf32, #tpu.memory_space<vmem>> -> memref<16x128xf32, #tpu.memory_space<vmem>>
      %dma_wait3A_1015 = arith.constant 0 : i32
      %dma_wait3A_1016 = tpu.memref_slice %arg4[%dma_wait3A_1015, %multiple_of3A_518] : memref<16x1000000xf32, #tpu.memory_space<hbm>> -> memref<16x128xf32, #tpu.memory_space<hbm>>
      %dma_wait3A_1017 = arith.constant 0 : i32
      %dma_wait3A_1018 = arith.constant 0 : i32
      %dma_wait3A_1019 = tpu.memref_slice %arg11[%dma_wait3A_1010, %dma_wait3A_1017, %dma_wait3A_1018] : memref<16x16x128xf32, #tpu.memory_space<vmem>> -> memref<1x16x128xf32, #tpu.memory_space<vmem>>
      %dma_wait3A_1020 = tpu.memref_squeeze %dma_wait3A_1019 : memref<1x16x128xf32, #tpu.memory_space<vmem>> -> memref<16x128xf32, #tpu.memory_space<vmem>>
      %dma_wait3A_1021 = arith.constant 0 : i32
      %dma_wait3A_1022 = tpu.memref_slice %arg4[%dma_wait3A_1021, %multiple_of3A_518] : memref<16x1000000xf32, #tpu.memory_space<hbm>> -> memref<16x128xf32, #tpu.memory_space<hbm>>
      tpu.wait_dma2 semaphore(%arg18 : memref<!tpu.dma_semaphore, #tpu.memory_space<semaphore_mem>>) src(%dma_wait3A_1022 : memref<16x128xf32, #tpu.memory_space<hbm>>) dst(%dma_wait3A_1020 : memref<16x128xf32, #tpu.memory_space<vmem>>)
      %dma_wait3A_1023 = arith.constant 10 : i32
      %dma_wait3A_1024 = arith.constant 0 : i32
      %dma_wait3A_1025 = arith.constant 0 : i32
      %dma_wait3A_1026 = tpu.memref_slice %arg12[%dma_wait3A_1023, %dma_wait3A_1024, %dma_wait3A_1025] : memref<16x16x128xf32, #tpu.memory_space<vmem>> -> memref<1x16x128xf32, #tpu.memory_space<vmem>>
      %dma_wait3A_1027 = tpu.memref_squeeze %dma_wait3A_1026 : memref<1x16x128xf32, #tpu.memory_space<vmem>> -> memref<16x128xf32, #tpu.memory_space<vmem>>
      %dma_wait3A_1028 = arith.constant 0 : i32
      %dma_wait3A_1029 = tpu.memref_slice %arg5[%dma_wait3A_1028, %multiple_of3A_523] : memref<16x1000000xf32, #tpu.memory_space<hbm>> -> memref<16x128xf32, #tpu.memory_space<hbm>>
      %dma_wait3A_1030 = arith.constant 0 : i32
      %dma_wait3A_1031 = arith.constant 0 : i32
      %dma_wait3A_1032 = tpu.memref_slice %arg12[%dma_wait3A_1023, %dma_wait3A_1030, %dma_wait3A_1031] : memref<16x16x128xf32, #tpu.memory_space<vmem>> -> memref<1x16x128xf32, #tpu.memory_space<vmem>>
      %dma_wait3A_1033 = tpu.memref_squeeze %dma_wait3A_1032 : memref<1x16x128xf32, #tpu.memory_space<vmem>> -> memref<16x128xf32, #tpu.memory_space<vmem>>
      %dma_wait3A_1034 = arith.constant 0 : i32
      %dma_wait3A_1035 = tpu.memref_slice %arg5[%dma_wait3A_1034, %multiple_of3A_523] : memref<16x1000000xf32, #tpu.memory_space<hbm>> -> memref<16x128xf32, #tpu.memory_space<hbm>>
      tpu.wait_dma2 semaphore(%arg18 : memref<!tpu.dma_semaphore, #tpu.memory_space<semaphore_mem>>) src(%dma_wait3A_1035 : memref<16x128xf32, #tpu.memory_space<hbm>>) dst(%dma_wait3A_1033 : memref<16x128xf32, #tpu.memory_space<vmem>>)
      %dma_wait3A_1036 = arith.constant 11 : i32
      %dma_wait3A_1037 = arith.constant 0 : i32
      %dma_wait3A_1038 = arith.constant 0 : i32
      %dma_wait3A_1039 = tpu.memref_slice %arg11[%dma_wait3A_1036, %dma_wait3A_1037, %dma_wait3A_1038] : memref<16x16x128xf32, #tpu.memory_space<vmem>> -> memref<1x16x128xf32, #tpu.memory_space<vmem>>
      %dma_wait3A_1040 = tpu.memref_squeeze %dma_wait3A_1039 : memref<1x16x128xf32, #tpu.memory_space<vmem>> -> memref<16x128xf32, #tpu.memory_space<vmem>>
      %dma_wait3A_1041 = arith.constant 0 : i32
      %dma_wait3A_1042 = tpu.memref_slice %arg4[%dma_wait3A_1041, %multiple_of3A_558] : memref<16x1000000xf32, #tpu.memory_space<hbm>> -> memref<16x128xf32, #tpu.memory_space<hbm>>
      %dma_wait3A_1043 = arith.constant 0 : i32
      %dma_wait3A_1044 = arith.constant 0 : i32
      %dma_wait3A_1045 = tpu.memref_slice %arg11[%dma_wait3A_1036, %dma_wait3A_1043, %dma_wait3A_1044] : memref<16x16x128xf32, #tpu.memory_space<vmem>> -> memref<1x16x128xf32, #tpu.memory_space<vmem>>
      %dma_wait3A_1046 = tpu.memref_squeeze %dma_wait3A_1045 : memref<1x16x128xf32, #tpu.memory_space<vmem>> -> memref<16x128xf32, #tpu.memory_space<vmem>>
      %dma_wait3A_1047 = arith.constant 0 : i32
      %dma_wait3A_1048 = tpu.memref_slice %arg4[%dma_wait3A_1047, %multiple_of3A_558] : memref<16x1000000xf32, #tpu.memory_space<hbm>> -> memref<16x128xf32, #tpu.memory_space<hbm>>
      tpu.wait_dma2 semaphore(%arg18 : memref<!tpu.dma_semaphore, #tpu.memory_space<semaphore_mem>>) src(%dma_wait3A_1048 : memref<16x128xf32, #tpu.memory_space<hbm>>) dst(%dma_wait3A_1046 : memref<16x128xf32, #tpu.memory_space<vmem>>)
      %dma_wait3A_1049 = arith.constant 11 : i32
      %dma_wait3A_1050 = arith.constant 0 : i32
      %dma_wait3A_1051 = arith.constant 0 : i32
      %dma_wait3A_1052 = tpu.memref_slice %arg12[%dma_wait3A_1049, %dma_wait3A_1050, %dma_wait3A_1051] : memref<16x16x128xf32, #tpu.memory_space<vmem>> -> memref<1x16x128xf32, #tpu.memory_space<vmem>>
      %dma_wait3A_1053 = tpu.memref_squeeze %dma_wait3A_1052 : memref<1x16x128xf32, #tpu.memory_space<vmem>> -> memref<16x128xf32, #tpu.memory_space<vmem>>
      %dma_wait3A_1054 = arith.constant 0 : i32
      %dma_wait3A_1055 = tpu.memref_slice %arg5[%dma_wait3A_1054, %multiple_of3A_563] : memref<16x1000000xf32, #tpu.memory_space<hbm>> -> memref<16x128xf32, #tpu.memory_space<hbm>>
      %dma_wait3A_1056 = arith.constant 0 : i32
      %dma_wait3A_1057 = arith.constant 0 : i32
      %dma_wait3A_1058 = tpu.memref_slice %arg12[%dma_wait3A_1049, %dma_wait3A_1056, %dma_wait3A_1057] : memref<16x16x128xf32, #tpu.memory_space<vmem>> -> memref<1x16x128xf32, #tpu.memory_space<vmem>>
      %dma_wait3A_1059 = tpu.memref_squeeze %dma_wait3A_1058 : memref<1x16x128xf32, #tpu.memory_space<vmem>> -> memref<16x128xf32, #tpu.memory_space<vmem>>
      %dma_wait3A_1060 = arith.constant 0 : i32
      %dma_wait3A_1061 = tpu.memref_slice %arg5[%dma_wait3A_1060, %multiple_of3A_563] : memref<16x1000000xf32, #tpu.memory_space<hbm>> -> memref<16x128xf32, #tpu.memory_space<hbm>>
      tpu.wait_dma2 semaphore(%arg18 : memref<!tpu.dma_semaphore, #tpu.memory_space<semaphore_mem>>) src(%dma_wait3A_1061 : memref<16x128xf32, #tpu.memory_space<hbm>>) dst(%dma_wait3A_1059 : memref<16x128xf32, #tpu.memory_space<vmem>>)
      %dma_wait3A_1062 = arith.constant 12 : i32
      %dma_wait3A_1063 = arith.constant 0 : i32
      %dma_wait3A_1064 = arith.constant 0 : i32
      %dma_wait3A_1065 = tpu.memref_slice %arg11[%dma_wait3A_1062, %dma_wait3A_1063, %dma_wait3A_1064] : memref<16x16x128xf32, #tpu.memory_space<vmem>> -> memref<1x16x128xf32, #tpu.memory_space<vmem>>
      %dma_wait3A_1066 = tpu.memref_squeeze %dma_wait3A_1065 : memref<1x16x128xf32, #tpu.memory_space<vmem>> -> memref<16x128xf32, #tpu.memory_space<vmem>>
      %dma_wait3A_1067 = arith.constant 0 : i32
      %dma_wait3A_1068 = tpu.memref_slice %arg4[%dma_wait3A_1067, %multiple_of3A_598] : memref<16x1000000xf32, #tpu.memory_space<hbm>> -> memref<16x128xf32, #tpu.memory_space<hbm>>
      %dma_wait3A_1069 = arith.constant 0 : i32
      %dma_wait3A_1070 = arith.constant 0 : i32
      %dma_wait3A_1071 = tpu.memref_slice %arg11[%dma_wait3A_1062, %dma_wait3A_1069, %dma_wait3A_1070] : memref<16x16x128xf32, #tpu.memory_space<vmem>> -> memref<1x16x128xf32, #tpu.memory_space<vmem>>
      %dma_wait3A_1072 = tpu.memref_squeeze %dma_wait3A_1071 : memref<1x16x128xf32, #tpu.memory_space<vmem>> -> memref<16x128xf32, #tpu.memory_space<vmem>>
      %dma_wait3A_1073 = arith.constant 0 : i32
      %dma_wait3A_1074 = tpu.memref_slice %arg4[%dma_wait3A_1073, %multiple_of3A_598] : memref<16x1000000xf32, #tpu.memory_space<hbm>> -> memref<16x128xf32, #tpu.memory_space<hbm>>
      tpu.wait_dma2 semaphore(%arg18 : memref<!tpu.dma_semaphore, #tpu.memory_space<semaphore_mem>>) src(%dma_wait3A_1074 : memref<16x128xf32, #tpu.memory_space<hbm>>) dst(%dma_wait3A_1072 : memref<16x128xf32, #tpu.memory_space<vmem>>)
      %dma_wait3A_1075 = arith.constant 12 : i32
      %dma_wait3A_1076 = arith.constant 0 : i32
      %dma_wait3A_1077 = arith.constant 0 : i32
      %dma_wait3A_1078 = tpu.memref_slice %arg12[%dma_wait3A_1075, %dma_wait3A_1076, %dma_wait3A_1077] : memref<16x16x128xf32, #tpu.memory_space<vmem>> -> memref<1x16x128xf32, #tpu.memory_space<vmem>>
      %dma_wait3A_1079 = tpu.memref_squeeze %dma_wait3A_1078 : memref<1x16x128xf32, #tpu.memory_space<vmem>> -> memref<16x128xf32, #tpu.memory_space<vmem>>
      %dma_wait3A_1080 = arith.constant 0 : i32
      %dma_wait3A_1081 = tpu.memref_slice %arg5[%dma_wait3A_1080, %multiple_of3A_603] : memref<16x1000000xf32, #tpu.memory_space<hbm>> -> memref<16x128xf32, #tpu.memory_space<hbm>>
      %dma_wait3A_1082 = arith.constant 0 : i32
      %dma_wait3A_1083 = arith.constant 0 : i32
      %dma_wait3A_1084 = tpu.memref_slice %arg12[%dma_wait3A_1075, %dma_wait3A_1082, %dma_wait3A_1083] : memref<16x16x128xf32, #tpu.memory_space<vmem>> -> memref<1x16x128xf32, #tpu.memory_space<vmem>>
      %dma_wait3A_1085 = tpu.memref_squeeze %dma_wait3A_1084 : memref<1x16x128xf32, #tpu.memory_space<vmem>> -> memref<16x128xf32, #tpu.memory_space<vmem>>
      %dma_wait3A_1086 = arith.constant 0 : i32
      %dma_wait3A_1087 = tpu.memref_slice %arg5[%dma_wait3A_1086, %multiple_of3A_603] : memref<16x1000000xf32, #tpu.memory_space<hbm>> -> memref<16x128xf32, #tpu.memory_space<hbm>>
      tpu.wait_dma2 semaphore(%arg18 : memref<!tpu.dma_semaphore, #tpu.memory_space<semaphore_mem>>) src(%dma_wait3A_1087 : memref<16x128xf32, #tpu.memory_space<hbm>>) dst(%dma_wait3A_1085 : memref<16x128xf32, #tpu.memory_space<vmem>>)
      %dma_wait3A_1088 = arith.constant 13 : i32
      %dma_wait3A_1089 = arith.constant 0 : i32
      %dma_wait3A_1090 = arith.constant 0 : i32
      %dma_wait3A_1091 = tpu.memref_slice %arg11[%dma_wait3A_1088, %dma_wait3A_1089, %dma_wait3A_1090] : memref<16x16x128xf32, #tpu.memory_space<vmem>> -> memref<1x16x128xf32, #tpu.memory_space<vmem>>
      %dma_wait3A_1092 = tpu.memref_squeeze %dma_wait3A_1091 : memref<1x16x128xf32, #tpu.memory_space<vmem>> -> memref<16x128xf32, #tpu.memory_space<vmem>>
      %dma_wait3A_1093 = arith.constant 0 : i32
      %dma_wait3A_1094 = tpu.memref_slice %arg4[%dma_wait3A_1093, %multiple_of3A_638] : memref<16x1000000xf32, #tpu.memory_space<hbm>> -> memref<16x128xf32, #tpu.memory_space<hbm>>
      %dma_wait3A_1095 = arith.constant 0 : i32
      %dma_wait3A_1096 = arith.constant 0 : i32
      %dma_wait3A_1097 = tpu.memref_slice %arg11[%dma_wait3A_1088, %dma_wait3A_1095, %dma_wait3A_1096] : memref<16x16x128xf32, #tpu.memory_space<vmem>> -> memref<1x16x128xf32, #tpu.memory_space<vmem>>
      %dma_wait3A_1098 = tpu.memref_squeeze %dma_wait3A_1097 : memref<1x16x128xf32, #tpu.memory_space<vmem>> -> memref<16x128xf32, #tpu.memory_space<vmem>>
      %dma_wait3A_1099 = arith.constant 0 : i32
      %dma_wait3A_1100 = tpu.memref_slice %arg4[%dma_wait3A_1099, %multiple_of3A_638] : memref<16x1000000xf32, #tpu.memory_space<hbm>> -> memref<16x128xf32, #tpu.memory_space<hbm>>
      tpu.wait_dma2 semaphore(%arg18 : memref<!tpu.dma_semaphore, #tpu.memory_space<semaphore_mem>>) src(%dma_wait3A_1100 : memref<16x128xf32, #tpu.memory_space<hbm>>) dst(%dma_wait3A_1098 : memref<16x128xf32, #tpu.memory_space<vmem>>)
      %dma_wait3A_1101 = arith.constant 13 : i32
      %dma_wait3A_1102 = arith.constant 0 : i32
      %dma_wait3A_1103 = arith.constant 0 : i32
      %dma_wait3A_1104 = tpu.memref_slice %arg12[%dma_wait3A_1101, %dma_wait3A_1102, %dma_wait3A_1103] : memref<16x16x128xf32, #tpu.memory_space<vmem>> -> memref<1x16x128xf32, #tpu.memory_space<vmem>>
      %dma_wait3A_1105 = tpu.memref_squeeze %dma_wait3A_1104 : memref<1x16x128xf32, #tpu.memory_space<vmem>> -> memref<16x128xf32, #tpu.memory_space<vmem>>
      %dma_wait3A_1106 = arith.constant 0 : i32
      %dma_wait3A_1107 = tpu.memref_slice %arg5[%dma_wait3A_1106, %multiple_of3A_643] : memref<16x1000000xf32, #tpu.memory_space<hbm>> -> memref<16x128xf32, #tpu.memory_space<hbm>>
      %dma_wait3A_1108 = arith.constant 0 : i32
      %dma_wait3A_1109 = arith.constant 0 : i32
      %dma_wait3A_1110 = tpu.memref_slice %arg12[%dma_wait3A_1101, %dma_wait3A_1108, %dma_wait3A_1109] : memref<16x16x128xf32, #tpu.memory_space<vmem>> -> memref<1x16x128xf32, #tpu.memory_space<vmem>>
      %dma_wait3A_1111 = tpu.memref_squeeze %dma_wait3A_1110 : memref<1x16x128xf32, #tpu.memory_space<vmem>> -> memref<16x128xf32, #tpu.memory_space<vmem>>
      %dma_wait3A_1112 = arith.constant 0 : i32
      %dma_wait3A_1113 = tpu.memref_slice %arg5[%dma_wait3A_1112, %multiple_of3A_643] : memref<16x1000000xf32, #tpu.memory_space<hbm>> -> memref<16x128xf32, #tpu.memory_space<hbm>>
      tpu.wait_dma2 semaphore(%arg18 : memref<!tpu.dma_semaphore, #tpu.memory_space<semaphore_mem>>) src(%dma_wait3A_1113 : memref<16x128xf32, #tpu.memory_space<hbm>>) dst(%dma_wait3A_1111 : memref<16x128xf32, #tpu.memory_space<vmem>>)
      %dma_wait3A_1114 = arith.constant 14 : i32
      %dma_wait3A_1115 = arith.constant 0 : i32
      %dma_wait3A_1116 = arith.constant 0 : i32
      %dma_wait3A_1117 = tpu.memref_slice %arg11[%dma_wait3A_1114, %dma_wait3A_1115, %dma_wait3A_1116] : memref<16x16x128xf32, #tpu.memory_space<vmem>> -> memref<1x16x128xf32, #tpu.memory_space<vmem>>
      %dma_wait3A_1118 = tpu.memref_squeeze %dma_wait3A_1117 : memref<1x16x128xf32, #tpu.memory_space<vmem>> -> memref<16x128xf32, #tpu.memory_space<vmem>>
      %dma_wait3A_1119 = arith.constant 0 : i32
      %dma_wait3A_1120 = tpu.memref_slice %arg4[%dma_wait3A_1119, %multiple_of3A_678] : memref<16x1000000xf32, #tpu.memory_space<hbm>> -> memref<16x128xf32, #tpu.memory_space<hbm>>
      %dma_wait3A_1121 = arith.constant 0 : i32
      %dma_wait3A_1122 = arith.constant 0 : i32
      %dma_wait3A_1123 = tpu.memref_slice %arg11[%dma_wait3A_1114, %dma_wait3A_1121, %dma_wait3A_1122] : memref<16x16x128xf32, #tpu.memory_space<vmem>> -> memref<1x16x128xf32, #tpu.memory_space<vmem>>
      %dma_wait3A_1124 = tpu.memref_squeeze %dma_wait3A_1123 : memref<1x16x128xf32, #tpu.memory_space<vmem>> -> memref<16x128xf32, #tpu.memory_space<vmem>>
      %dma_wait3A_1125 = arith.constant 0 : i32
      %dma_wait3A_1126 = tpu.memref_slice %arg4[%dma_wait3A_1125, %multiple_of3A_678] : memref<16x1000000xf32, #tpu.memory_space<hbm>> -> memref<16x128xf32, #tpu.memory_space<hbm>>
      tpu.wait_dma2 semaphore(%arg18 : memref<!tpu.dma_semaphore, #tpu.memory_space<semaphore_mem>>) src(%dma_wait3A_1126 : memref<16x128xf32, #tpu.memory_space<hbm>>) dst(%dma_wait3A_1124 : memref<16x128xf32, #tpu.memory_space<vmem>>)
      %dma_wait3A_1127 = arith.constant 14 : i32
      %dma_wait3A_1128 = arith.constant 0 : i32
      %dma_wait3A_1129 = arith.constant 0 : i32
      %dma_wait3A_1130 = tpu.memref_slice %arg12[%dma_wait3A_1127, %dma_wait3A_1128, %dma_wait3A_1129] : memref<16x16x128xf32, #tpu.memory_space<vmem>> -> memref<1x16x128xf32, #tpu.memory_space<vmem>>
      %dma_wait3A_1131 = tpu.memref_squeeze %dma_wait3A_1130 : memref<1x16x128xf32, #tpu.memory_space<vmem>> -> memref<16x128xf32, #tpu.memory_space<vmem>>
      %dma_wait3A_1132 = arith.constant 0 : i32
      %dma_wait3A_1133 = tpu.memref_slice %arg5[%dma_wait3A_1132, %multiple_of3A_683] : memref<16x1000000xf32, #tpu.memory_space<hbm>> -> memref<16x128xf32, #tpu.memory_space<hbm>>
      %dma_wait3A_1134 = arith.constant 0 : i32
      %dma_wait3A_1135 = arith.constant 0 : i32
      %dma_wait3A_1136 = tpu.memref_slice %arg12[%dma_wait3A_1127, %dma_wait3A_1134, %dma_wait3A_1135] : memref<16x16x128xf32, #tpu.memory_space<vmem>> -> memref<1x16x128xf32, #tpu.memory_space<vmem>>
      %dma_wait3A_1137 = tpu.memref_squeeze %dma_wait3A_1136 : memref<1x16x128xf32, #tpu.memory_space<vmem>> -> memref<16x128xf32, #tpu.memory_space<vmem>>
      %dma_wait3A_1138 = arith.constant 0 : i32
      %dma_wait3A_1139 = tpu.memref_slice %arg5[%dma_wait3A_1138, %multiple_of3A_683] : memref<16x1000000xf32, #tpu.memory_space<hbm>> -> memref<16x128xf32, #tpu.memory_space<hbm>>
      tpu.wait_dma2 semaphore(%arg18 : memref<!tpu.dma_semaphore, #tpu.memory_space<semaphore_mem>>) src(%dma_wait3A_1139 : memref<16x128xf32, #tpu.memory_space<hbm>>) dst(%dma_wait3A_1137 : memref<16x128xf32, #tpu.memory_space<vmem>>)
      %dma_wait3A_1140 = arith.constant 15 : i32
      %dma_wait3A_1141 = arith.constant 0 : i32
      %dma_wait3A_1142 = arith.constant 0 : i32
      %dma_wait3A_1143 = tpu.memref_slice %arg11[%dma_wait3A_1140, %dma_wait3A_1141, %dma_wait3A_1142] : memref<16x16x128xf32, #tpu.memory_space<vmem>> -> memref<1x16x128xf32, #tpu.memory_space<vmem>>
      %dma_wait3A_1144 = tpu.memref_squeeze %dma_wait3A_1143 : memref<1x16x128xf32, #tpu.memory_space<vmem>> -> memref<16x128xf32, #tpu.memory_space<vmem>>
      %dma_wait3A_1145 = arith.constant 0 : i32
      %dma_wait3A_1146 = tpu.memref_slice %arg4[%dma_wait3A_1145, %multiple_of3A_718] : memref<16x1000000xf32, #tpu.memory_space<hbm>> -> memref<16x128xf32, #tpu.memory_space<hbm>>
      %dma_wait3A_1147 = arith.constant 0 : i32
      %dma_wait3A_1148 = arith.constant 0 : i32
      %dma_wait3A_1149 = tpu.memref_slice %arg11[%dma_wait3A_1140, %dma_wait3A_1147, %dma_wait3A_1148] : memref<16x16x128xf32, #tpu.memory_space<vmem>> -> memref<1x16x128xf32, #tpu.memory_space<vmem>>
      %dma_wait3A_1150 = tpu.memref_squeeze %dma_wait3A_1149 : memref<1x16x128xf32, #tpu.memory_space<vmem>> -> memref<16x128xf32, #tpu.memory_space<vmem>>
      %dma_wait3A_1151 = arith.constant 0 : i32
      %dma_wait3A_1152 = tpu.memref_slice %arg4[%dma_wait3A_1151, %multiple_of3A_718] : memref<16x1000000xf32, #tpu.memory_space<hbm>> -> memref<16x128xf32, #tpu.memory_space<hbm>>
      tpu.wait_dma2 semaphore(%arg18 : memref<!tpu.dma_semaphore, #tpu.memory_space<semaphore_mem>>) src(%dma_wait3A_1152 : memref<16x128xf32, #tpu.memory_space<hbm>>) dst(%dma_wait3A_1150 : memref<16x128xf32, #tpu.memory_space<vmem>>)
      %dma_wait3A_1153 = arith.constant 15 : i32
      %dma_wait3A_1154 = arith.constant 0 : i32
      %dma_wait3A_1155 = arith.constant 0 : i32
      %dma_wait3A_1156 = tpu.memref_slice %arg12[%dma_wait3A_1153, %dma_wait3A_1154, %dma_wait3A_1155] : memref<16x16x128xf32, #tpu.memory_space<vmem>> -> memref<1x16x128xf32, #tpu.memory_space<vmem>>
      %dma_wait3A_1157 = tpu.memref_squeeze %dma_wait3A_1156 : memref<1x16x128xf32, #tpu.memory_space<vmem>> -> memref<16x128xf32, #tpu.memory_space<vmem>>
      %dma_wait3A_1158 = arith.constant 0 : i32
      %dma_wait3A_1159 = tpu.memref_slice %arg5[%dma_wait3A_1158, %multiple_of3A_723] : memref<16x1000000xf32, #tpu.memory_space<hbm>> -> memref<16x128xf32, #tpu.memory_space<hbm>>
      %dma_wait3A_1160 = arith.constant 0 : i32
      %dma_wait3A_1161 = arith.constant 0 : i32
      %dma_wait3A_1162 = tpu.memref_slice %arg12[%dma_wait3A_1153, %dma_wait3A_1160, %dma_wait3A_1161] : memref<16x16x128xf32, #tpu.memory_space<vmem>> -> memref<1x16x128xf32, #tpu.memory_space<vmem>>
      %dma_wait3A_1163 = tpu.memref_squeeze %dma_wait3A_1162 : memref<1x16x128xf32, #tpu.memory_space<vmem>> -> memref<16x128xf32, #tpu.memory_space<vmem>>
      %dma_wait3A_1164 = arith.constant 0 : i32
      %dma_wait3A_1165 = tpu.memref_slice %arg5[%dma_wait3A_1164, %multiple_of3A_723] : memref<16x1000000xf32, #tpu.memory_space<hbm>> -> memref<16x128xf32, #tpu.memory_space<hbm>>
      tpu.wait_dma2 semaphore(%arg18 : memref<!tpu.dma_semaphore, #tpu.memory_space<semaphore_mem>>) src(%dma_wait3A_1165 : memref<16x128xf32, #tpu.memory_space<hbm>>) dst(%dma_wait3A_1163 : memref<16x128xf32, #tpu.memory_space<vmem>>)
      %and3A = arith.andi %get3A_110, %broadcast_in_dim3A_100 : vector<16xi32>
      %and3A_1166 = arith.andi %get3A_114, %broadcast_in_dim3A_100 : vector<16xi32>
      %iota3A = tpu.iota {dimensions = array<i32: 0>} : vector<16xi32>
      %broadcast_in_dim3A_1167 = arith.constant 0.000000e+00 : f32
      %broadcast_in_dim3A_1168 = vector.broadcast %broadcast_in_dim3A_1167 : f32 to vector<16xf32>
      %broadcast_in_dim3A_1169 = arith.constant 0 : i32
      %broadcast_in_dim3A_1170 = vector.broadcast %broadcast_in_dim3A_1169 : i32 to vector<16xi32>
      %gather3A = tpu.vector_load_idx %arg11[%iota3A, %broadcast_in_dim3A_1170, %and3A] : memref<16x16x128xf32, #tpu.memory_space<vmem>>[vector<16xi32>, vector<16xi32>, vector<16xi32>], vector<16xf32>,
      %gather3A_1171 = tpu.vector_load_idx %arg12[%iota3A, %broadcast_in_dim3A_1170, %and3A_1166] : memref<16x16x128xf32, #tpu.memory_space<vmem>>[vector<16xi32>, vector<16xi32>, vector<16xi32>], vector<16xf32>,
      %mul3A_1172 = arith.mulf %gather3A, %gather3A_1171 : vector<16xf32>
      %add3A_1173 = arith.addf %broadcast_in_dim3A_1168, %mul3A_1172 : vector<16xf32>
      %broadcast_in_dim3A_1174 = arith.constant 1 : i32
      %broadcast_in_dim3A_1175 = vector.broadcast %broadcast_in_dim3A_1174 : i32 to vector<16xi32>
      %gather3A_1176 = tpu.vector_load_idx %arg11[%iota3A, %broadcast_in_dim3A_1175, %and3A] : memref<16x16x128xf32, #tpu.memory_space<vmem>>[vector<16xi32>, vector<16xi32>, vector<16xi32>], vector<16xf32>,
      %gather3A_1177 = tpu.vector_load_idx %arg12[%iota3A, %broadcast_in_dim3A_1175, %and3A_1166] : memref<16x16x128xf32, #tpu.memory_space<vmem>>[vector<16xi32>, vector<16xi32>, vector<16xi32>], vector<16xf32>,
      %mul3A_1178 = arith.mulf %gather3A_1176, %gather3A_1177 : vector<16xf32>
      %add3A_1179 = arith.addf %add3A_1173, %mul3A_1178 : vector<16xf32>
      %broadcast_in_dim3A_1180 = arith.constant 2 : i32
      %broadcast_in_dim3A_1181 = vector.broadcast %broadcast_in_dim3A_1180 : i32 to vector<16xi32>
      %gather3A_1182 = tpu.vector_load_idx %arg11[%iota3A, %broadcast_in_dim3A_1181, %and3A] : memref<16x16x128xf32, #tpu.memory_space<vmem>>[vector<16xi32>, vector<16xi32>, vector<16xi32>], vector<16xf32>,
      %gather3A_1183 = tpu.vector_load_idx %arg12[%iota3A, %broadcast_in_dim3A_1181, %and3A_1166] : memref<16x16x128xf32, #tpu.memory_space<vmem>>[vector<16xi32>, vector<16xi32>, vector<16xi32>], vector<16xf32>,
      %mul3A_1184 = arith.mulf %gather3A_1182, %gather3A_1183 : vector<16xf32>
      %add3A_1185 = arith.addf %add3A_1179, %mul3A_1184 : vector<16xf32>
      %broadcast_in_dim3A_1186 = arith.constant 3 : i32
      %broadcast_in_dim3A_1187 = vector.broadcast %broadcast_in_dim3A_1186 : i32 to vector<16xi32>
      %gather3A_1188 = tpu.vector_load_idx %arg11[%iota3A, %broadcast_in_dim3A_1187, %and3A] : memref<16x16x128xf32, #tpu.memory_space<vmem>>[vector<16xi32>, vector<16xi32>, vector<16xi32>], vector<16xf32>,
      %gather3A_1189 = tpu.vector_load_idx %arg12[%iota3A, %broadcast_in_dim3A_1187, %and3A_1166] : memref<16x16x128xf32, #tpu.memory_space<vmem>>[vector<16xi32>, vector<16xi32>, vector<16xi32>], vector<16xf32>,
      %mul3A_1190 = arith.mulf %gather3A_1188, %gather3A_1189 : vector<16xf32>
      %add3A_1191 = arith.addf %add3A_1185, %mul3A_1190 : vector<16xf32>
      %broadcast_in_dim3A_1192 = arith.constant 4 : i32
      %broadcast_in_dim3A_1193 = vector.broadcast %broadcast_in_dim3A_1192 : i32 to vector<16xi32>
      %gather3A_1194 = tpu.vector_load_idx %arg11[%iota3A, %broadcast_in_dim3A_1193, %and3A] : memref<16x16x128xf32, #tpu.memory_space<vmem>>[vector<16xi32>, vector<16xi32>, vector<16xi32>], vector<16xf32>,
      %gather3A_1195 = tpu.vector_load_idx %arg12[%iota3A, %broadcast_in_dim3A_1193, %and3A_1166] : memref<16x16x128xf32, #tpu.memory_space<vmem>>[vector<16xi32>, vector<16xi32>, vector<16xi32>], vector<16xf32>,
      %mul3A_1196 = arith.mulf %gather3A_1194, %gather3A_1195 : vector<16xf32>
      %add3A_1197 = arith.addf %add3A_1191, %mul3A_1196 : vector<16xf32>
      %broadcast_in_dim3A_1198 = arith.constant 5 : i32
      %broadcast_in_dim3A_1199 = vector.broadcast %broadcast_in_dim3A_1198 : i32 to vector<16xi32>
      %gather3A_1200 = tpu.vector_load_idx %arg11[%iota3A, %broadcast_in_dim3A_1199, %and3A] : memref<16x16x128xf32, #tpu.memory_space<vmem>>[vector<16xi32>, vector<16xi32>, vector<16xi32>], vector<16xf32>,
      %gather3A_1201 = tpu.vector_load_idx %arg12[%iota3A, %broadcast_in_dim3A_1199, %and3A_1166] : memref<16x16x128xf32, #tpu.memory_space<vmem>>[vector<16xi32>, vector<16xi32>, vector<16xi32>], vector<16xf32>,
      %mul3A_1202 = arith.mulf %gather3A_1200, %gather3A_1201 : vector<16xf32>
      %add3A_1203 = arith.addf %add3A_1197, %mul3A_1202 : vector<16xf32>
      %broadcast_in_dim3A_1204 = arith.constant 6 : i32
      %broadcast_in_dim3A_1205 = vector.broadcast %broadcast_in_dim3A_1204 : i32 to vector<16xi32>
      %gather3A_1206 = tpu.vector_load_idx %arg11[%iota3A, %broadcast_in_dim3A_1205, %and3A] : memref<16x16x128xf32, #tpu.memory_space<vmem>>[vector<16xi32>, vector<16xi32>, vector<16xi32>], vector<16xf32>,
      %gather3A_1207 = tpu.vector_load_idx %arg12[%iota3A, %broadcast_in_dim3A_1205, %and3A_1166] : memref<16x16x128xf32, #tpu.memory_space<vmem>>[vector<16xi32>, vector<16xi32>, vector<16xi32>], vector<16xf32>,
      %mul3A_1208 = arith.mulf %gather3A_1206, %gather3A_1207 : vector<16xf32>
      %add3A_1209 = arith.addf %add3A_1203, %mul3A_1208 : vector<16xf32>
      %broadcast_in_dim3A_1210 = arith.constant 7 : i32
      %broadcast_in_dim3A_1211 = vector.broadcast %broadcast_in_dim3A_1210 : i32 to vector<16xi32>
      %gather3A_1212 = tpu.vector_load_idx %arg11[%iota3A, %broadcast_in_dim3A_1211, %and3A] : memref<16x16x128xf32, #tpu.memory_space<vmem>>[vector<16xi32>, vector<16xi32>, vector<16xi32>], vector<16xf32>,
      %gather3A_1213 = tpu.vector_load_idx %arg12[%iota3A, %broadcast_in_dim3A_1211, %and3A_1166] : memref<16x16x128xf32, #tpu.memory_space<vmem>>[vector<16xi32>, vector<16xi32>, vector<16xi32>], vector<16xf32>,
      %mul3A_1214 = arith.mulf %gather3A_1212, %gather3A_1213 : vector<16xf32>
      %add3A_1215 = arith.addf %add3A_1209, %mul3A_1214 : vector<16xf32>
      %broadcast_in_dim3A_1216 = arith.constant 8 : i32
      %broadcast_in_dim3A_1217 = vector.broadcast %broadcast_in_dim3A_1216 : i32 to vector<16xi32>
      %gather3A_1218 = tpu.vector_load_idx %arg11[%iota3A, %broadcast_in_dim3A_1217, %and3A] : memref<16x16x128xf32, #tpu.memory_space<vmem>>[vector<16xi32>, vector<16xi32>, vector<16xi32>], vector<16xf32>,
      %gather3A_1219 = tpu.vector_load_idx %arg12[%iota3A, %broadcast_in_dim3A_1217, %and3A_1166] : memref<16x16x128xf32, #tpu.memory_space<vmem>>[vector<16xi32>, vector<16xi32>, vector<16xi32>], vector<16xf32>,
      %mul3A_1220 = arith.mulf %gather3A_1218, %gather3A_1219 : vector<16xf32>
      %add3A_1221 = arith.addf %add3A_1215, %mul3A_1220 : vector<16xf32>
      %broadcast_in_dim3A_1222 = arith.constant 9 : i32
      %broadcast_in_dim3A_1223 = vector.broadcast %broadcast_in_dim3A_1222 : i32 to vector<16xi32>
      %gather3A_1224 = tpu.vector_load_idx %arg11[%iota3A, %broadcast_in_dim3A_1223, %and3A] : memref<16x16x128xf32, #tpu.memory_space<vmem>>[vector<16xi32>, vector<16xi32>, vector<16xi32>], vector<16xf32>,
      %gather3A_1225 = tpu.vector_load_idx %arg12[%iota3A, %broadcast_in_dim3A_1223, %and3A_1166] : memref<16x16x128xf32, #tpu.memory_space<vmem>>[vector<16xi32>, vector<16xi32>, vector<16xi32>], vector<16xf32>,
      %mul3A_1226 = arith.mulf %gather3A_1224, %gather3A_1225 : vector<16xf32>
      %add3A_1227 = arith.addf %add3A_1221, %mul3A_1226 : vector<16xf32>
      %broadcast_in_dim3A_1228 = arith.constant 10 : i32
      %broadcast_in_dim3A_1229 = vector.broadcast %broadcast_in_dim3A_1228 : i32 to vector<16xi32>
      %gather3A_1230 = tpu.vector_load_idx %arg11[%iota3A, %broadcast_in_dim3A_1229, %and3A] : memref<16x16x128xf32, #tpu.memory_space<vmem>>[vector<16xi32>, vector<16xi32>, vector<16xi32>], vector<16xf32>,
      %gather3A_1231 = tpu.vector_load_idx %arg12[%iota3A, %broadcast_in_dim3A_1229, %and3A_1166] : memref<16x16x128xf32, #tpu.memory_space<vmem>>[vector<16xi32>, vector<16xi32>, vector<16xi32>], vector<16xf32>,
      %mul3A_1232 = arith.mulf %gather3A_1230, %gather3A_1231 : vector<16xf32>
      %add3A_1233 = arith.addf %add3A_1227, %mul3A_1232 : vector<16xf32>
      %broadcast_in_dim3A_1234 = arith.constant 11 : i32
      %broadcast_in_dim3A_1235 = vector.broadcast %broadcast_in_dim3A_1234 : i32 to vector<16xi32>
      %gather3A_1236 = tpu.vector_load_idx %arg11[%iota3A, %broadcast_in_dim3A_1235, %and3A] : memref<16x16x128xf32, #tpu.memory_space<vmem>>[vector<16xi32>, vector<16xi32>, vector<16xi32>], vector<16xf32>,
      %gather3A_1237 = tpu.vector_load_idx %arg12[%iota3A, %broadcast_in_dim3A_1235, %and3A_1166] : memref<16x16x128xf32, #tpu.memory_space<vmem>>[vector<16xi32>, vector<16xi32>, vector<16xi32>], vector<16xf32>,
      %mul3A_1238 = arith.mulf %gather3A_1236, %gather3A_1237 : vector<16xf32>
      %add3A_1239 = arith.addf %add3A_1233, %mul3A_1238 : vector<16xf32>
      %broadcast_in_dim3A_1240 = arith.constant 12 : i32
      %broadcast_in_dim3A_1241 = vector.broadcast %broadcast_in_dim3A_1240 : i32 to vector<16xi32>
      %gather3A_1242 = tpu.vector_load_idx %arg11[%iota3A, %broadcast_in_dim3A_1241, %and3A] : memref<16x16x128xf32, #tpu.memory_space<vmem>>[vector<16xi32>, vector<16xi32>, vector<16xi32>], vector<16xf32>,
      %gather3A_1243 = tpu.vector_load_idx %arg12[%iota3A, %broadcast_in_dim3A_1241, %and3A_1166] : memref<16x16x128xf32, #tpu.memory_space<vmem>>[vector<16xi32>, vector<16xi32>, vector<16xi32>], vector<16xf32>,
      %mul3A_1244 = arith.mulf %gather3A_1242, %gather3A_1243 : vector<16xf32>
      %add3A_1245 = arith.addf %add3A_1239, %mul3A_1244 : vector<16xf32>
      %broadcast_in_dim3A_1246 = arith.constant 13 : i32
      %broadcast_in_dim3A_1247 = vector.broadcast %broadcast_in_dim3A_1246 : i32 to vector<16xi32>
      %gather3A_1248 = tpu.vector_load_idx %arg11[%iota3A, %broadcast_in_dim3A_1247, %and3A] : memref<16x16x128xf32, #tpu.memory_space<vmem>>[vector<16xi32>, vector<16xi32>, vector<16xi32>], vector<16xf32>,
      %gather3A_1249 = tpu.vector_load_idx %arg12[%iota3A, %broadcast_in_dim3A_1247, %and3A_1166] : memref<16x16x128xf32, #tpu.memory_space<vmem>>[vector<16xi32>, vector<16xi32>, vector<16xi32>], vector<16xf32>,
      %mul3A_1250 = arith.mulf %gather3A_1248, %gather3A_1249 : vector<16xf32>
      %add3A_1251 = arith.addf %add3A_1245, %mul3A_1250 : vector<16xf32>
      %broadcast_in_dim3A_1252 = arith.constant 14 : i32
      %broadcast_in_dim3A_1253 = vector.broadcast %broadcast_in_dim3A_1252 : i32 to vector<16xi32>
      %gather3A_1254 = tpu.vector_load_idx %arg11[%iota3A, %broadcast_in_dim3A_1253, %and3A] : memref<16x16x128xf32, #tpu.memory_space<vmem>>[vector<16xi32>, vector<16xi32>, vector<16xi32>], vector<16xf32>,
      %gather3A_1255 = tpu.vector_load_idx %arg12[%iota3A, %broadcast_in_dim3A_1253, %and3A_1166] : memref<16x16x128xf32, #tpu.memory_space<vmem>>[vector<16xi32>, vector<16xi32>, vector<16xi32>], vector<16xf32>,
      %mul3A_1256 = arith.mulf %gather3A_1254, %gather3A_1255 : vector<16xf32>
      %add3A_1257 = arith.addf %add3A_1251, %mul3A_1256 : vector<16xf32>
      %broadcast_in_dim3A_1258 = arith.constant 15 : i32
      %broadcast_in_dim3A_1259 = vector.broadcast %broadcast_in_dim3A_1258 : i32 to vector<16xi32>
      %gather3A_1260 = tpu.vector_load_idx %arg11[%iota3A, %broadcast_in_dim3A_1259, %and3A] : memref<16x16x128xf32, #tpu.memory_space<vmem>>[vector<16xi32>, vector<16xi32>, vector<16xi32>], vector<16xf32>,
      %gather3A_1261 = tpu.vector_load_idx %arg12[%iota3A, %broadcast_in_dim3A_1259, %and3A_1166] : memref<16x16x128xf32, #tpu.memory_space<vmem>>[vector<16xi32>, vector<16xi32>, vector<16xi32>], vector<16xf32>,
      %mul3A_1262 = arith.mulf %gather3A_1260, %gather3A_1261 : vector<16xf32>
      %add3A_1263 = arith.addf %add3A_1257, %mul3A_1262 : vector<16xf32>
      %mul3A_1264 = arith.constant 16 : i32
      %mul3A_1265 = arith.muli %scan3A_106, %mul3A_1264 : i32
      %add3A_1266 = vector.broadcast %mul3A_1265 : i32 to vector<16xi32>
      %add3A_1267 = arith.addi %add3A_1266, %iota3A : vector<16xi32>
      %gather3A_1268 = tpu.vector_load_idx %arg13[%add3A_1267] : memref<512xf32, #tpu.memory_space<vmem>>[vector<16xi32>], vector<16xf32>,
      %gather3A_1269 = tpu.vector_load_idx %arg14[%add3A_1267] : memref<512xf32, #tpu.memory_space<vmem>>[vector<16xi32>], vector<16xf32>,
      %add3A_1270 = arith.addf %get3A_99, %gather3A_1268 : vector<16xf32>
      %add3A_1271 = arith.addf %add3A_1270, %gather3A_1269 : vector<16xf32>
      %add3A_1272 = arith.addf %add3A_1271, %add3A_1263 : vector<16xf32>
      %neg3A = arith.constant 0.000000e+00 : f32
      %neg3A_1273 = vector.broadcast %neg3A : f32 to vector<16xf32>
      %neg3A_1274 = arith.subf %neg3A_1273, %add3A_1272 : vector<16xf32>
      %exp3A = math.exp %neg3A_1274 : vector<16xf32>
      %add3A_1275 = arith.constant 1.000000e+00 : f32
      %add3A_1276 = vector.broadcast %add3A_1275 : f32 to vector<16xf32>
      %add3A_1277 = arith.addf %add3A_1276, %exp3A : vector<16xf32>
      %div3A = arith.constant 1.000000e+00 : f32
      %div3A_1278 = vector.broadcast %div3A : f32 to vector<16xf32>
      %div3A_1279 = arith.divf %div3A_1278, %add3A_1277 : vector<16xf32>
      %mul3A_1280 = arith.constant 16 : i32
      %mul3A_1281 = arith.muli %scan3A_106, %mul3A_1280 : i32
      %swap3A = arith.index_cast %mul3A_1281 : i32 to index
      %swap3A_1282 = tpu.vector_load %arg16[%swap3A] {strides = array<i32>} : memref<512xf32, #tpu.memory_space<vmem>>, vector<16xf32>,
      tpu.vector_store %arg16[%swap3A], %div3A_1279 {strides = array<i32>} : memref<512xf32, #tpu.memory_space<vmem>>, vector<16xf32>,
    }
    %scan3A_105 = arith.constant 32 : i32
    "tpu.region"() ({
      %run_scoped3A = tpu.sem_alloc : memref<!tpu.dma_semaphore, #tpu.memory_space<semaphore_mem>>
      %dma_start3A_106 = tpu.memref_slice %arg8[%mul3A_2] : memref<16384xf32, #tpu.memory_space<hbm>> -> memref<512xf32, #tpu.memory_space<hbm>>
      %dma_start3A_107 = tpu.memref_slice %arg8[%mul3A_2] : memref<16384xf32, #tpu.memory_space<hbm>> -> memref<512xf32, #tpu.memory_space<hbm>>
      tpu.enqueue_dma source(%arg16 : memref<512xf32, #tpu.memory_space<vmem>>) target(%dma_start3A_107 : memref<512xf32, #tpu.memory_space<hbm>>) target_semaphore(%run_scoped3A : memref<!tpu.dma_semaphore, #tpu.memory_space<semaphore_mem>>)
      %dma_wait3A_108 = tpu.memref_slice %arg8[%mul3A_2] : memref<16384xf32, #tpu.memory_space<hbm>> -> memref<512xf32, #tpu.memory_space<hbm>>
      %dma_wait3A_109 = tpu.memref_slice %arg8[%mul3A_2] : memref<16384xf32, #tpu.memory_space<hbm>> -> memref<512xf32, #tpu.memory_space<hbm>>
      tpu.wait_dma2 semaphore(%run_scoped3A : memref<!tpu.dma_semaphore, #tpu.memory_space<semaphore_mem>>) src(%arg16 : memref<512xf32, #tpu.memory_space<vmem>>) dst(%dma_wait3A_109 : memref<512xf32, #tpu.memory_space<hbm>>)
      tpu.yield
    }) : () -> ()
    return
  }
}

</mosaic_0001>

<sc_bundles>
// kernel: kernel.3.cloned.1.call-start
scs
__scs_entry_jumppad:
0x0: {  	(pc) =	sbr.rel $0x88, $3  }
0x1: {  	(tag) =	ssettag $0x0;
	lr =	simm.s32 $0x1  }
0x2: {  	[smem:$0x3F9B] =	sst lr;
	_ =	strace $0xD0000000  }
0x3: {  	_ = 	snop  }
0x4: {  	_ = 	snop  }
0x5: {  	_ = 	snop  }
0x6: {  	_ = 	snop  }
0x7: {  	_ = 	snop  }
__scs_overlays_trampoline_lowered:
0x8: {  	[smem:$0x3FAA] =	sst s0  }
0x9: {  	[smem:$0x3FAB] =	sst s1  }
0xa: {  	[smem:$0x3FAC] =	sst s2  }
0xb: {  	[smem:$0x3FAD] =	sst s3  }
0xc: {  	[smem:$0x3FAE] =	sst s4  }
0xd: {  	[smem:$0x3FAF] =	sst s5  }
0xe: {  	[smem:$0x3FB0] =	sst s6  }
0xf: {  	[smem:$0x3FB1] =	sst s7  }
0x10: {  	[smem:$0x3FB2] =	sst s8  }
0x11: {  	[smem:$0x3FB3] =	sst s9;
	s0 =	simm.s32 @!p0 $0x0  }
0x12: {  	s1 =	sld [smem:$0x3F99];
	s0 =	simm.s32 @p0 $0x1  }
0x13: {  	[smem:$0x3FB4] =	sst s0;
	s0 =	simm.s32 @!p1 $0x0  }
0x14: {  	s2 =	sld [smem:$0x3F98];
	s0 =	simm.s32 @p1 $0x1  }
0x15: {  	[smem:$0x3FB5] =	sst s0;
	s0 =	simm.s32 @!p2 $0x0  }
0x16: {  	s3 =	sld [smem:$0x3FDB];
	s0 =	simm.s32 @p2 $0x1  }
0x17: {  	s4 =	simm.s32 $0x1BF5;
	[smem:$0x3FB7] =	sst s0  }
0x18: {  	s0 =	sld [smem:$0x3F9A];
	_ =	swait.ge [sflag:s4], $0x0  }
0x19: {  	s7 =	sld [smem:$0x3F9B]  }
0x1a: {  	s8 =	sadd.s32 $0xFFFFE003, lr  }
0x1b: {  	s9 =	sadd.s32 $0xFFFFFEF7, lr;
	s5 =	simm.s32 $0xFFFFFFFF;
	p2 =	slt.u32 s8, $0xFFFFF086  }
0x1c: {  	p1 =	slt.u32 s9, $0xF7A;
	s5 =	simm.s32 @!p2 $0x0  }
0x1d: {  	s5 =	simm.s32 @p1 $0x1;
	p0 =	seq.s32 s7, s2  }
0x1e: {  	s7 =	smul.u32 @!p0 $0xF7A, s2;
	p2 =	seq.s32 @!p0 s5, $0x0  }
0x1f: {  	s9 =	smul.u32 $0xF7A, s1;
	s8 =	simm.s32 @!p0 $0x1BF5;
	p2 =	por !p2, p0  }
0x20: {  	[sflag:s8] =	ssyncset.s32 @!p0 $0xFFFFF086;
	s6 =	sadd.s32 @!p0 s3, s7;
	s7 =	simm.s32 @!p0 $0x108  }
0x21: {  	s3 =	sadd.s32 s3, s9;
	s6 =	sadd.s32 @!p0 $0x88, s6;
	s7 =	simm.s32 @p2 $0x1082  }
0x22: {  	[simem:s7], [sflag:s8] =	dma.local @!p0 [hbm:s6], $0xF7A  }
0x23: {  	s9 =	sor.u32 $0xD0000000, s2;
	s6 =	simm.s32 $0x108;
	_ =	swait.ge @!p0 [sflag:s8], $0x0  }
0x24: {  	s3 =	sadd.s32 $0x88, s3;
	s6 =	simm.s32 @!p1 $0x1082;
	[sflag:s4] =	ssyncset.s32 $0xFFFFF086  }
0x25: {  	[simem:s6], [sflag:s4] =	dma.local [hbm:s3], $0xF7A  }
0x26: {  	[smem:$0x3F9B] =	sst s1;
	(tag) =	ssettag s2;
	_ =	strace s9  }
0x27: {  	s1 =	sld [smem:$0x3FAB]  }
0x28: {  	s2 =	sld [smem:$0x3FAC]  }
0x29: {  	s4 =	sld [smem:$0x3FAE]  }
0x2a: {  	p0 =	seq.s32 s5, $0x0;
	s5 =	sld [smem:$0x3FAF]  }
0x2b: {  	s6 =	sld [smem:$0x3FB0]  }
0x2c: {  	s7 =	sld [smem:$0x3FB1]  }
0x2d: {  	s3 =	simm.s32 $0x108;
	s8 =	sld [smem:$0x3FB2]  }
0x2e: {  	s3 =	simm.s32 @!p0 $0x1082;
	s9 =	sld [smem:$0x3FB3]  }
0x2f: {  	lr =	sadd.s32 s0, s3;
	s0 =	sld [smem:$0x3FAA]  }
0x30: {  	s3 =	sld [smem:$0x3FAD]  }
0x31: {  	[smem:$0x3FB6] =	sst s10  }
0x32: {  	s10 =	sld [smem:$0x3FB4];
	_ =	sdelay $0x3  }
0x33: {  	p0 =	seq.s32 s10, $0x1;
	s10 =	sld [smem:$0x3FB6];
	_ =	sdelay $0x3  }
0x34: {  	[smem:$0x3FB6] =	sst s10  }
0x35: {  	s10 =	sld [smem:$0x3FB5];
	_ =	sdelay $0x3  }
0x36: {  	p1 =	seq.s32 s10, $0x1;
	s10 =	sld [smem:$0x3FB6];
	_ =	sdelay $0x3  }
0x37: {  	[smem:$0x3FB6] =	sst s10  }
0x38: {  	s10 =	sld [smem:$0x3FB7]  }
0x39: {  	_ = 	snop;
	(pc) =	sbr.ind lr, $3  }
0x3a: {  	_ = 	snop  }
0x3b: {  	_ = 	snop  }
0x3c: {  	p2 =	seq.s32 s10, $0x1;
	s10 =	sld [smem:$0x3FB6]  }
0x3d: {  	_ =	shalt  }
0x3e: {  	_ =	shalt  }
0x3f: {  	_ =	shalt  }
0x40: {  	_ =	shalt  }
0x41: {  	_ =	shalt  }
0x42: {  	_ =	shalt  }
0x43: {  	_ =	shalt  }
0x44: {  	_ =	shalt  }
0x45: {  	_ =	shalt  }
0x46: {  	_ =	shalt  }
0x47: {  	_ =	shalt  }
0x48: {  	_ =	shalt  }
0x49: {  	_ =	shalt  }
0x4a: {  	_ =	shalt  }
0x4b: {  	_ =	shalt  }
0x4c: {  	_ =	shalt  }
0x4d: {  	_ =	shalt  }
0x4e: {  	_ =	shalt  }
0x4f: {  	_ =	shalt  }
0x50: {  	_ =	shalt  }
0x51: {  	_ =	shalt  }
0x52: {  	_ =	shalt  }
0x53: {  	_ =	shalt  }
0x54: {  	_ =	shalt  }
0x55: {  	_ =	shalt  }
0x56: {  	_ =	shalt  }
0x57: {  	_ =	shalt  }
0x58: {  	_ =	shalt  }
0x59: {  	_ =	shalt  }
0x5a: {  	_ =	shalt  }
0x5b: {  	_ =	shalt  }
0x5c: {  	_ =	shalt  }
0x5d: {  	_ =	shalt  }
0x5e: {  	_ =	shalt  }
0x5f: {  	_ =	shalt  }
0x60: {  	_ =	shalt  }
0x61: {  	_ =	shalt  }
0x62: {  	_ =	shalt  }
0x63: {  	_ =	shalt  }
0x64: {  	_ =	shalt  }
0x65: {  	_ =	shalt  }
0x66: {  	_ =	shalt  }
0x67: {  	_ =	shalt  }
0x68: {  	_ =	shalt  }
0x69: {  	_ =	shalt  }
0x6a: {  	_ =	shalt  }
0x6b: {  	_ =	shalt  }
0x6c: {  	_ =	shalt  }
0x6d: {  	_ =	shalt  }
0x6e: {  	_ =	shalt  }
0x6f: {  	_ =	shalt  }
0x70: {  	_ =	shalt  }
0x71: {  	_ =	shalt  }
0x72: {  	_ =	shalt  }
0x73: {  	_ =	shalt  }
0x74: {  	_ =	shalt  }
0x75: {  	_ =	shalt  }
0x76: {  	_ =	shalt  }
0x77: {  	_ =	shalt  }
0x78: {  	_ =	shalt  }
0x79: {  	_ =	shalt  }
0x7a: {  	_ =	shalt  }
0x7b: {  	_ =	shalt  }
0x7c: {  	_ =	shalt  }
0x7d: {  	_ =	shalt  }
0x7e: {  	_ =	shalt  }
0x7f: {  	_ =	shalt  }
0x80: {  	_ =	shalt  }
0x81: {  	_ =	shalt  }
0x82: {  	_ =	shalt  }
0x83: {  	_ =	shalt  }
0x84: {  	_ =	shalt  }
0x85: {  	_ =	shalt  }
0x86: {  	_ =	shalt  }
0x87: {  	_ =	shalt  }
.Lfunc_end0:
.L_simem_size_0:
called_computation_lowered:
.L_overlay_start_0:
0x88: {  	s2 =	sld [smem:$0x3FD9]  }
0x89: {  	s3 =	sld [smem:$0x3FFE];
	_ =	sdelay $0x1  }
0x8a: {  	s1 =	srdreg.scid  }
0x8b: {  	s0 =	sand.u32 $0x1, s1  }
0x8c: {  	s17 =	sshll.u32 s0, $0xA;
	s2 =	sadd.s32 s3, s2  }
0x8d: {  	s2 =	sadd.s32 s2, s17  }
0x8e: {  	[smem:$0x3FC2] =	sst s2  }
0x8f: {  	_ = 	snop  }
0x90: {  	s2 =	sld [smem:$0x3FC9]  }
0x91: {  	s18 =	sld [smem:$0x3FC8]  }
0x92: {  	s4 =	sld [smem:$0x3FC7]  }
0x93: {  	s5 =	sld [smem:$0x3FC6]  }
0x94: {  	s6 =	sld [smem:$0x3FC5]  }
0x95: {  	s7 =	sld [smem:$0x3FD0];
	(tm) =	ssettm $0x1  }
0x96: {  	s8 =	sld [smem:$0x3FFB];
	_ =	sdelay $0x3  }
0x97: {  	_ =	strace s8  }
0x98: {  	s8 =	sld [smem:$0x3FFC];
	_ =	sdelay $0x3  }
0x99: {  	_ =	strace s8  }
0x9a: {  	s8 =	sld [smem:$0x3FFD];
	_ =	sdelay $0x3  }
0x9b: {  	_ =	strace s8  }
0x9c: {  	_ =	strace $0x8FFFFFFF  }
0x9d: {  	s19 =	sld [smem:$0x3FDB];
	_ =	sdelay $0x1  }
0x9e: {  	s9 =	simm.s32 $_scs_section_size  }
0x9f: {  	s10 =	simm.s32 $_size__tile_overlayer_lowered;
	s11 =	simm.s32 $_tile_overlayer_lowered  }
0xa0: {  	s22 =	simm.s32 $0x1BFF;
	s21 =	sshll.u32 s11, $0x1;
	s8 =	sadd.s32 s9, s19  }
0xa1: {  	s12 =	simm.s32 $0x0;
	s20 =	sshll.u32 s10, $0x1;
	s10 =	sadd.s32 s21, s8  }
0xa2: {  	[timem:s12], [sflag:s22] =	dma.local [hbm:s10], s20  }
0xa3: {  	_ =	swait.ge [sflag:s22], s20  }
0xa4: {  	s9 =	ssub.s32 $0x0, s20;
	[sflag:s22] =	ssyncset.done $0x0  }
0xa5: {  	[sflag:s22] =	ssyncadd.s32 s9;
	_ =	sdelay $0x1  }
0xa6: {  	s23 =	simm.s32 $0x1B8B  }
0xa7: {  	_ =	swait.ge [sflag:s23], $0x1  }
0xa8: {  	[sflag:s23] =	ssyncset.done $0x0  }
0xa9: {  	s25 =	simm.s32 $0x1B8E;
	s24 =	sld [smem:$0x3FFE];
	[sflag:s23] =	ssyncadd.s32 $0xFFFFFFFF  }
0xaa: {  	s26 =	simm.s32 $execute0_lowered;
	[smem:$0x3FD2] =	sst s25  }
0xab: {  	s10 =	sshll.u32 s26, $0x1;
	_ =	strace $0x80000046;
	[dreg:$0x1] =	wrdreg $0xFFFFFFFF  }
0xac: {  	s28 =	simm.s32 $_size_execute0_lowered;
	s8 =	sadd.s32 s8, s10;
	[dreg:$0x0] =	wrdreg $0x0  }
0xad: {  	s10 =	sshll.u32 s28, $0x1;
	[dreg:$0x2] =	wrdreg s8  }
0xae: {  	[dreg:$0x3] =	wrdreg s10  }
0xaf: {  	[dreg:$0x4] =	wrdreg $0xC0  }
0xb0: {  	_ =	task [dreg:s12], $0x5FFFF  }
0xb1: {  	[dreg:$0x1] =	wrdreg $0xFFFFFFFF  }
0xb2: {  	[dreg:$0x0] =	wrdreg $0x60  }
0xb3: {  	[dreg:$0x2] =	wrdreg s2  }
0xb4: {  	[dreg:$0x3] =	wrdreg s18  }
0xb5: {  	[dreg:$0x4] =	wrdreg s4  }
0xb6: {  	[dreg:$0x5] =	wrdreg s5  }
0xb7: {  	[dreg:$0x6] =	wrdreg s6  }
0xb8: {  	[dreg:$0x7] =	wrdreg s24  }
0xb9: {  	[dreg:$0x8] =	wrdreg s7  }
0xba: {  	[dreg:$0x9] =	wrdreg $0x10A800  }
0xbb: {  	[dreg:$0xa] =	wrdreg $0x9  }
0xbc: {  	_ =	task.clear_ibuf [dreg:s12], $0xBFFFF;
	_ =	strace $0x90000046  }
0xbd: {  	s29 =	simm.s32 $0x9;
	_ =	strace $0x80000048  }
0xbe: {  	_ =	swait.ge [sflag:s29], $0x1  }
0xbf: {  	[sflag:s29] =	ssyncadd.s32 $0xFFFFFFFF  }
0xc0: {  	_ =	strace $0x90000048  }
0xc1: {  	_ =	sfence  }
0xc2: {  	s30 =	sld [smem:$0x0];
	_ =	sdelay $0x2  }
0xc3: {  	s31 =	sshll.u32 s1, $0xD;
	s1 =	sshrl.u32 s1, $0x2  }
0xc4: {  	s3 =	sand.u32 $0x4000, s31;
	s1 =	sadd.s32 s1, s30  }
0xc5: {  	s0 =	sor.u32 s3, s0;
	s1 =	sshll.u32 s1, $0x11  }
0xc6: {  	s0 =	sor.u32 s1, s0  }
0xc7: {  	s0 =	sadd.s32 $0x8F2B, s0  }
0xc8: {  	[sflag:s0] =	ssyncadd.remote.s32 $0x1  }
0xc9: {  	_ =	sfence.sel $0xFFFF  }
0xca: {  	[dreg:$0x0] =	wrdreg $0xFFFFFFFF;
	(pc) =	sbr.abs _section_cstart, $3  }
0xcb: {  	[dreg:$0x1] =	wrdreg $0xFFFFFFFF  }
0xcc: {  	_ =	task.clear_ibuf [dreg:s12], $0x2FFFF;
	_ =	strace $0x9FFFFFFF  }
0xcd: {  	(tm) =	ssettm $0x7FFFFFFF  }
tec
execute0_lowered:
.L_overlay_start_1:
0x0: {  	(tag) =	ssettag $0x1  }
0x1: {  	s0 =	rddreg [dreg:$0x0]  }
0x2: {  	s1 =	rddreg [dreg:$0x1]  }
0x3: {  	s8 =	rddreg [dreg:$0x2]  }
0x4: {  	s14 =	rddreg [dreg:$0x3]  }
0x5: {  	s2 =	rddreg [dreg:$0x5]  }
0x6: {  	s3 =	rddreg [dreg:$0x6]  }
0x7: {  	s9 =	rddreg [dreg:$0x7];
	s10 =	simm.s32 $0x0  }
0x8: {  	[smem:$0x7FF] =	sst s10;
	s2 =	sadd.s32 $0x400, s2  }
0x9: {  	s4 =	simm.s32 $0xC00;
	_ =	strace $0x80000047;
	[smem:$0x7F1] =	sst s2  }
0xa: {  	s17 =	simm.s32 $0x8C00;
	[dreg:$0x9] =	wrdreg s4  }
0xb: {  	s19 =	simm.s32 $0x1400;
	[dreg:$0xa] =	wrdreg s17  }
0xc: {  	s20 =	simm.s32 $0x9400;
	[dreg:$0xb] =	wrdreg s19  }
0xd: {  	s21 =	simm.s32 $0x1C00;
	[dreg:$0xc] =	wrdreg s20  }
0xe: {  	s22 =	simm.s32 $0x9C00;
	[dreg:$0xd] =	wrdreg s21  }
0xf: {  	s23 =	simm.s32 $0x2400;
	[dreg:$0xe] =	wrdreg s22  }
0x10: {  	s24 =	simm.s32 $0xA400;
	[dreg:$0xf] =	wrdreg s23  }
0x11: {  	s26 =	simm.s32 $0x2C00;
	[dreg:$0x10] =	wrdreg s24  }
0x12: {  	s28 =	simm.s32 $0xAC00;
	[dreg:$0x11] =	wrdreg s26  }
0x13: {  	s29 =	simm.s32 $0x3400;
	[dreg:$0x12] =	wrdreg s28  }
0x14: {  	s30 =	simm.s32 $0xB400;
	[dreg:$0x13] =	wrdreg s29  }
0x15: {  	s11 =	simm.s32 $0xBC00;
	[dreg:$0x14] =	wrdreg s30  }
0x16: {  	s13 =	simm.s32 $0x4400;
	[dreg:$0x16] =	wrdreg s11  }
0x17: {  	s15 =	simm.s32 $0xC400;
	[dreg:$0x17] =	wrdreg s13  }
0x18: {  	s16 =	simm.s32 $0x4C00;
	[dreg:$0x18] =	wrdreg s15  }
0x19: {  	s2 =	simm.s32 $0x3C00;
	[dreg:$0x19] =	wrdreg s16  }
0x1a: {  	s18 =	srdreg.scid;
	s17 =	simm.s32 $0xCC00;
	[dreg:$0x15] =	wrdreg s2  }
0x1b: {  	s4 =	sand.u32 $0x1, s18;
	s18 =	simm.s32 $0x5400;
	[dreg:$0x1a] =	wrdreg s17  }
0x1c: {  	s19 =	simm.s32 $0xD400;
	[dreg:$0x1b] =	wrdreg s18  }
0x1d: {  	s20 =	simm.s32 $0x5C00;
	[dreg:$0x1c] =	wrdreg s19  }
0x1e: {  	s21 =	simm.s32 $0xDC00;
	[dreg:$0x1d] =	wrdreg s20  }
0x1f: {  	s22 =	simm.s32 $0x6400;
	[dreg:$0x1e] =	wrdreg s21  }
0x20: {  	s5 =	stileid.u32;
	s23 =	simm.s32 $0xE400;
	[dreg:$0x1f] =	wrdreg s22  }
0x21: {  	s31 =	simm.s32 $0x7A1400;
	s24 =	simm.s32 $0x6C00;
	[smem:$0x7F7] =	sst s23  }
0x22: {  	s25 =	sshll.u32 s5, $0x7;
	s26 =	simm.s32 $0x7400;
	[smem:$0x7F8] =	sst s24  }
0x23: {  	p0 =	sne.s32 s5, $0x0;
	s28 =	simm.s32 $0xF400;
	[smem:$0x7FA] =	sst s26  }
0x24: {  	s29 =	simm.s32 $0x7C00;
	s30 =	simm.s32 $0xFC00;
	[smem:$0x7FB] =	sst s28  }
0x25: {  	s6 =	ssub.s32 $0x2, s4;
	s4 =	sshll.u32 s4, $0x6;
	[smem:$0x7FC] =	sst s29  }
0x26: {  	v0 =	vlaneseq.u32;
	[smem:$0x7FD] =	sst s30;
	s4 =	sor.u32 s4, s25;
	s25 =	simm.s32 $0xEC00  }
0x27: {  	v1 =	vmul.u32 $0x800, v0;
	s13 =	simm.s32 $0x1;
	s0 =	sadd.s32 s0, s4;
	[smem:$0x7F9] =	sst s25  }
0x28: {  	s7 =	sshrl.u32 s6, $0x1;
	s1 =	sadd.s32 s1, s4;
	[smem:$0x7F2] =	sst s0  }
0x29: {  	v2 =	vor.u32 $0x80, v1;
	v3 =	vor.u32 $0x100, v1;
	v4 =	vor.u32 $0x180, v1;
	s6 =	ssub.s32 s6, s7;
	s7 =	sadd.s32 s3, s4;
	[smem:$0x7F3] =	sst s1  }
0x2a: {  	s2 =	simm.s32 $0x3;
	v5 =	vor.u32 $0x200, v1;
	v6 =	vor.u32 $0x280, v1;
	v7 =	vor.u32 $0x300, v1;
	s3 =	simm.s32 $0x0;
	[smem:$0x7F4] =	sst s7  }
0x2b: {  	v8 =	vor.u32 $0x380, v1;
	v9 =	vor.u32 $0x480, v1;
	v10 =	vor.u32 $0x500, v1;
	s12 =	smax.u32 s6, $0x1;
	s1 =	sshrl.u32 @!p0 s9, $0x3;
	s6 =	simm.s32 $0x10400  }
0x2c: {  	v11 =	vor.u32 $0x400, v1;
	v12 =	vor.u32 $0x580, v1;
	v13 =	vor.u32 $0x600, v1;
	s7 =	simm.s32 $0x10600;
	s9 =	simm.s32 $0x8400;
	[smem:$0x7F5] =	sst s12  }
0x2d: {  	v14 =	vor.u32 $0x680, v1;
	v15 =	vor.u32 $0x700, v1;
	v16 =	vor.u32 $0x780, v1;
	[smem:$0x7F6] =	sst s1;
	s1 =	simm.s32 $0x400;
	s12 =	simm.s32 $0x8400  }
.LBB2_1:
0x2e: {  	s0 =	sld [smem:$0x7F2];
	_ =	sdelay $0x1  }
0x2f: {  	[smem:$0x7F0] =	sst s3  }
0x30: {  	[tilespmem:s10], [sflag:$0x3] =	stream.linear.gather [hbm4b:s0+s10], $0x200, $0x38;
	[tilespmem:$0x1FEA8] =	vst v63  }
0x31: {  	_ =	swait.ge [sflag:s2], $0x200  }
0x32: {  	s15 =	sld [smem:$0x7F3]  }
0x33: {  	[sflag:s2] =	ssyncset.done $0x0  }
0x34: {  	s16 =	simm.s32 $0x200;
	[sflag:s2] =	ssyncadd.s32 $0xFFFFFE00  }
0x35: {  	[tilespmem:s16], [sflag:$0x3] =	stream.linear.gather [hbm4b:s15+s10], $0x200, $0x38;
	[tilespmem:$0x1FEA8] =	vst v63  }
0x36: {  	_ =	swait.ge [sflag:s2], $0x200  }
0x37: {  	s17 =	sld [smem:$0x7F1]  }
0x38: {  	[sflag:s2] =	ssyncset.done $0x0  }
0x39: {  	s4 =	simm.s32 $0x10800;
	[sflag:s2] =	ssyncadd.s32 $0xFFFFFE00  }
0x3a: {  	[tilespmem:s4], [sflag:$0x3] =	stream.linear.gather [hbm4b:s17+s10], $0x80, $0x38;
	[tilespmem:$0x1FEA8] =	vst v63  }
0x3b: {  	_ =	swait.ge [sflag:s2], $0x80  }
0x3c: {  	[sflag:s2] =	ssyncset.done $0x0;
	s4 =	sld [smem:$0x7F6]  }
0x3d: {  	[sflag:s2] =	ssyncadd.s32 $0xFFFFFF80  }
0x3e: {  	s0 =	simm.s32 @!p0 $0x1C03;
	s2 =	rddreg [dreg:$0x4]  }
0x3f: {  	[spmem:s4], [sflag:s0] =	dma.local @!p0 [hbm:s2], $0x1E850  }
0x40: {  	s0 =	simm.s32 @!p0 $0x3  }
0x41: {  	_ =	swait.ge @!p0 [sflag:s0], $0x1E850  }
0x42: {  	[sflag:s0] =	ssyncset.done @!p0 $0x0  }
0x43: {  	[sflag:s0] =	ssyncadd.s32 @!p0 $0xFFFE17B0  }
0x44: {  	[bflag:$0x0] =	sbarrier.arrive $0xFFFF  }
0x45: {  	s19 =	simm.s32 $0x80;
	s18 =	rddreg [dreg:$0x7]  }
0x46: {  	[tilespmem:s6], [sflag:$0x2] =	stream.indirect.gather [spmem:s18], $0x1, s10, s19, $0xb8;
	[tilespmem:$0x1FEA8] =	vst v63  }
0x47: {  	_ = 	snop  }
0x48: {  	[tilespmem:s7], [sflag:$0x2] =	stream.indirect.gather [spmem:s18], $0x1, s16, s19, $0xb8;
	[tilespmem:$0x1FEA8] =	vst v63  }
0x49: {  	s20 =	simm.s32 $0x10480  }
0x4a: {  	[tilespmem:s20], [sflag:$0x2] =	stream.indirect.gather [spmem:s18], $0x1, s19, s19, $0xb8;
	[tilespmem:$0x1FEA8] =	vst v63  }
0x4b: {  	s21 =	simm.s32 $0x280;
	s5 =	simm.s32 $0x10680  }
0x4c: {  	[tilespmem:s5], [sflag:$0x2] =	stream.indirect.gather [spmem:s18], $0x1, s21, s19, $0xb8;
	[tilespmem:$0x1FEA8] =	vst v63  }
0x4d: {  	s22 =	simm.s32 $0x100;
	s23 =	simm.s32 $0x10500  }
0x4e: {  	[tilespmem:s23], [sflag:$0x2] =	stream.indirect.gather [spmem:s18], $0x1, s22, s19, $0xb8;
	[tilespmem:$0x1FEA8] =	vst v63  }
0x4f: {  	s24 =	simm.s32 $0x300;
	s25 =	simm.s32 $0x10700  }
0x50: {  	[tilespmem:s25], [sflag:$0x2] =	stream.indirect.gather [spmem:s18], $0x1, s24, s19, $0xb8;
	[tilespmem:$0x1FEA8] =	vst v63  }
0x51: {  	s26 =	simm.s32 $0x180;
	s28 =	simm.s32 $0x10580  }
0x52: {  	[tilespmem:s28], [sflag:$0x2] =	stream.indirect.gather [spmem:s18], $0x1, s26, s19, $0xb8;
	[tilespmem:$0x1FEA8] =	vst v63  }
0x53: {  	s29 =	simm.s32 $0x380;
	s30 =	simm.s32 $0x10780;
	s2 =	simm.s32 $0x2  }
0x54: {  	[tilespmem:s30], [sflag:$0x2] =	stream.indirect.gather [spmem:s18], $0x1, s29, s19, $0xb8;
	[tilespmem:$0x1FEA8] =	vst v63  }
0x55: {  	_ =	swait.ge [sflag:s2], $0x80  }
0x56: {  	[sflag:s2] =	ssyncset.done $0x0  }
0x57: {  	[sflag:s2] =	ssyncadd.s32 $0xFFFFFF80  }
0x58: {  	_ =	swait.ge [sflag:s2], $0x80  }
0x59: {  	[sflag:s2] =	ssyncset.done $0x0  }
0x5a: {  	[sflag:s2] =	ssyncadd.s32 $0xFFFFFF80  }
0x5b: {  	_ =	swait.ge [sflag:s2], $0x80  }
0x5c: {  	[sflag:s2] =	ssyncset.done $0x0  }
0x5d: {  	[sflag:s2] =	ssyncadd.s32 $0xFFFFFF80  }
0x5e: {  	_ =	swait.ge [sflag:s2], $0x80  }
0x5f: {  	[sflag:s2] =	ssyncset.done $0x0  }
0x60: {  	[sflag:s2] =	ssyncadd.s32 $0xFFFFFF80  }
0x61: {  	_ =	swait.ge [sflag:s2], $0x80  }
0x62: {  	[sflag:s2] =	ssyncset.done $0x0  }
0x63: {  	[sflag:s2] =	ssyncadd.s32 $0xFFFFFF80  }
0x64: {  	_ =	swait.ge [sflag:s2], $0x80  }
0x65: {  	[sflag:s2] =	ssyncset.done $0x0  }
0x66: {  	[sflag:s2] =	ssyncadd.s32 $0xFFFFFF80  }
0x67: {  	_ =	swait.ge [sflag:s2], $0x80  }
0x68: {  	[sflag:s2] =	ssyncset.done $0x0  }
0x69: {  	[sflag:s2] =	ssyncadd.s32 $0xFFFFFF80  }
0x6a: {  	_ =	swait.ge [sflag:s2], $0x80  }
0x6b: {  	[sflag:s2] =	ssyncset.done $0x0  }
0x6c: {  	[sflag:s2] =	ssyncadd.s32 $0xFFFFFF80  }
0x6d: {  	v18 =	vld [tilespmem:s16+$0x0]  }
0x6e: {  	v19 =	vld [tilespmem:s10+$0x0];
	_ =	sdelay $0x3  }
0x6f: {  	(v2sf) =	vpush v18, $0x0  }
0x70: {  	(v2sf) =	vpush v19, $0x0  }
0x71: {  	(v2sf) =	vpush v19, $0x1  }
0x72: {  	(v2sf) =	vpush v18, $0x1;
	_ =	sdelay $0x3  }
0x73: {  	(v2sf) =	vpush v19, $0x2;
	_ =	sdelay $0x1  }
0x74: {  	(v2sf) =	vpush v18, $0x2;
	_ =	sdelay $0x1  }
0x75: {  	s15 =	rddreg [dreg:$0x9];
	(v2sf) =	vpush v19, $0x3  }
0x76: {  	s20 =	rddreg [dreg:$0xa]  }
0x77: {  	s22 =	rddreg [dreg:$0xb];
	(v2sf) =	vpush v18, $0x3  }
0x78: {  	s24 =	rddreg [dreg:$0xc]  }
0x79: {  	s26 =	rddreg [dreg:$0xd];
	s4 =	spop (v2sf);
	(v2sf) =	vpush v19, $0x4  }
0x7a: {  	s30 =	rddreg [dreg:$0xe];
	s5 =	spop (v2sf);
	s0 =	sand.u32 $0xFFFFF80, s4  }
0x7b: {  	(v2sf) =	vpush v18, $0x4;
	s2 =	sand.u32 $0xFFFFF80, s5;
	s11 =	spop (v2sf);
	s0 =	sadd.s32 s14, s0  }
0x7c: {  	(v2sf) =	vpush v19, $0x5;
	s2 =	sadd.s32 s8, s2;
	s16 =	spop (v2sf);
	s17 =	sand.u32 $0xFFFFF80, s11  }
0x7d: {  	v17 =	vld [tilespmem:$0x10800];
	[tilespmem:s1], [sflag:$0x1] =	stream.strided.gather [hbm4b:s2+s1], $0x800, s31, s1, $0x38  }
0x7e: {  	s18 =	sand.u32 $0xFFFFF80, s16;
	s19 =	sadd.s32 s8, s17;
	s16 =	rddreg [dreg:$0xf]  }
0x7f: {  	(v2sf) =	vpush v18, $0x5;
	[tilespmem:s9], [sflag:$0x1] =	stream.strided.gather [hbm4b:s0+s1], $0x800, s31, s1, $0x38;
	[tilespmem:$0x1FEA8] =	vst v63  }
0x80: {  	s21 =	spop (v2sf);
	s3 =	sadd.s32 s14, s18;
	s18 =	rddreg [dreg:$0x10]  }
0x81: {  	(v2sf) =	vpush v19, $0x6;
	[tilespmem:s15], [sflag:$0x1] =	stream.strided.gather [hbm4b:s19+s1], $0x800, s31, s1, $0x38;
	[tilespmem:$0x1FEA8] =	vst v63  }
0x82: {  	s23 =	sand.u32 $0xFFFFF80, s21;
	s25 =	spop (v2sf);
	s21 =	rddreg [dreg:$0x11]  }
0x83: {  	(v2sf) =	vpush v18, $0x6;
	[tilespmem:s20], [sflag:$0x1] =	stream.strided.gather [hbm4b:s3+s1], $0x800, s31, s1, $0x38;
	[tilespmem:$0x1FEA8] =	vst v63  }
0x84: {  	s4 =	sadd.s32 s8, s23;
	s28 =	spop (v2sf);
	s3 =	sand.u32 $0xFFFFF80, s25  }
0x85: {  	[tilespmem:s22], [sflag:$0x1] =	stream.strided.gather [hbm4b:s4+s1], $0x800, s31, s1, $0x38;
	[tilespmem:$0x1FEA8] =	vst v63  }
0x86: {  	s29 =	spop (v2sf);
	s3 =	sadd.s32 s14, s3;
	s4 =	sand.u32 $0xFFFFF80, s28  }
0x87: {  	(v2sf) =	vpush v19, $0x7;
	[tilespmem:s24], [sflag:$0x1] =	stream.strided.gather [hbm4b:s3+s1], $0x800, s31, s1, $0x38;
	[tilespmem:$0x1FEA8] =	vst v63  }
0x88: {  	s15 =	sand.u32 $0xFFFFF80, s29;
	s11 =	sadd.s32 s8, s4;
	s17 =	spop (v2sf)  }
0x89: {  	[tilespmem:s26], [sflag:$0x1] =	stream.strided.gather [hbm4b:s11+s1], $0x800, s31, s1, $0x38;
	[tilespmem:$0x1FEA8] =	vst v63  }
0x8a: {  	s4 =	sadd.s32 s14, s15;
	s24 =	rddreg [dreg:$0x12];
	s19 =	spop (v2sf)  }
0x8b: {  	s3 =	sand.u32 $0xFFFFF80, s17;
	s26 =	rddreg [dreg:$0x13];
	s20 =	spop (v2sf)  }
0x8c: {  	(v2sf) =	vpush v18, $0x7;
	[tilespmem:s30], [sflag:$0x1] =	stream.strided.gather [hbm4b:s4+s1], $0x800, s31, s1, $0x38;
	[tilespmem:$0x1FEA8] =	vst v63  }
0x8d: {  	(v2sf) =	vpush v19, $0x8;
	s3 =	sadd.s32 s8, s3;
	s4 =	sand.u32 $0xFFFFF80, s19;
	s23 =	sand.u32 $0xFFFFF80, s20  }
0x8e: {  	s25 =	spop (v2sf);
	s30 =	rddreg [dreg:$0x14];
	s22 =	sadd.s32 s14, s4  }
0x8f: {  	(v2sf) =	vpush v18, $0x8;
	[tilespmem:s16], [sflag:$0x1] =	stream.strided.gather [hbm4b:s3+s1], $0x800, s31, s1, $0x38;
	[tilespmem:$0x1FEA8] =	vst v63  }
0x90: {  	(v2sf) =	vpush v19, $0x9;
	s4 =	sadd.s32 s8, s23;
	s28 =	spop (v2sf);
	s16 =	rddreg [dreg:$0x15]  }
0x91: {  	[tilespmem:s18], [sflag:$0x1] =	stream.strided.gather [hbm4b:s22+s1], $0x800, s31, s1, $0x38;
	[tilespmem:$0x1FEA8] =	vst v63  }
0x92: {  	(v2sf) =	vpush v18, $0x9;
	s3 =	sand.u32 $0xFFFFF80, s25;
	s29 =	spop (v2sf);
	s18 =	rddreg [dreg:$0x16]  }
0x93: {  	(v2sf) =	vpush v19, $0xA;
	[tilespmem:s21], [sflag:$0x1] =	stream.strided.gather [hbm4b:s4+s1], $0x800, s31, s1, $0x38;
	[tilespmem:$0x1FEA8] =	vst v63  }
0x94: {  	s3 =	sadd.s32 s14, s3;
	s4 =	sand.u32 $0xFFFFF80, s28;
	s21 =	rddreg [dreg:$0x17]  }
0x95: {  	(v2sf) =	vpush v18, $0xA;
	[tilespmem:s24], [sflag:$0x1] =	stream.strided.gather [hbm4b:s3+s1], $0x800, s31, s1, $0x38;
	[tilespmem:$0x1FEA8] =	vst v63  }
0x96: {  	s17 =	spop (v2sf);
	s11 =	sadd.s32 s8, s4;
	s24 =	rddreg [dreg:$0x18]  }
0x97: {  	(v2sf) =	vpush v19, $0xB;
	[tilespmem:s26], [sflag:$0x1] =	stream.strided.gather [hbm4b:s11+s1], $0x800, s31, s1, $0x38;
	[tilespmem:$0x1FEA8] =	vst v63  }
0x98: {  	s15 =	sand.u32 $0xFFFFF80, s29;
	s26 =	rddreg [dreg:$0x19]  }
0x99: {  	s4 =	sadd.s32 s14, s15;
	s3 =	sand.u32 $0xFFFFF80, s17;
	s11 =	rddreg [dreg:$0x1b]  }
0x9a: {  	[tilespmem:s30], [sflag:$0x1] =	stream.strided.gather [hbm4b:s4+s1], $0x800, s31, s1, $0x38;
	[tilespmem:$0x1FEA8] =	vst v63  }
0x9b: {  	s3 =	sadd.s32 s8, s3;
	s19 =	spop (v2sf);
	s30 =	rddreg [dreg:$0x1a]  }
0x9c: {  	s4 =	sand.u32 $0xFFFFF80, s19;
	s20 =	spop (v2sf);
	s19 =	rddreg [dreg:$0x1d]  }
0x9d: {  	(v2sf) =	vpush v18, $0xB;
	[tilespmem:s16], [sflag:$0x1] =	stream.strided.gather [hbm4b:s3+s1], $0x800, s31, s1, $0x38;
	[tilespmem:$0x1FEA8] =	vst v63  }
0x9e: {  	s22 =	sadd.s32 s14, s4;
	s23 =	sand.u32 $0xFFFFF80, s20;
	s25 =	spop (v2sf)  }
0x9f: {  	(v2sf) =	vpush v19, $0xC;
	s16 =	rddreg [dreg:$0x1c];
	s3 =	sand.u32 $0xFFFFF80, s25;
	s28 =	spop (v2sf)  }
0xa0: {  	[tilespmem:s18], [sflag:$0x1] =	stream.strided.gather [hbm4b:s22+s1], $0x800, s31, s1, $0x38;
	[tilespmem:$0x1FEA8] =	vst v63  }
0xa1: {  	s4 =	sadd.s32 s8, s23;
	(v2sf) =	vpush v18, $0xC;
	s3 =	sadd.s32 s14, s3;
	s29 =	spop (v2sf)  }
0xa2: {  	s22 =	rddreg [dreg:$0x1e];
	s5 =	sand.u32 $0xFFFFF80, s29;
	s15 =	spop (v2sf)  }
0xa3: {  	(v2sf) =	vpush v19, $0xD;
	[tilespmem:s21], [sflag:$0x1] =	stream.strided.gather [hbm4b:s4+s1], $0x800, s31, s1, $0x38;
	[tilespmem:$0x1FEA8] =	vst v63  }
0xa4: {  	s4 =	sand.u32 $0xFFFFF80, s28;
	s17 =	spop (v2sf);
	s28 =	sld [smem:$0x7F7]  }
0xa5: {  	(v2sf) =	vpush v18, $0xD;
	[tilespmem:s24], [sflag:$0x1] =	stream.strided.gather [hbm4b:s3+s1], $0x800, s31, s1, $0x38;
	[tilespmem:$0x1FEA8] =	vst v63  }
0xa6: {  	s4 =	sadd.s32 s8, s4;
	s18 =	spop (v2sf);
	s3 =	sand.u32 $0xFFFFF80, s15  }
0xa7: {  	(v2sf) =	vpush v19, $0xE;
	[tilespmem:s26], [sflag:$0x1] =	stream.strided.gather [hbm4b:s4+s1], $0x800, s31, s1, $0x38;
	[tilespmem:$0x1FEA8] =	vst v63  }
0xa8: {  	s21 =	sand.u32 $0xFFFFF80, s18;
	s24 =	rddreg [dreg:$0x1f];
	s4 =	sadd.s32 s14, s5  }
0xa9: {  	[tilespmem:s30], [sflag:$0x1] =	stream.strided.gather [hbm4b:s4+s1], $0x800, s31, s1, $0x38;
	[tilespmem:$0x1FEA8] =	vst v63  }
0xaa: {  	s15 =	sld [smem:$0x7F9];
	s3 =	sadd.s32 s8, s3;
	s4 =	sand.u32 $0xFFFFF80, s17  }
0xab: {  	(v2sf) =	vpush v18, $0xE;
	[tilespmem:s11], [sflag:$0x1] =	stream.strided.gather [hbm4b:s3+s1], $0x800, s31, s1, $0x38;
	[tilespmem:$0x1FEA8] =	vst v63  }
0xac: {  	s5 =	sld [smem:$0x7F8];
	s20 =	sadd.s32 s14, s4;
	s23 =	spop (v2sf)  }
0xad: {  	(v2sf) =	vpush v19, $0xF;
	[tilespmem:s16], [sflag:$0x1] =	stream.strided.gather [hbm4b:s20+s1], $0x800, s31, s1, $0x38;
	[tilespmem:$0x1FEA8] =	vst v63  }
0xae: {  	s4 =	sadd.s32 s8, s21;
	(v2sf) =	vpush v18, $0xF;
	s3 =	sand.u32 $0xFFFFF80, s23;
	s25 =	spop (v2sf)  }
0xaf: {  	[tilespmem:s19], [sflag:$0x1] =	stream.strided.gather [hbm4b:s4+s1], $0x800, s31, s1, $0x38;
	[tilespmem:$0x1FEA8] =	vst v63  }
0xb0: {  	s3 =	sadd.s32 s14, s3;
	s4 =	sand.u32 $0xFFFFF80, s25;
	s26 =	spop (v2sf)  }
0xb1: {  	[tilespmem:s22], [sflag:$0x1] =	stream.strided.gather [hbm4b:s3+s1], $0x800, s31, s1, $0x38;
	[tilespmem:$0x1FEA8] =	vst v63  }
0xb2: {  	s29 =	sadd.s32 s8, s4;
	s30 =	sand.u32 $0xFFFFF80, s26;
	s11 =	spop (v2sf)  }
0xb3: {  	[tilespmem:s24], [sflag:$0x1] =	stream.strided.gather [hbm4b:s29+s1], $0x800, s31, s1, $0x38;
	[tilespmem:$0x1FEA8] =	vst v63  }
0xb4: {  	s4 =	sadd.s32 s14, s30;
	s3 =	sand.u32 $0xFFFFF80, s11;
	s16 =	spop (v2sf)  }
0xb5: {  	[tilespmem:s28], [sflag:$0x1] =	stream.strided.gather [hbm4b:s4+s1], $0x800, s31, s1, $0x38;
	[tilespmem:$0x1FEA8] =	vst v63  }
0xb6: {  	s3 =	sadd.s32 s8, s3;
	s17 =	spop (v2sf);
	s4 =	sand.u32 $0xFFFFF80, s16  }
0xb7: {  	[tilespmem:s5], [sflag:$0x1] =	stream.strided.gather [hbm4b:s3+s1], $0x800, s31, s1, $0x38;
	[tilespmem:$0x1FEA8] =	vst v63  }
0xb8: {  	s18 =	sld [smem:$0x7FA];
	s20 =	sand.u32 $0xFFFFF80, s17;
	s19 =	sadd.s32 s14, s4  }
0xb9: {  	[tilespmem:s15], [sflag:$0x1] =	stream.strided.gather [hbm4b:s19+s1], $0x800, s31, s1, $0x38;
	[tilespmem:$0x1FEA8] =	vst v63  }
0xba: {  	s21 =	sld [smem:$0x7FB];
	s22 =	spop (v2sf);
	s4 =	sadd.s32 s8, s20  }
0xbb: {  	[tilespmem:s18], [sflag:$0x1] =	stream.strided.gather [hbm4b:s4+s1], $0x800, s31, s1, $0x38;
	[tilespmem:$0x1FEA8] =	vst v63  }
0xbc: {  	s23 =	sld [smem:$0x7FC];
	s3 =	sand.u32 $0xFFFFF80, s22;
	s24 =	spop (v2sf)  }
0xbd: {  	s3 =	sadd.s32 s14, s3;
	s4 =	sand.u32 $0xFFFFF80, s24;
	s25 =	spop (v2sf)  }
0xbe: {  	[tilespmem:s21], [sflag:$0x1] =	stream.strided.gather [hbm4b:s3+s1], $0x800, s31, s1, $0x38;
	[tilespmem:$0x1FEA8] =	vst v63  }
0xbf: {  	s29 =	sld [smem:$0x7FD];
	s26 =	sadd.s32 s8, s4;
	s28 =	sand.u32 $0xFFFFF80, s25  }
0xc0: {  	[tilespmem:s23], [sflag:$0x1] =	stream.strided.gather [hbm4b:s26+s1], $0x800, s31, s1, $0x38;
	[tilespmem:$0x1FEA8] =	vst v63  }
0xc1: {  	s30 =	sadd.s32 s14, s28  }
0xc2: {  	[tilespmem:s29], [sflag:$0x1] =	stream.strided.gather [hbm4b:s30+s1], $0x800, s31, s1, $0x38;
	[tilespmem:$0x1FEA8] =	vst v63  }
0xc3: {  	_ =	swait.ge [sflag:s13], $0x800  }
0xc4: {  	[sflag:s13] =	ssyncset.done $0x0  }
0xc5: {  	[sflag:s13] =	ssyncadd.s32 $0xFFFFF800  }
0xc6: {  	_ =	swait.ge [sflag:s13], $0x800  }
0xc7: {  	[sflag:s13] =	ssyncset.done $0x0  }
0xc8: {  	[sflag:s13] =	ssyncadd.s32 $0xFFFFF800  }
0xc9: {  	_ =	swait.ge [sflag:s13], $0x800  }
0xca: {  	[sflag:s13] =	ssyncset.done $0x0  }
0xcb: {  	[sflag:s13] =	ssyncadd.s32 $0xFFFFF800  }
0xcc: {  	_ =	swait.ge [sflag:s13], $0x800  }
0xcd: {  	[sflag:s13] =	ssyncset.done $0x0  }
0xce: {  	[sflag:s13] =	ssyncadd.s32 $0xFFFFF800  }
0xcf: {  	_ =	swait.ge [sflag:s13], $0x800  }
0xd0: {  	[sflag:s13] =	ssyncset.done $0x0  }
0xd1: {  	[sflag:s13] =	ssyncadd.s32 $0xFFFFF800  }
0xd2: {  	_ =	swait.ge [sflag:s13], $0x800  }
0xd3: {  	[sflag:s13] =	ssyncset.done $0x0  }
0xd4: {  	[sflag:s13] =	ssyncadd.s32 $0xFFFFF800  }
0xd5: {  	_ =	swait.ge [sflag:s13], $0x800  }
0xd6: {  	[sflag:s13] =	ssyncset.done $0x0  }
0xd7: {  	[sflag:s13] =	ssyncadd.s32 $0xFFFFF800  }
0xd8: {  	_ =	swait.ge [sflag:s13], $0x800  }
0xd9: {  	[sflag:s13] =	ssyncset.done $0x0  }
0xda: {  	[sflag:s13] =	ssyncadd.s32 $0xFFFFF800  }
0xdb: {  	_ =	swait.ge [sflag:s13], $0x800  }
0xdc: {  	[sflag:s13] =	ssyncset.done $0x0  }
0xdd: {  	[sflag:s13] =	ssyncadd.s32 $0xFFFFF800  }
0xde: {  	_ =	swait.ge [sflag:s13], $0x800  }
0xdf: {  	[sflag:s13] =	ssyncset.done $0x0  }
0xe0: {  	[sflag:s13] =	ssyncadd.s32 $0xFFFFF800  }
0xe1: {  	_ =	swait.ge [sflag:s13], $0x800  }
0xe2: {  	[sflag:s13] =	ssyncset.done $0x0  }
0xe3: {  	[sflag:s13] =	ssyncadd.s32 $0xFFFFF800  }
0xe4: {  	_ =	swait.ge [sflag:s13], $0x800  }
0xe5: {  	[sflag:s13] =	ssyncset.done $0x0  }
0xe6: {  	[sflag:s13] =	ssyncadd.s32 $0xFFFFF800  }
0xe7: {  	_ =	swait.ge [sflag:s13], $0x800  }
0xe8: {  	[sflag:s13] =	ssyncset.done $0x0  }
0xe9: {  	[sflag:s13] =	ssyncadd.s32 $0xFFFFF800  }
0xea: {  	_ =	swait.ge [sflag:s13], $0x800  }
0xeb: {  	[sflag:s13] =	ssyncset.done $0x0  }
0xec: {  	[sflag:s13] =	ssyncadd.s32 $0xFFFFF800  }
0xed: {  	_ =	swait.ge [sflag:s13], $0x800  }
0xee: {  	[sflag:s13] =	ssyncset.done $0x0  }
0xef: {  	[sflag:s13] =	ssyncadd.s32 $0xFFFFF800  }
0xf0: {  	_ =	swait.ge [sflag:s13], $0x800  }
0xf1: {  	[sflag:s13] =	ssyncset.done $0x0  }
0xf2: {  	[sflag:s13] =	ssyncadd.s32 $0xFFFFF800  }
0xf3: {  	_ =	swait.ge [sflag:s13], $0x800  }
0xf4: {  	[sflag:s13] =	ssyncset.done $0x0  }
0xf5: {  	[sflag:s13] =	ssyncadd.s32 $0xFFFFF800  }
0xf6: {  	_ =	swait.ge [sflag:s13], $0x800  }
0xf7: {  	[sflag:s13] =	ssyncset.done $0x0  }
0xf8: {  	[sflag:s13] =	ssyncadd.s32 $0xFFFFF800  }
0xf9: {  	_ =	swait.ge [sflag:s13], $0x800  }
0xfa: {  	[sflag:s13] =	ssyncset.done $0x0  }
0xfb: {  	[sflag:s13] =	ssyncadd.s32 $0xFFFFF800  }
0xfc: {  	_ =	swait.ge [sflag:s13], $0x800  }
0xfd: {  	[sflag:s13] =	ssyncset.done $0x0  }
0xfe: {  	[sflag:s13] =	ssyncadd.s32 $0xFFFFF800  }
0xff: {  	_ =	swait.ge [sflag:s13], $0x800  }
0x100: {  	[sflag:s13] =	ssyncset.done $0x0  }
0x101: {  	[sflag:s13] =	ssyncadd.s32 $0xFFFFF800  }
0x102: {  	_ =	swait.ge [sflag:s13], $0x800  }
0x103: {  	[sflag:s13] =	ssyncset.done $0x0  }
0x104: {  	[sflag:s13] =	ssyncadd.s32 $0xFFFFF800  }
0x105: {  	_ =	swait.ge [sflag:s13], $0x800  }
0x106: {  	[sflag:s13] =	ssyncset.done $0x0  }
0x107: {  	[sflag:s13] =	ssyncadd.s32 $0xFFFFF800  }
0x108: {  	_ =	swait.ge [sflag:s13], $0x800  }
0x109: {  	[sflag:s13] =	ssyncset.done $0x0  }
0x10a: {  	[sflag:s13] =	ssyncadd.s32 $0xFFFFF800  }
0x10b: {  	_ =	swait.ge [sflag:s13], $0x800  }
0x10c: {  	[sflag:s13] =	ssyncset.done $0x0  }
0x10d: {  	[sflag:s13] =	ssyncadd.s32 $0xFFFFF800  }
0x10e: {  	_ =	swait.ge [sflag:s13], $0x800  }
0x10f: {  	[sflag:s13] =	ssyncset.done $0x0  }
0x110: {  	[sflag:s13] =	ssyncadd.s32 $0xFFFFF800  }
0x111: {  	_ =	swait.ge [sflag:s13], $0x800  }
0x112: {  	[sflag:s13] =	ssyncset.done $0x0  }
0x113: {  	[sflag:s13] =	ssyncadd.s32 $0xFFFFF800  }
0x114: {  	_ =	swait.ge [sflag:s13], $0x800  }
0x115: {  	[sflag:s13] =	ssyncset.done $0x0  }
0x116: {  	[sflag:s13] =	ssyncadd.s32 $0xFFFFF800  }
0x117: {  	_ =	swait.ge [sflag:s13], $0x800  }
0x118: {  	[sflag:s13] =	ssyncset.done $0x0  }
0x119: {  	[sflag:s13] =	ssyncadd.s32 $0xFFFFF800  }
0x11a: {  	_ =	swait.ge [sflag:s13], $0x800  }
0x11b: {  	[sflag:s13] =	ssyncset.done $0x0  }
0x11c: {  	[sflag:s13] =	ssyncadd.s32 $0xFFFFF800  }
0x11d: {  	v19 =	vand.u32 $0x7F, v19;
	_ =	swait.ge [sflag:s13], $0x800  }
0x11e: {  	v18 =	vand.u32 $0x7F, v18;
	v20 =	vor.u32 v3, v19;
	[sflag:s13] =	ssyncset.done $0x0  }
0x11f: {  	v21 =	vor.u32 v1, v18;
	[sflag:s13] =	ssyncadd.s32 $0xFFFFF800  }
0x120: {  	v22 =	vor.u32 v1, v19;
	_ =	swait.ge [sflag:s13], $0x800  }
0x121: {  	v23 =	vor.u32 v2, v19;
	[sflag:s13] =	ssyncset.done $0x0  }
0x122: {  	v24 =	vor.u32 v2, v18;
	[sflag:s13] =	ssyncadd.s32 $0xFFFFF800  }
0x123: {  	v25 =	vor.u32 v3, v18;
	v20 =	vld.idx.msk [tilespmem:v20+s1+$0x0], $0xffff  }
0x124: {  	v26 =	vor.u32 v4, v19;
	v21 =	vld.idx.msk [tilespmem:v21+s9+$0x0], $0xffff  }
0x125: {  	v27 =	vor.u32 v4, v18;
	v22 =	vld.idx.msk [tilespmem:v22+s1+$0x0], $0xffff  }
0x126: {  	v28 =	vor.u32 v5, v19;
	v23 =	vld.idx.msk [tilespmem:v23+s1+$0x0], $0xffff  }
0x127: {  	v29 =	vor.u32 v5, v18;
	v24 =	vld.idx.msk [tilespmem:v24+s9+$0x0], $0xffff  }
0x128: {  	v30 =	vor.u32 v6, v19;
	v25 =	vld.idx.msk [tilespmem:v25+s9+$0x0], $0xffff  }
0x129: {  	v31 =	vor.u32 v6, v18;
	v26 =	vld.idx.msk [tilespmem:v26+s1+$0x0], $0xffff  }
0x12a: {  	v32 =	vor.u32 v7, v19;
	v27 =	vld.idx.msk [tilespmem:v27+s9+$0x0], $0xffff;
	v21 =	vmul.f32 v21, v22  }
0x12b: {  	v55 =	vor.u32 v7, v18;
	v54 =	vld.idx.msk [tilespmem:v28+s1+$0x0], $0xffff  }
0x12c: {  	v57 =	vor.u32 v8, v19;
	v56 =	vld.idx.msk [tilespmem:v29+s9+$0x0], $0xffff;
	v23 =	vmul.f32 v24, v23;
	v21 =	vadd.f32 $0.0e+00, v21  }
0x12d: {  	v33 =	vor.u32 v8, v18;
	v30 =	vld.idx.msk [tilespmem:v30+s1+$0x0], $0xffff  }
0x12e: {  	v34 =	vor.u32 v11, v18;
	v31 =	vld.idx.msk [tilespmem:v31+s9+$0x0], $0xffff;
	v20 =	vmul.f32 v25, v20;
	v21 =	vadd.f32 v23, v21  }
0x12f: {  	v61 =	vor.u32 v9, v19;
	v58 =	vld.idx.msk [tilespmem:v32+s1+$0x0], $0xffff  }
0x130: {  	v59 =	vor.u32 v11, v19;
	v60 =	vld.idx.msk [tilespmem:v55+s9+$0x0], $0xffff;
	v26 =	vmul.f32 v27, v26;
	v20 =	vadd.f32 v20, v21  }
0x131: {  	v63 =	vor.u32 v9, v18;
	v62 =	vld.idx.msk [tilespmem:v57+s1+$0x0], $0xffff  }
0x132: {  	v37 =	vor.u32 v10, v19;
	v36 =	vld.idx.msk [tilespmem:v33+s9+$0x0], $0xffff;
	v22 =	vmul.f32 v56, v54;
	v20 =	vadd.f32 v26, v20  }
0x133: {  	v39 =	vor.u32 v10, v18;
	v38 =	vld.idx.msk [tilespmem:v34+s9+$0x0], $0xffff  }
0x134: {  	v40 =	vor.u32 v12, v19;
	v41 =	vld.idx.msk [tilespmem:v61+s1+$0x0], $0xffff;
	v30 =	vmul.f32 v31, v30;
	v20 =	vadd.f32 v22, v20  }
0x135: {  	v42 =	vor.u32 v12, v18;
	v25 =	vld.idx.msk [tilespmem:v59+s1+$0x0], $0xffff  }
0x136: {  	v44 =	vor.u32 v13, v18;
	v43 =	vld.idx.msk [tilespmem:v63+s9+$0x0], $0xffff;
	v23 =	vmul.f32 v60, v58;
	v20 =	vadd.f32 v30, v20  }
0x137: {  	v46 =	vor.u32 v13, v19;
	v45 =	vld.idx.msk [tilespmem:v37+s1+$0x0], $0xffff  }
0x138: {  	v50 =	vor.u32 v14, v18;
	v47 =	vld.idx.msk [tilespmem:v39+s9+$0x0], $0xffff;
	v21 =	vmul.f32 v36, v62;
	v20 =	vadd.f32 v23, v20  }
0x139: {  	v48 =	vor.u32 v14, v19;
	v52 =	vor.u32 v15, v19;
	v19 =	vor.u32 v16, v19;
	v49 =	vld.idx.msk [tilespmem:v40+s1+$0x0], $0xffff  }
0x13a: {  	v51 =	vld.idx.msk [tilespmem:v42+s9+$0x0], $0xffff;
	v25 =	vmul.f32 v38, v25;
	v20 =	vadd.f32 v21, v20  }
0x13b: {  	v53 =	vld.idx.msk [tilespmem:v44+s9+$0x0], $0xffff  }
0x13c: {  	v55 =	vld.idx.msk [tilespmem:v46+s1+$0x0], $0xffff;
	v54 =	vor.u32 v15, v18;
	v22 =	vmul.f32 v43, v41;
	v20 =	vadd.f32 v25, v20  }
0x13d: {  	v57 =	vld.idx.msk [tilespmem:v50+s9+$0x0], $0xffff;
	v18 =	vor.u32 v16, v18  }
0x13e: {  	v19 =	vld.idx.msk [tilespmem:v19+s1+$0x0], $0xffff;
	v24 =	vmul.f32 v47, v45;
	v58 =	vor.u32 s10, v0;
	v20 =	vadd.f32 v22, v20  }
0x13f: {  	v56 =	vld.idx.msk [tilespmem:v48+s1+$0x0], $0xffff  }
0x140: {  	v59 =	vld.idx.msk [tilespmem:v52+s1+$0x0], $0xffff;
	v23 =	vmul.f32 v51, v49;
	v20 =	vadd.f32 v24, v20  }
0x141: {  	v60 =	vld.idx.msk [tilespmem:v54+s9+$0x0], $0xffff  }
0x142: {  	v18 =	vld.idx.msk [tilespmem:v18+s9+$0x0], $0xffff;
	v21 =	vmul.f32 v53, v55;
	v20 =	vadd.f32 v23, v20  }
0x143: {  	v61 =	vld.idx.msk [tilespmem:v58+s6+$0x0], $0xffff  }
0x144: {  	v62 =	vmul.f32 v57, v56;
	v20 =	vadd.f32 v21, v20  }
0x145: {  	v63 =	vld.idx.msk [tilespmem:v58+s7+$0x0], $0xffff  }
0x146: {  	v22 =	vmul.f32 v60, v59;
	v20 =	vadd.f32 v62, v20;
	_ =	sdelay $0x1  }
0x147: {  	v18 =	vmul.f32 v18, v19;
	v19 =	vadd.f32 v61, v17;
	v20 =	vadd.f32 v22, v20;
	_ =	sdelay $0x1  }
0x148: {  	v19 =	vadd.f32 v63, v19;
	v18 =	vadd.f32 v18, v20  }
0x149: {  	s0 =	simm.s32 $0x10880;
	s24 =	simm.s32 $0x10880  }
0x14a: {  	s21 =	simm.s32 $0x10;
	s23 =	simm.s32 $0x200;
	s10 =	simm.s32 $0x0;
	v18 =	vadd.f32 v19, v18  }
.LBB2_2:
0x14b: {  	_ = 	snop  }
0x14c: {  	v18 =	vsub.f32 $0.0e+00, v18;
	_ =	sdelay $0x1  }
0x14d: {  	v18 =	vmul.f32 $1.442695020e+00, v18;
	_ =	sdelay $0x1  }
0x14e: {  	(erf) = vpow2.f32 v18;
	_ =	sdelay $0x5  }
0x14f: {  	s7 =	sld [smem:$0x7FC]  }
0x150: {  	s9 =	sld [smem:$0x7FB]  }
0x151: {  	s11 =	sld [smem:$0x7FA]  }
0x152: {  	s15 =	sld [smem:$0x7F9];
	v18 =	vpop (erf)  }
0x153: {  	s17 =	sld [smem:$0x7F8];
	v18 =	vadd.f32 $1.000000000e+00, v18  }
0x154: {  	s18 =	sld [smem:$0x7F7]  }
0x155: {  	s19 =	rddreg [dreg:$0x1f];
	(erf) = vrcp.f32 v18  }
0x156: {  	s20 =	rddreg [dreg:$0x1e]  }
0x157: {  	s22 =	rddreg [dreg:$0x1d]  }
0x158: {  	s25 =	rddreg [dreg:$0x1c]  }
0x159: {  	s26 =	rddreg [dreg:$0x1b]  }
0x15a: {  	s5 =	rddreg [dreg:$0x1a]  }
0x15b: {  	s4 =	rddreg [dreg:$0x19]  }
0x15c: {  	s30 =	rddreg [dreg:$0x15]  }
0x15d: {  	s3 =	rddreg [dreg:$0xe]  }
0x15e: {  	s2 =	smov.u32 s21;
	s29 =	rddreg [dreg:$0xc];
	v18 =	vpop (erf)  }
0x15f: {  	s23 =	sadd.s32 $0x10, s23;
	[smem:$0x7EF] =	sst s2;
	[tilespmem:s0+$0x0] =	vst v18  }
0x160: {  	s10 =	sadd.s32 $0x10, s10;
	[smem:$0x7E7] =	sst s19;
	v20 =	vld [tilespmem:s23+$0x0]  }
0x161: {  	[smem:$0x7E6] =	sst s20;
	v21 =	vld [tilespmem:s10+$0x0]  }
0x162: {  	[smem:$0x7E5] =	sst s22  }
0x163: {  	[smem:$0x7E4] =	sst s25  }
0x164: {  	[smem:$0x7E3] =	sst s26  }
0x165: {  	s19 =	rddreg [dreg:$0x16];
	(v2sf) =	vpush v20, $0x0  }
0x166: {  	s20 =	rddreg [dreg:$0x12];
	(v2sf) =	vpush v21, $0x0  }
0x167: {  	s25 =	rddreg [dreg:$0x11];
	(v2sf) =	vpush v21, $0x1  }
0x168: {  	s2 =	rddreg [dreg:$0xf];
	(v2sf) =	vpush v20, $0x1  }
0x169: {  	s24 =	sadd.s32 $0x10, s24;
	s26 =	rddreg [dreg:$0xd]  }
0x16a: {  	s16 =	smov.u32 s24;
	s22 =	rddreg [dreg:$0xb]  }
0x16b: {  	[smem:$0x7EE] =	sst s16  }
0x16c: {  	s16 =	rddreg [dreg:$0x14];
	(v2sf) =	vpush v21, $0x2  }
0x16d: {  	[smem:$0x7ED] =	sst s7  }
0x16e: {  	[smem:$0x7EC] =	sst s9;
	(v2sf) =	vpush v20, $0x2  }
0x16f: {  	[smem:$0x7EB] =	sst s11  }
0x170: {  	[smem:$0x7EA] =	sst s15;
	(v2sf) =	vpush v21, $0x3  }
0x171: {  	[smem:$0x7E9] =	sst s17  }
0x172: {  	[smem:$0x7E8] =	sst s18;
	(v2sf) =	vpush v20, $0x3  }
0x173: {  	s15 =	rddreg [dreg:$0x18]  }
0x174: {  	s17 =	rddreg [dreg:$0x13];
	s28 =	spop (v2sf);
	(v2sf) =	vpush v21, $0x4  }
0x175: {  	s7 =	rddreg [dreg:$0x9];
	s18 =	spop (v2sf)  }
0x176: {  	s0 =	rddreg [dreg:$0x10];
	s18 =	sand.u32 $0xFFFFF80, s18;
	s6 =	spop (v2sf);
	(v2sf) =	vpush v20, $0x4  }
0x177: {  	s28 =	sand.u32 $0xFFFFF80, s28;
	s18 =	sadd.s32 s8, s18;
	s9 =	spop (v2sf)  }
0x178: {  	(v2sf) =	vpush v21, $0x5;
	[tilespmem:s1], [sflag:$0x1] =	stream.strided.gather [hbm4b:s18+s1], $0x800, s31, s1, $0x38;
	[tilespmem:$0x1FEA8] =	vst v63  }
0x179: {  	s28 =	sadd.s32 s14, s28;
	s6 =	sand.u32 $0xFFFFF80, s6;
	s9 =	sand.u32 $0xFFFFF80, s9  }
0x17a: {  	(v2sf) =	vpush v20, $0x5;
	[tilespmem:s12], [sflag:$0x1] =	stream.strided.gather [hbm4b:s28+s1], $0x800, s31, s1, $0x38;
	[tilespmem:$0x1FEA8] =	vst v63  }
0x17b: {  	s6 =	sadd.s32 s8, s6;
	s18 =	rddreg [dreg:$0xa];
	s28 =	spop (v2sf)  }
0x17c: {  	(v2sf) =	vpush v21, $0x6;
	[tilespmem:s7], [sflag:$0x1] =	stream.strided.gather [hbm4b:s6+s1], $0x800, s31, s1, $0x38;
	[tilespmem:$0x1FEA8] =	vst v63  }
0x17d: {  	s7 =	sadd.s32 s14, s9;
	s9 =	sand.u32 $0xFFFFF80, s28;
	s28 =	spop (v2sf)  }
0x17e: {  	(v2sf) =	vpush v20, $0x6;
	[tilespmem:s18], [sflag:$0x1] =	stream.strided.gather [hbm4b:s7+s1], $0x800, s31, s1, $0x38;
	[tilespmem:$0x1FEA8] =	vst v63  }
0x17f: {  	s7 =	sadd.s32 s8, s9;
	s18 =	sand.u32 $0xFFFFF80, s28;
	s28 =	spop (v2sf)  }
0x180: {  	(v2sf) =	vpush v21, $0x7;
	[tilespmem:s22], [sflag:$0x1] =	stream.strided.gather [hbm4b:s7+s1], $0x800, s31, s1, $0x38;
	[tilespmem:$0x1FEA8] =	vst v63  }
0x181: {  	s18 =	sadd.s32 s14, s18;
	s22 =	sand.u32 $0xFFFFF80, s28;
	s28 =	spop (v2sf)  }
0x182: {  	(v2sf) =	vpush v20, $0x7;
	[tilespmem:s29], [sflag:$0x1] =	stream.strided.gather [hbm4b:s18+s1], $0x800, s31, s1, $0x38;
	[tilespmem:$0x1FEA8] =	vst v63  }
0x183: {  	s7 =	sadd.s32 s8, s22;
	s18 =	sand.u32 $0xFFFFF80, s28;
	s22 =	spop (v2sf)  }
0x184: {  	(v2sf) =	vpush v21, $0x8;
	[tilespmem:s26], [sflag:$0x1] =	stream.strided.gather [hbm4b:s7+s1], $0x800, s31, s1, $0x38;
	[tilespmem:$0x1FEA8] =	vst v63  }
0x185: {  	s26 =	sadd.s32 s14, s18;
	s28 =	sand.u32 $0xFFFFF80, s22;
	s29 =	spop (v2sf)  }
0x186: {  	(v2sf) =	vpush v20, $0x8;
	[tilespmem:s3], [sflag:$0x1] =	stream.strided.gather [hbm4b:s26+s1], $0x800, s31, s1, $0x38;
	[tilespmem:$0x1FEA8] =	vst v63  }
0x187: {  	s7 =	sadd.s32 s8, s28;
	s18 =	sand.u32 $0xFFFFF80, s29;
	s22 =	spop (v2sf);
	(v2sf) =	vpush v21, $0x9  }
0x188: {  	[tilespmem:s2], [sflag:$0x1] =	stream.strided.gather [hbm4b:s7+s1], $0x800, s31, s1, $0x38;
	[tilespmem:$0x1FEA8] =	vst v63  }
0x189: {  	s26 =	sadd.s32 s14, s18;
	s28 =	sand.u32 $0xFFFFF80, s22;
	s29 =	spop (v2sf);
	(v2sf) =	vpush v20, $0x9  }
0x18a: {  	[tilespmem:s0], [sflag:$0x1] =	stream.strided.gather [hbm4b:s26+s1], $0x800, s31, s1, $0x38;
	[tilespmem:$0x1FEA8] =	vst v63  }
0x18b: {  	s9 =	sadd.s32 s8, s28;
	s18 =	sand.u32 $0xFFFFF80, s29;
	s22 =	spop (v2sf)  }
0x18c: {  	(v2sf) =	vpush v21, $0xA;
	[tilespmem:s25], [sflag:$0x1] =	stream.strided.gather [hbm4b:s9+s1], $0x800, s31, s1, $0x38;
	[tilespmem:$0x1FEA8] =	vst v63  }
0x18d: {  	s26 =	sadd.s32 s14, s18;
	s28 =	sand.u32 $0xFFFFF80, s22;
	s29 =	spop (v2sf)  }
0x18e: {  	(v2sf) =	vpush v20, $0xA;
	[tilespmem:s20], [sflag:$0x1] =	stream.strided.gather [hbm4b:s26+s1], $0x800, s31, s1, $0x38;
	[tilespmem:$0x1FEA8] =	vst v63  }
0x18f: {  	s2 =	sadd.s32 s8, s28;
	s3 =	sand.u32 $0xFFFFF80, s29;
	s9 =	spop (v2sf)  }
0x190: {  	(v2sf) =	vpush v21, $0xB;
	[tilespmem:s17], [sflag:$0x1] =	stream.strided.gather [hbm4b:s2+s1], $0x800, s31, s1, $0x38;
	[tilespmem:$0x1FEA8] =	vst v63  }
0x191: {  	s18 =	sand.u32 $0xFFFFF80, s9;
	s20 =	spop (v2sf);
	s17 =	sadd.s32 s14, s3  }
0x192: {  	(v2sf) =	vpush v20, $0xB;
	[tilespmem:s16], [sflag:$0x1] =	stream.strided.gather [hbm4b:s17+s1], $0x800, s31, s1, $0x38;
	[tilespmem:$0x1FEA8] =	vst v63  }
0x193: {  	s11 =	rddreg [dreg:$0x17];
	s22 =	sadd.s32 s8, s18;
	s26 =	spop (v2sf)  }
0x194: {  	[tilespmem:s30], [sflag:$0x1] =	stream.strided.gather [hbm4b:s22+s1], $0x800, s31, s1, $0x38;
	[tilespmem:$0x1FEA8] =	vst v63  }
0x195: {  	s25 =	sand.u32 $0xFFFFF80, s20;
	(v2sf) =	vpush v21, $0xC;
	s29 =	sand.u32 $0xFFFFF80, s26;
	s30 =	spop (v2sf)  }
0x196: {  	s28 =	sadd.s32 s14, s25;
	s9 =	sadd.s32 s8, s29;
	s17 =	spop (v2sf)  }
0x197: {  	(v2sf) =	vpush v20, $0xC;
	[tilespmem:s19], [sflag:$0x1] =	stream.strided.gather [hbm4b:s28+s1], $0x800, s31, s1, $0x38;
	[tilespmem:$0x1FEA8] =	vst v63  }
0x198: {  	s16 =	sand.u32 $0xFFFFF80, s30;
	s19 =	sand.u32 $0xFFFFF80, s17;
	s20 =	spop (v2sf)  }
0x199: {  	(v2sf) =	vpush v21, $0xD;
	s18 =	sadd.s32 s14, s16;
	s22 =	sadd.s32 s8, s19;
	s25 =	sand.u32 $0xFFFFF80, s20  }
0x19a: {  	(v2sf) =	vpush v20, $0xD;
	[tilespmem:s11], [sflag:$0x1] =	stream.strided.gather [hbm4b:s9+s1], $0x800, s31, s1, $0x38;
	[tilespmem:$0x1FEA8] =	vst v63  }
0x19b: {  	s26 =	spop (v2sf);
	s28 =	sadd.s32 s14, s25;
	s11 =	sld [smem:$0x7E3]  }
0x19c: {  	[tilespmem:s15], [sflag:$0x1] =	stream.strided.gather [hbm4b:s18+s1], $0x800, s31, s1, $0x38;
	[tilespmem:$0x1FEA8] =	vst v63  }
0x19d: {  	s25 =	sld [smem:$0x7E5];
	s29 =	sand.u32 $0xFFFFF80, s26;
	s30 =	spop (v2sf)  }
0x19e: {  	(v2sf) =	vpush v21, $0xE;
	[tilespmem:s4], [sflag:$0x1] =	stream.strided.gather [hbm4b:s22+s1], $0x800, s31, s1, $0x38;
	[tilespmem:$0x1FEA8] =	vst v63  }
0x19f: {  	s18 =	sld [smem:$0x7E4];
	s4 =	sadd.s32 s8, s29;
	s9 =	spop (v2sf)  }
0x1a0: {  	(v2sf) =	vpush v20, $0xE;
	[tilespmem:s5], [sflag:$0x1] =	stream.strided.gather [hbm4b:s28+s1], $0x800, s31, s1, $0x38;
	[tilespmem:$0x1FEA8] =	vst v63  }
0x1a1: {  	s16 =	sand.u32 $0xFFFFF80, s9;
	s5 =	sand.u32 $0xFFFFF80, s30;
	s17 =	spop (v2sf)  }
0x1a2: {  	s19 =	sadd.s32 s8, s16;
	s30 =	sld [smem:$0x7E6];
	s20 =	sand.u32 $0xFFFFF80, s17  }
0x1a3: {  	[tilespmem:s11], [sflag:$0x1] =	stream.strided.gather [hbm4b:s4+s1], $0x800, s31, s1, $0x38;
	[tilespmem:$0x1FEA8] =	vst v63  }
0x1a4: {  	(v2sf) =	vpush v21, $0xF;
	s15 =	sadd.s32 s14, s5;
	s26 =	sadd.s32 s14, s20;
	s22 =	spop (v2sf)  }
0x1a5: {  	[tilespmem:s18], [sflag:$0x1] =	stream.strided.gather [hbm4b:s15+s1], $0x800, s31, s1, $0x38;
	[tilespmem:$0x1FEA8] =	vst v63  }
0x1a6: {  	(v2sf) =	vpush v20, $0xF;
	s28 =	sand.u32 $0xFFFFF80, s22;
	s15 =	sld [smem:$0x7E7];
	s29 =	spop (v2sf)  }
0x1a7: {  	[tilespmem:s25], [sflag:$0x1] =	stream.strided.gather [hbm4b:s19+s1], $0x800, s31, s1, $0x38;
	[tilespmem:$0x1FEA8] =	vst v63  }
0x1a8: {  	s5 =	sadd.s32 s8, s28;
	s9 =	sand.u32 $0xFFFFF80, s29;
	s11 =	spop (v2sf)  }
0x1a9: {  	s19 =	sld [smem:$0x7E8];
	s17 =	sand.u32 $0xFFFFF80, s11;
	s18 =	spop (v2sf)  }
0x1aa: {  	[tilespmem:s30], [sflag:$0x1] =	stream.strided.gather [hbm4b:s26+s1], $0x800, s31, s1, $0x38;
	[tilespmem:$0x1FEA8] =	vst v63  }
0x1ab: {  	s16 =	sadd.s32 s14, s9;
	s20 =	sadd.s32 s8, s17;
	s22 =	sand.u32 $0xFFFFF80, s18  }
0x1ac: {  	[tilespmem:s15], [sflag:$0x1] =	stream.strided.gather [hbm4b:s5+s1], $0x800, s31, s1, $0x38;
	[tilespmem:$0x1FEA8] =	vst v63  }
0x1ad: {  	s26 =	sld [smem:$0x7E9];
	s25 =	spop (v2sf);
	s28 =	sadd.s32 s14, s22  }
0x1ae: {  	[tilespmem:s19], [sflag:$0x1] =	stream.strided.gather [hbm4b:s16+s1], $0x800, s31, s1, $0x38;
	[tilespmem:$0x1FEA8] =	vst v63  }
0x1af: {  	s29 =	sand.u32 $0xFFFFF80, s25;
	s5 =	sld [smem:$0x7EA];
	s30 =	spop (v2sf)  }
0x1b0: {  	[tilespmem:s26], [sflag:$0x1] =	stream.strided.gather [hbm4b:s20+s1], $0x800, s31, s1, $0x38;
	[tilespmem:$0x1FEA8] =	vst v63  }
0x1b1: {  	s9 =	sadd.s32 s8, s29;
	s11 =	sand.u32 $0xFFFFF80, s30;
	s16 =	sld [smem:$0x7EB]  }
0x1b2: {  	[tilespmem:s5], [sflag:$0x1] =	stream.strided.gather [hbm4b:s28+s1], $0x800, s31, s1, $0x38;
	[tilespmem:$0x1FEA8] =	vst v63  }
0x1b3: {  	s15 =	spop (v2sf);
	s17 =	sadd.s32 s14, s11;
	s20 =	sld [smem:$0x7EC]  }
0x1b4: {  	[tilespmem:s16], [sflag:$0x1] =	stream.strided.gather [hbm4b:s9+s1], $0x800, s31, s1, $0x38;
	[tilespmem:$0x1FEA8] =	vst v63  }
0x1b5: {  	s18 =	sand.u32 $0xFFFFF80, s15;
	s19 =	spop (v2sf);
	s28 =	sld [smem:$0x7ED]  }
0x1b6: {  	[tilespmem:s20], [sflag:$0x1] =	stream.strided.gather [hbm4b:s17+s1], $0x800, s31, s1, $0x38;
	[tilespmem:$0x1FEA8] =	vst v63  }
0x1b7: {  	s26 =	sld [smem:$0x7FD];
	s22 =	sadd.s32 s8, s18;
	s25 =	sand.u32 $0xFFFFF80, s19  }
0x1b8: {  	[tilespmem:s28], [sflag:$0x1] =	stream.strided.gather [hbm4b:s22+s1], $0x800, s31, s1, $0x38;
	[tilespmem:$0x1FEA8] =	vst v63  }
0x1b9: {  	s29 =	sadd.s32 s14, s25  }
0x1ba: {  	[tilespmem:s26], [sflag:$0x1] =	stream.strided.gather [hbm4b:s29+s1], $0x800, s31, s1, $0x38;
	[tilespmem:$0x1FEA8] =	vst v63  }
0x1bb: {  	s0 =	sld [smem:$0x7EE];
	_ =	swait.ge [sflag:s13], $0x800  }
0x1bc: {  	[sflag:s13] =	ssyncset.done $0x0  }
0x1bd: {  	[sflag:s13] =	ssyncadd.s32 $0xFFFFF800  }
0x1be: {  	_ =	swait.ge [sflag:s13], $0x800  }
0x1bf: {  	[sflag:s13] =	ssyncset.done $0x0  }
0x1c0: {  	[sflag:s13] =	ssyncadd.s32 $0xFFFFF800  }
0x1c1: {  	_ =	swait.ge [sflag:s13], $0x800  }
0x1c2: {  	[sflag:s13] =	ssyncset.done $0x0  }
0x1c3: {  	[sflag:s13] =	ssyncadd.s32 $0xFFFFF800  }
0x1c4: {  	_ =	swait.ge [sflag:s13], $0x800  }
0x1c5: {  	[sflag:s13] =	ssyncset.done $0x0  }
0x1c6: {  	[sflag:s13] =	ssyncadd.s32 $0xFFFFF800  }
0x1c7: {  	_ =	swait.ge [sflag:s13], $0x800  }
0x1c8: {  	[sflag:s13] =	ssyncset.done $0x0  }
0x1c9: {  	[sflag:s13] =	ssyncadd.s32 $0xFFFFF800  }
0x1ca: {  	_ =	swait.ge [sflag:s13], $0x800  }
0x1cb: {  	[sflag:s13] =	ssyncset.done $0x0  }
0x1cc: {  	[sflag:s13] =	ssyncadd.s32 $0xFFFFF800  }
0x1cd: {  	_ =	swait.ge [sflag:s13], $0x800  }
0x1ce: {  	[sflag:s13] =	ssyncset.done $0x0  }
0x1cf: {  	[sflag:s13] =	ssyncadd.s32 $0xFFFFF800  }
0x1d0: {  	_ =	swait.ge [sflag:s13], $0x800  }
0x1d1: {  	[sflag:s13] =	ssyncset.done $0x0  }
0x1d2: {  	[sflag:s13] =	ssyncadd.s32 $0xFFFFF800  }
0x1d3: {  	_ =	swait.ge [sflag:s13], $0x800  }
0x1d4: {  	[sflag:s13] =	ssyncset.done $0x0  }
0x1d5: {  	[sflag:s13] =	ssyncadd.s32 $0xFFFFF800  }
0x1d6: {  	_ =	swait.ge [sflag:s13], $0x800  }
0x1d7: {  	[sflag:s13] =	ssyncset.done $0x0  }
0x1d8: {  	[sflag:s13] =	ssyncadd.s32 $0xFFFFF800  }
0x1d9: {  	_ =	swait.ge [sflag:s13], $0x800  }
0x1da: {  	[sflag:s13] =	ssyncset.done $0x0  }
0x1db: {  	[sflag:s13] =	ssyncadd.s32 $0xFFFFF800  }
0x1dc: {  	_ =	swait.ge [sflag:s13], $0x800  }
0x1dd: {  	[sflag:s13] =	ssyncset.done $0x0  }
0x1de: {  	[sflag:s13] =	ssyncadd.s32 $0xFFFFF800  }
0x1df: {  	_ =	swait.ge [sflag:s13], $0x800  }
0x1e0: {  	[sflag:s13] =	ssyncset.done $0x0  }
0x1e1: {  	[sflag:s13] =	ssyncadd.s32 $0xFFFFF800  }
0x1e2: {  	_ =	swait.ge [sflag:s13], $0x800  }
0x1e3: {  	[sflag:s13] =	ssyncset.done $0x0  }
0x1e4: {  	[sflag:s13] =	ssyncadd.s32 $0xFFFFF800  }
0x1e5: {  	_ =	swait.ge [sflag:s13], $0x800  }
0x1e6: {  	[sflag:s13] =	ssyncset.done $0x0  }
0x1e7: {  	[sflag:s13] =	ssyncadd.s32 $0xFFFFF800  }
0x1e8: {  	_ =	swait.ge [sflag:s13], $0x800  }
0x1e9: {  	[sflag:s13] =	ssyncset.done $0x0  }
0x1ea: {  	[sflag:s13] =	ssyncadd.s32 $0xFFFFF800  }
0x1eb: {  	_ =	swait.ge [sflag:s13], $0x800  }
0x1ec: {  	[sflag:s13] =	ssyncset.done $0x0  }
0x1ed: {  	[sflag:s13] =	ssyncadd.s32 $0xFFFFF800  }
0x1ee: {  	_ =	swait.ge [sflag:s13], $0x800  }
0x1ef: {  	[sflag:s13] =	ssyncset.done $0x0  }
0x1f0: {  	[sflag:s13] =	ssyncadd.s32 $0xFFFFF800  }
0x1f1: {  	_ =	swait.ge [sflag:s13], $0x800  }
0x1f2: {  	[sflag:s13] =	ssyncset.done $0x0  }
0x1f3: {  	[sflag:s13] =	ssyncadd.s32 $0xFFFFF800  }
0x1f4: {  	_ =	swait.ge [sflag:s13], $0x800  }
0x1f5: {  	[sflag:s13] =	ssyncset.done $0x0  }
0x1f6: {  	[sflag:s13] =	ssyncadd.s32 $0xFFFFF800  }
0x1f7: {  	_ =	swait.ge [sflag:s13], $0x800  }
0x1f8: {  	[sflag:s13] =	ssyncset.done $0x0  }
0x1f9: {  	[sflag:s13] =	ssyncadd.s32 $0xFFFFF800  }
0x1fa: {  	_ =	swait.ge [sflag:s13], $0x800  }
0x1fb: {  	[sflag:s13] =	ssyncset.done $0x0  }
0x1fc: {  	[sflag:s13] =	ssyncadd.s32 $0xFFFFF800  }
0x1fd: {  	_ =	swait.ge [sflag:s13], $0x800  }
0x1fe: {  	[sflag:s13] =	ssyncset.done $0x0  }
0x1ff: {  	[sflag:s13] =	ssyncadd.s32 $0xFFFFF800  }
0x200: {  	_ =	swait.ge [sflag:s13], $0x800  }
0x201: {  	[sflag:s13] =	ssyncset.done $0x0  }
0x202: {  	[sflag:s13] =	ssyncadd.s32 $0xFFFFF800  }
0x203: {  	_ =	swait.ge [sflag:s13], $0x800  }
0x204: {  	[sflag:s13] =	ssyncset.done $0x0  }
0x205: {  	[sflag:s13] =	ssyncadd.s32 $0xFFFFF800  }
0x206: {  	_ =	swait.ge [sflag:s13], $0x800  }
0x207: {  	[sflag:s13] =	ssyncset.done $0x0  }
0x208: {  	[sflag:s13] =	ssyncadd.s32 $0xFFFFF800  }
0x209: {  	_ =	swait.ge [sflag:s13], $0x800  }
0x20a: {  	[sflag:s13] =	ssyncset.done $0x0  }
0x20b: {  	[sflag:s13] =	ssyncadd.s32 $0xFFFFF800  }
0x20c: {  	_ =	swait.ge [sflag:s13], $0x800  }
0x20d: {  	[sflag:s13] =	ssyncset.done $0x0  }
0x20e: {  	[sflag:s13] =	ssyncadd.s32 $0xFFFFF800  }
0x20f: {  	_ =	swait.ge [sflag:s13], $0x800  }
0x210: {  	[sflag:s13] =	ssyncset.done $0x0  }
0x211: {  	[sflag:s13] =	ssyncadd.s32 $0xFFFFF800  }
0x212: {  	_ =	swait.ge [sflag:s13], $0x800  }
0x213: {  	[sflag:s13] =	ssyncset.done $0x0  }
0x214: {  	[sflag:s13] =	ssyncadd.s32 $0xFFFFF800  }
0x215: {  	v19 =	vand.u32 $0x7F, v21;
	_ =	swait.ge [sflag:s13], $0x800  }
0x216: {  	v18 =	vand.u32 $0x7F, v20;
	v20 =	vor.u32 v3, v19;
	[sflag:s13] =	ssyncset.done $0x0  }
0x217: {  	v55 =	vor.u32 v1, v18;
	[sflag:s13] =	ssyncadd.s32 $0xFFFFF800  }
0x218: {  	v22 =	vor.u32 v2, v19;
	_ =	swait.ge [sflag:s13], $0x800  }
0x219: {  	v24 =	vor.u32 v1, v19;
	[sflag:s13] =	ssyncset.done $0x0  }
0x21a: {  	v23 =	vor.u32 v2, v18;
	[sflag:s13] =	ssyncadd.s32 $0xFFFFF800  }
0x21b: {  	v25 =	vor.u32 v3, v18;
	v20 =	vld.idx.msk [tilespmem:v20+s1+$0x0], $0xffff  }
0x21c: {  	v26 =	vor.u32 v4, v19;
	v21 =	vld.idx.msk [tilespmem:v55+s12+$0x0], $0xffff  }
0x21d: {  	v27 =	vor.u32 v4, v18;
	v22 =	vld.idx.msk [tilespmem:v22+s1+$0x0], $0xffff  }
0x21e: {  	v28 =	vor.u32 v5, v19;
	v24 =	vld.idx.msk [tilespmem:v24+s1+$0x0], $0xffff  }
0x21f: {  	v29 =	vor.u32 v5, v18;
	v23 =	vld.idx.msk [tilespmem:v23+s12+$0x0], $0xffff  }
0x220: {  	v30 =	vor.u32 v6, v19;
	v25 =	vld.idx.msk [tilespmem:v25+s12+$0x0], $0xffff  }
0x221: {  	v31 =	vor.u32 v6, v18;
	v26 =	vld.idx.msk [tilespmem:v26+s1+$0x0], $0xffff  }
0x222: {  	v32 =	vor.u32 v7, v19;
	v27 =	vld.idx.msk [tilespmem:v27+s12+$0x0], $0xffff  }
0x223: {  	v33 =	vor.u32 v7, v18;
	v28 =	vld.idx.msk [tilespmem:v28+s1+$0x0], $0xffff;
	v21 =	vmul.f32 v21, v24  }
0x224: {  	v57 =	vor.u32 v8, v19;
	v56 =	vld.idx.msk [tilespmem:v29+s12+$0x0], $0xffff  }
0x225: {  	v59 =	vor.u32 v8, v18;
	v58 =	vld.idx.msk [tilespmem:v30+s1+$0x0], $0xffff;
	v22 =	vmul.f32 v23, v22;
	v21 =	vadd.f32 $0.0e+00, v21  }
0x226: {  	v34 =	vor.u32 v11, v18;
	v31 =	vld.idx.msk [tilespmem:v31+s12+$0x0], $0xffff  }
0x227: {  	v35 =	vor.u32 v11, v19;
	v32 =	vld.idx.msk [tilespmem:v32+s1+$0x0], $0xffff;
	v20 =	vmul.f32 v25, v20;
	v21 =	vadd.f32 v22, v21  }
0x228: {  	v61 =	vor.u32 v9, v19;
	v60 =	vld.idx.msk [tilespmem:v33+s12+$0x0], $0xffff  }
0x229: {  	v37 =	vor.u32 v10, v19;
	v62 =	vld.idx.msk [tilespmem:v57+s1+$0x0], $0xffff;
	v26 =	vmul.f32 v27, v26;
	v20 =	vadd.f32 v20, v21  }
0x22a: {  	v39 =	vor.u32 v10, v18;
	v36 =	vld.idx.msk [tilespmem:v59+s12+$0x0], $0xffff  }
0x22b: {  	v63 =	vor.u32 v9, v18;
	v38 =	vld.idx.msk [tilespmem:v34+s12+$0x0], $0xffff;
	v23 =	vmul.f32 v56, v28;
	v20 =	vadd.f32 v26, v20  }
0x22c: {  	v41 =	vor.u32 v12, v19;
	v40 =	vld.idx.msk [tilespmem:v35+s1+$0x0], $0xffff  }
0x22d: {  	v43 =	vor.u32 v12, v18;
	v42 =	vld.idx.msk [tilespmem:v61+s1+$0x0], $0xffff;
	v24 =	vmul.f32 v31, v58;
	v20 =	vadd.f32 v23, v20  }
0x22e: {  	v44 =	vor.u32 v13, v18;
	v45 =	vld.idx.msk [tilespmem:v37+s1+$0x0], $0xffff  }
0x22f: {  	v46 =	vor.u32 v13, v19;
	v47 =	vld.idx.msk [tilespmem:v39+s12+$0x0], $0xffff;
	v27 =	vmul.f32 v60, v32;
	v20 =	vadd.f32 v24, v20  }
0x230: {  	v50 =	vor.u32 v14, v18;
	v25 =	vld.idx.msk [tilespmem:v63+s12+$0x0], $0xffff  }
0x231: {  	v52 =	vor.u32 v15, v19;
	v49 =	vld.idx.msk [tilespmem:v41+s1+$0x0], $0xffff;
	v22 =	vmul.f32 v36, v62;
	v20 =	vadd.f32 v27, v20  }
0x232: {  	v48 =	vor.u32 v14, v19;
	v19 =	vor.u32 v16, v19;
	v51 =	vld.idx.msk [tilespmem:v43+s12+$0x0], $0xffff  }
0x233: {  	v53 =	vld.idx.msk [tilespmem:v44+s12+$0x0], $0xffff;
	v21 =	vmul.f32 v38, v40;
	v20 =	vadd.f32 v22, v20  }
0x234: {  	v54 =	vor.u32 v15, v18;
	v18 =	vor.u32 v16, v18;
	s30 =	sld [smem:$0x7EF];
	v55 =	vld.idx.msk [tilespmem:v46+s1+$0x0], $0xffff  }
0x235: {  	v57 =	vld.idx.msk [tilespmem:v50+s12+$0x0], $0xffff;
	v25 =	vmul.f32 v25, v42;
	v20 =	vadd.f32 v21, v20  }
0x236: {  	v59 =	vld.idx.msk [tilespmem:v52+s1+$0x0], $0xffff  }
0x237: {  	v19 =	vld.idx.msk [tilespmem:v19+s1+$0x0], $0xffff;
	v58 =	vor.u32 s30, v0;
	v23 =	vmul.f32 v47, v45;
	v20 =	vadd.f32 v25, v20  }
0x238: {  	v56 =	vld.idx.msk [tilespmem:v48+s1+$0x0], $0xffff  }
0x239: {  	v18 =	vld.idx.msk [tilespmem:v18+s12+$0x0], $0xffff;
	v24 =	vmul.f32 v51, v49;
	v20 =	vadd.f32 v23, v20  }
0x23a: {  	v60 =	vld.idx.msk [tilespmem:v54+s12+$0x0], $0xffff  }
0x23b: {  	s6 =	simm.s32 $0x10400;
	v61 =	vmul.f32 v53, v55;
	v20 =	vadd.f32 v24, v20  }
0x23c: {  	v62 =	vld.idx.msk [tilespmem:v58+s6+$0x0], $0xffff  }
0x23d: {  	s7 =	simm.s32 $0x10600;
	v22 =	vmul.f32 v57, v56;
	v20 =	vadd.f32 v61, v20  }
0x23e: {  	v63 =	vld.idx.msk [tilespmem:v58+s7+$0x0], $0xffff  }
0x23f: {  	v18 =	vmul.f32 v18, v19;
	v21 =	vmul.f32 v60, v59;
	v19 =	vadd.f32 v22, v20  }
0x240: {  	p1 =	sne.s32 s21, $0x1F0  }
.Ltmp0:
0x241: {  	v20 =	vadd.f32 v62, v17;
	v19 =	vadd.f32 v21, v19;
	(pc) =	sbr.rel @p1 .LBB2_2-.Ltmp0, $3  }
0x242: {  	_ = 	snop  }
0x243: {  	v18 =	vadd.f32 v18, v19;
	v19 =	vadd.f32 v63, v20;
	_ =	sdelay $0x1  }
0x244: {  	s21 =	sadd.s32 $0x10, s21;
	v18 =	vadd.f32 v19, v18  }
0x245: {  	_ = 	snop  }
0x246: {  	v17 =	vsub.f32 $0.0e+00, v18;
	_ =	sdelay $0x1  }
0x247: {  	v17 =	vmul.f32 $1.442695020e+00, v17;
	_ =	sdelay $0x1  }
0x248: {  	(erf) = vpow2.f32 v17;
	_ =	sdelay $0x8  }
0x249: {  	v17 =	vpop (erf)  }
0x24a: {  	v17 =	vadd.f32 $1.000000000e+00, v17;
	_ =	sdelay $0x1  }
0x24b: {  	(erf) = vrcp.f32 v17;
	_ =	sdelay $0x7  }
0x24c: {  	s29 =	sld [smem:$0x7F4]  }
0x24d: {  	v17 =	vpop (erf)  }
0x24e: {  	s10 =	simm.s32 $0x0;
	s2 =	simm.s32 $0x10880;
	[tilespmem:s0+$0x0] =	vst v17  }
0x24f: {  	[hbm4b:s29+s10] =	stream.linear.scatter [tilespmem:s2], [sflag:$0x3], $0x200, $0x38;
	[tilespmem:$0x1FEA8] =	vst v63  }
0x250: {  	s2 =	simm.s32 $0x3  }
0x251: {  	_ =	swait.ge [sflag:s2], $0x200  }
0x252: {  	s3 =	sld [smem:$0x7F0]  }
0x253: {  	s30 =	sld [smem:$0x7F5];
	_ =	sdelay $0x1  }
0x254: {  	s3 =	sadd.s32 $0x1, s3  }
0x255: {  	p1 =	sne.s32 s3, s30  }
.Ltmp1:
0x256: {  	_ = 	snop;
	(pc) =	sbr.rel @p1 .LBB2_1-.Ltmp1, $3  }
0x257: {  	_ =	sdelay $0x1  }
0x258: {  	[sflag:s2] =	ssyncset.done $0x0  }
0x259: {  	s9 =	simm.s32 $0x8400;
	[sflag:s2] =	ssyncadd.s32 $0xFFFFFE00  }
0x25a: {  	_ =	sfence.sel $0x180000  }
0x25b: {  	[bflag:$0x0] =	sbarrier.arrive $0xFFFF  }
0x25c: {  	_ =	strace $0x90000047  }
0x25d: {  	[bflag:$0x2] =	sbarrier.arrive $0xFFFF  }
0x25e: {  	s0 =	rddreg [dreg:$0x8]  }
0x25f: {  	s0 =	sadd.s32 @!p0 $0x100000, s0  }
0x260: {  	[sflag:s0] =	ssyncadd.tile.s32 @!p0 $0x1;
	_ =	shalt  }
.Lfunc_end2:
_tile_overlayer_lowered:
.L_overlay_start_2:
0x261: {  	(tag) =	ssettag $0x2  }
0x262: {  	s0 =	rddreg [dreg:$0x0];
	s2 =	stileid.u32  }
0x263: {  	s1 =	rddreg [dreg:$0x1];
	p0 =	sne.s32 s2, $0x0  }
0x264: {  	s3 =	rddreg [dreg:$0x2];
	[bflag:$0x3] =	sbarrier.arrive $0xFFFF;
	s2 =	simm.s32 @!p0 $0x1C03  }
0x265: {  	[timem:s3], [sflag:s2] =	dma.local @!p0 [hbm:s0], s1  }
0x266: {  	s0 =	simm.s32 @!p0 $0x3  }
0x267: {  	_ =	swait.ge @!p0 [sflag:s0], s1  }
0x268: {  	s1 =	ssub.s32 @!p0 $0x0, s1;
	[sflag:s0] =	ssyncset.done @!p0 $0x0  }
0x269: {  	[sflag:s0] =	ssyncadd.s32 @!p0 s1  }
0x26a: {  	[bflag:$0x3] =	sbarrier.arrive $0xFFFF  }
0x26b: {  	_ =	shalt  }

</sc_bundles>
